<compile_context>
chip_gen: v7x
topology: tpu7x:2x2x1
jax: 0.10.2.dev20260603
libtpu: 0.0.44.dev20260713+nightly
codegen_flags: <defaults>
</compile_context>

<pallas_src>
import functools

import jax
import jax.numpy as jnp
from jax import lax
from jax.experimental import pallas as pl
from jax.experimental.pallas import tpu as pltpu
from jax.experimental.pallas import tpu_sc as plsc

_NW = 32
_CHUNK = 128
_NBUF = 6
_LOOKAHEAD = 3


def _topk3_body(x_ref, vals_ref, idx_ref):
    x = x_ref[...]
    r, c = x.shape
    cols = lax.broadcasted_iota(jnp.int32, (r, c), 1)
    neg_inf = jnp.float32(-jnp.inf)
    big = jnp.int32(c)

    m1 = jnp.max(x, axis=1, keepdims=True)
    s = jnp.sum(jnp.exp(x - m1), axis=1, keepdims=True)
    a1 = jnp.min(jnp.where(x == m1, cols, big), axis=1, keepdims=True)
    x2 = jnp.where(cols == a1, neg_inf, x)
    m2 = jnp.max(x2, axis=1, keepdims=True)
    a2 = jnp.min(jnp.where(x2 == m2, cols, big), axis=1, keepdims=True)
    x3 = jnp.where(cols == a2, neg_inf, x2)
    m3 = jnp.max(x3, axis=1, keepdims=True)
    a3 = jnp.min(jnp.where(x3 == m3, cols, big), axis=1, keepdims=True)

    inv_s = 1.0 / s
    vals_ref[0, :, 0:1] = inv_s
    vals_ref[0, :, 1:2] = jnp.exp(m2 - m1) * inv_s
    vals_ref[0, :, 2:3] = jnp.exp(m3 - m1) * inv_s
    idx_ref[0, :, 0:1] = a1
    idx_ref[0, :, 1:2] = a2
    idx_ref[0, :, 2:3] = a3


def _topk3_softmax(adj, row_block, row0=0, nrows=None):
    n, c = adj.shape
    n = nrows if nrows is not None else n
    g = n // row_block
    b0 = row0 // row_block
    vals, idx = pl.pallas_call(
        _topk3_body,
        grid=(g,),
        in_specs=[pl.BlockSpec((row_block, c), lambda i, b0=b0: (b0 + i, 0))],
        out_specs=[
            pl.BlockSpec((1, row_block, 3), lambda i: (i, 0, 0)),
            pl.BlockSpec((1, row_block, 3), lambda i: (i, 0, 0)),
        ],
        out_shape=[
            jax.ShapeDtypeStruct((g, row_block, 3), jnp.float32),
            jax.ShapeDtypeStruct((g, row_block, 3), jnp.int32),
        ],
    )(adj)
    return vals.reshape(n, 3), idx.reshape(n, 3)


def _mm_body(x_ref, w_ref, b_ref, o_ref):
    o_ref[...] = (
        jnp.dot(x_ref[...], w_ref[...], preferred_element_type=jnp.float32)
        + b_ref[...]
    )


def _pick_row_block(n, cap=2048):
    for b in range(min(n, cap), 0, -8):
        if n % b == 0 and b % 8 == 0:
            return b
    return n


def _node_hidden(x, w, b):
    n, k = x.shape
    m = w.shape[1]
    row_block = _pick_row_block(n)
    g = n // row_block
    return pl.pallas_call(
        _mm_body,
        grid=(g,),
        in_specs=[
            pl.BlockSpec((row_block, k), lambda i: (i, 0)),
            pl.BlockSpec((k, m), lambda i: (0, 0)),
            pl.BlockSpec((1, m), lambda i: (0, 0)),
        ],
        out_specs=pl.BlockSpec((row_block, m), lambda i: (i, 0)),
        out_shape=jax.ShapeDtypeStruct((n, m), jnp.float32),
    )(x, w, b.reshape(1, m))


def _sc_gather_rows(table, idx3, splits):
    v, d = table.shape
    n_chunks = sum(splits)
    assert idx3.shape[1] == n_chunks
    seg_of = []
    off_in_seg = []
    for si, nch in enumerate(splits):
        seg_of += [si] * nch
        off_in_seg += list(range(nch))
    mesh = plsc.VectorSubcoreMesh(core_axis_name="c", subcore_axis_name="s")

    @functools.partial(
        pl.kernel,
        mesh=mesh,
        out_type=[jax.ShapeDtypeStruct((_NW * nch * _CHUNK, d), jnp.float32)
                  for nch in splits],
        scratch_types=[
            pltpu.VMEM((n_chunks, _CHUNK), jnp.int32),
            pltpu.VMEM((_NBUF, _CHUNK, d), jnp.float32),
            pltpu.SemaphoreType.DMA((_NBUF,)),
            pltpu.SemaphoreType.DMA((_NBUF,)),
        ],
    )
    def gather_kernel(table_hbm, idx_hbm, *rest):
        outs = rest[:len(splits)]
        idx_v, rows_v, gsem, wsem = rest[len(splits):]
        wid = lax.axis_index("s") * 2 + lax.axis_index("c")
        pltpu.sync_copy(idx_hbm.at[wid], idx_v)

        def start_gather(ci):
            nb = ci % _NBUF
            return pltpu.async_copy(
                table_hbm.at[idx_v.at[ci]], rows_v.at[nb], gsem.at[nb])

        def start_write(ci):
            nb = ci % _NBUF
            si = seg_of[ci]
            base = (wid * splits[si] + off_in_seg[ci]) * _CHUNK
            return pltpu.async_copy(
                rows_v.at[nb], outs[si].at[pl.ds(base, _CHUNK)], wsem.at[nb])

        g_h = [None] * n_chunks
        w_h = [None] * n_chunks
        for ci in range(min(_LOOKAHEAD, n_chunks)):
            g_h[ci] = start_gather(ci)
        for ci in range(n_chunks):
            g_h[ci].wait()
            w_h[ci] = start_write(ci)
            nxt = ci + _LOOKAHEAD
            if nxt < n_chunks:
                prev = nxt - _NBUF
                if prev >= 0:
                    w_h[prev].wait()
                g_h[nxt] = start_gather(nxt)
        for ci in range(max(0, n_chunks - _NBUF), n_chunks):
            w_h[ci].wait()

    return gather_kernel(table, idx3)


def _edge_weight_body(src_ref, gath_ref, vals_ref, w2_ref, b2_ref, o_ref):
    src = src_ref[...]
    r, d = src.shape
    src_rep = jnp.broadcast_to(src[:, None, :], (r, 3, d)).reshape(3 * r, d)
    h = jnp.maximum(src_rep + gath_ref[...], 0.0)
    z = lax.dot_general(
        w2_ref[...], h, (((1,), (1,)), ((), ())),
        precision=lax.Precision.HIGHEST,
        preferred_element_type=jnp.float32) + b2_ref[0, 0]
    o_ref[0] = vals_ref[0] / (1.0 + jnp.exp(-z))


def _edge_weights(src_h, gath, gath_row0, vals_flat, w2, b2, src_block,
                  src_row0=0, nsrc=None):
    d = src_h.shape[1]
    n = nsrc if nsrc is not None else src_h.shape[0]
    e = 3 * n
    edge_block = 3 * src_block
    g = n // src_block
    row0 = gath_row0 // edge_block
    s0 = src_row0 // src_block
    out = pl.pallas_call(
        _edge_weight_body,
        grid=(g,),
        in_specs=[
            pl.BlockSpec((src_block, d), lambda i, s0=s0: (s0 + i, 0)),
            pl.BlockSpec((edge_block, d), lambda i, r0=row0: (r0 + i, 0)),
            pl.BlockSpec((1, 1, edge_block), lambda i: (i, 0, 0)),
            pl.BlockSpec((1, d), lambda i: (0, 0)),
            pl.BlockSpec((1, 1), lambda i: (0, 0)),
        ],
        out_specs=pl.BlockSpec((1, 1, edge_block), lambda i: (i, 0, 0)),
        out_shape=jax.ShapeDtypeStruct((g, 1, edge_block), jnp.float32),
    )(src_h, gath, vals_flat.reshape(g, 1, edge_block),
      w2.reshape(1, d), b2.reshape(1, 1))
    return out.reshape(e)


def kernel(wave, transition, target, adj_wt, adj_tt, wtp_w1, wtp_b1, wtp_w2,
           wtp_b2, ttp_w1, ttp_b1, ttp_w2, ttp_b2):
    d = wave.shape[-1]
    n_wt, n_tt = adj_wt.shape[0], adj_tt.shape[0]
    e_wt, e_tt = n_wt * 3, n_tt * 3

    zero_b = jnp.zeros_like(wtp_b1)
    trans_tgt_h = _node_hidden(transition[0], wtp_w1[d:], zero_b)
    target_tgt_h = _node_hidden(target[0], ttp_w1[d:], zero_b)
    table = jnp.concatenate([trans_tgt_h, target_tgt_h], axis=0)

    wt_vals, wt_idx = _topk3_softmax(adj_wt, 1000)
    tt_vals, tt_idx = _topk3_softmax(adj_tt, 512)

    grain = _NW * _CHUNK
    wt_pad = -(-e_wt // grain) * grain
    tt_pad = -(-e_tt // grain) * grain
    wt_flat = wt_idx.reshape(-1)
    tt_flat = tt_idx.reshape(-1)
    nch_wt = wt_pad // grain
    nch_tt = tt_pad // grain
    idx_wt = jnp.zeros((wt_pad,), jnp.int32).at[:e_wt].set(wt_flat)
    idx_tt = jnp.zeros((tt_pad,), jnp.int32).at[:e_tt].set(
        tt_flat + trans_tgt_h.shape[0])
    idx3 = jnp.concatenate([
        idx_wt.reshape(_NW, nch_wt, _CHUNK),
        idx_tt.reshape(_NW, nch_tt, _CHUNK)], axis=1)
    gath_wt, gath_tt = _sc_gather_rows(table, idx3, [nch_wt, nch_tt])

    wave_h = _node_hidden(wave[0], wtp_w1[:d], wtp_b1)
    trans_src_h = _node_hidden(transition[0], ttp_w1[:d], ttp_b1)

    wt_w = _edge_weights(wave_h, gath_wt, 0, wt_vals.reshape(-1),
                         wtp_w2, wtp_b2, 400)
    tt_w = _edge_weights(trans_src_h, gath_tt, 0, tt_vals.reshape(-1),
                         ttp_w2, ttp_b2, 256)
    wt_src = jnp.repeat(jnp.arange(n_wt, dtype=jnp.int32), 3)
    tt_src = jnp.repeat(jnp.arange(n_tt, dtype=jnp.int32), 3)
    return (jnp.stack([wt_src, wt_flat]), wt_w,
            jnp.stack([tt_src, tt_flat]), tt_w)

# --- scband reference (transcript-rebuilt; emitter-appended) ---
"""Pipeline reference for scband-dynamic-graph-constructor-29944511988509 (READ-ONLY COPY).

The authoritative reference and input builder live on the scoring server;
editing this copy changes nothing except your own understanding.
"""

import jax, jax.numpy as jnp
import numpy as np

D = 128
NW = 20000
NT = 2048
NG = 2048


def setup_inputs(seed: int = 0) -> dict:
    key = jax.random.key(seed)
    ks = jax.random.split(key, 16)
    inp = {}
    inp["wave"] = jax.random.normal(ks[0], (1, NW, D), dtype=jnp.float32)
    inp["transition"] = jax.random.normal(ks[1], (1, NT, D), dtype=jnp.float32)
    inp["target"] = jax.random.normal(ks[2], (1, NG, D), dtype=jnp.float32)
    # learned parameters
    inp["adj_wt"] = jax.random.normal(ks[3], (NW, NT), dtype=jnp.float32) * 0.1
    inp["adj_tt"] = jax.random.normal(ks[4], (NT, NG), dtype=jnp.float32) * 0.1
    inp["wtp_w1"] = jax.random.normal(ks[5], (2 * D, D), dtype=jnp.float32) * 0.02
    inp["wtp_b1"] = jnp.zeros((D,), dtype=jnp.float32)
    inp["wtp_w2"] = jax.random.normal(ks[6], (D, 1), dtype=jnp.float32) * 0.02
    inp["wtp_b2"] = jnp.zeros((1,), dtype=jnp.float32)
    inp["ttp_w1"] = jax.random.normal(ks[7], (2 * D, D), dtype=jnp.float32) * 0.02
    inp["ttp_b1"] = jnp.zeros((D,), dtype=jnp.float32)
    inp["ttp_w2"] = jax.random.normal(ks[8], (D, 1), dtype=jnp.float32) * 0.02
    inp["ttp_b2"] = jnp.zeros((1,), dtype=jnp.float32)
    return inp


def _predict(feat, w1, b1, w2, b2):
    h = jax.nn.relu(feat @ w1 + b1)
    return jax.nn.sigmoid(h @ w2 + b2)


def _generate_edges(probs, src_feat, tgt_feat, w1, b1, w2, b2):
    # probs: [num_src, num_tgt] row-softmaxed adjacency
    k = min(3, probs.shape[1])
    top_k_values, top_k_indices = jax.lax.top_k(probs, k)
    num_src = probs.shape[0]
    src_idx = jnp.repeat(jnp.arange(num_src), k)
    tgt_idx = top_k_indices.reshape(-1)
    edge_index = jnp.stack([src_idx, tgt_idx])
    src_node_feat = src_feat[0]
    tgt_node_feat = tgt_feat[0]
    edge_feat = jnp.concatenate([src_node_feat[src_idx], tgt_node_feat[tgt_idx]], axis=-1)
    edge_weights = _predict(edge_feat, w1, b1, w2, b2).squeeze(-1)
    adj_weights = top_k_values.reshape(-1)
    return edge_index, edge_weights * adj_weights


def reference(wave, transition, target, adj_wt, adj_tt, wtp_w1, wtp_b1, wtp_w2, wtp_b2, ttp_w1, ttp_b1, ttp_w2, ttp_b2):
    # eval-mode path (training=False): plain softmax instead of gumbel softmax
    wave_to_trans_probs = jax.nn.softmax(adj_wt, axis=-1)
    trans_to_target_probs = jax.nn.softmax(adj_tt, axis=-1)
    wt_edges, wt_weights = _generate_edges(wave_to_trans_probs, wave, transition, wtp_w1, wtp_b1, wtp_w2, wtp_b2)
    tt_edges, tt_weights = _generate_edges(trans_to_target_probs, transition, target, ttp_w1, ttp_b1, ttp_w2, ttp_b2)
    return (wt_edges, wt_weights, tt_edges, tt_weights)

if __name__ == "__main__":
    import jax
    _d = setup_inputs()
    print(jax.jit(kernel)(*tuple(_d.values())))

</pallas_src>

<mosaic_0001>
#map = affine_map<(d0, d1) -> (0, 0)>
#map1 = affine_map<(d0, d1) -> (0, 0, 0)>
module attributes {stable_mosaic.version = 14 : i64} {
  func.func @gather_kernel(%arg0: i32, %arg1: i32, %arg2: memref<4096x128xf32, #tpu.memory_space<hbm>>, %arg3: memref<32x17x128xi32, #tpu.memory_space<hbm>>, %arg4: memref<61440x128xf32, #tpu.memory_space<hbm>>, %arg5: memref<8192x128xf32, #tpu.memory_space<hbm>>, %arg6: memref<17x128xi32, #tpu.memory_space<vmem>>, %arg7: memref<6x128x128xf32, #tpu.memory_space<vmem>>, %arg8: memref<6x!tpu.dma_semaphore, #tpu.memory_space<semaphore_mem>>, %arg9: memref<6x!tpu.dma_semaphore, #tpu.memory_space<semaphore_mem>>) attributes {dimension_semantics = [#tpu.dimension_semantics<core_parallel>, #tpu.dimension_semantics<subcore_parallel>], iteration_bounds = array<i64: 2, 16>, scalar_prefetch = 0 : i64, scratch_operands = 4 : i64, tpu.core_type = #tpu.core_type<sc_vector_subcore>, window_params = [{transform_indices = #map}, {transform_indices = #map1}, {transform_indices = #map}, {transform_indices = #map}]} {
    %mul3A = arith.constant 2 : i32
    %mul3A_0 = arith.muli %arg1, %mul3A : i32
    %add3A = arith.addi %mul3A_0, %arg0 : i32
    "tpu.region"() ({
      %run_scoped3A = tpu.sem_alloc : memref<!tpu.dma_semaphore, #tpu.memory_space<semaphore_mem>>
      %dma_start3A_1155 = arith.constant 0 : i32
      %dma_start3A_1156 = arith.constant 0 : i32
      %dma_start3A_1157 = tpu.memref_slice %arg3[%add3A, %dma_start3A_1155, %dma_start3A_1156] : memref<32x17x128xi32, #tpu.memory_space<hbm>> -> memref<1x17x128xi32, #tpu.memory_space<hbm>>
      %dma_start3A_1158 = tpu.memref_squeeze %dma_start3A_1157 : memref<1x17x128xi32, #tpu.memory_space<hbm>> -> memref<17x128xi32, #tpu.memory_space<hbm>>
      %dma_start3A_1159 = arith.constant 0 : i32
      %dma_start3A_1160 = arith.constant 0 : i32
      %dma_start3A_1161 = tpu.memref_slice %arg3[%add3A, %dma_start3A_1159, %dma_start3A_1160] : memref<32x17x128xi32, #tpu.memory_space<hbm>> -> memref<1x17x128xi32, #tpu.memory_space<hbm>>
      %dma_start3A_1162 = tpu.memref_squeeze %dma_start3A_1161 : memref<1x17x128xi32, #tpu.memory_space<hbm>> -> memref<17x128xi32, #tpu.memory_space<hbm>>
      tpu.enqueue_dma source(%dma_start3A_1162 : memref<17x128xi32, #tpu.memory_space<hbm>>) target(%arg6 : memref<17x128xi32, #tpu.memory_space<vmem>>) target_semaphore(%run_scoped3A : memref<!tpu.dma_semaphore, #tpu.memory_space<semaphore_mem>>)
      %dma_wait3A_1163 = arith.constant 0 : i32
      %dma_wait3A_1164 = arith.constant 0 : i32
      %dma_wait3A_1165 = tpu.memref_slice %arg3[%add3A, %dma_wait3A_1163, %dma_wait3A_1164] : memref<32x17x128xi32, #tpu.memory_space<hbm>> -> memref<1x17x128xi32, #tpu.memory_space<hbm>>
      %dma_wait3A_1166 = tpu.memref_squeeze %dma_wait3A_1165 : memref<1x17x128xi32, #tpu.memory_space<hbm>> -> memref<17x128xi32, #tpu.memory_space<hbm>>
      %dma_wait3A_1167 = arith.constant 0 : i32
      %dma_wait3A_1168 = arith.constant 0 : i32
      %dma_wait3A_1169 = tpu.memref_slice %arg3[%add3A, %dma_wait3A_1167, %dma_wait3A_1168] : memref<32x17x128xi32, #tpu.memory_space<hbm>> -> memref<1x17x128xi32, #tpu.memory_space<hbm>>
      %dma_wait3A_1170 = tpu.memref_squeeze %dma_wait3A_1169 : memref<1x17x128xi32, #tpu.memory_space<hbm>> -> memref<17x128xi32, #tpu.memory_space<hbm>>
      tpu.wait_dma2 semaphore(%run_scoped3A : memref<!tpu.dma_semaphore, #tpu.memory_space<semaphore_mem>>) src(%dma_wait3A_1170 : memref<17x128xi32, #tpu.memory_space<hbm>>) dst(%arg6 : memref<17x128xi32, #tpu.memory_space<vmem>>)
      tpu.yield
    }) : () -> ()
    %dma_start3A = arith.constant 0 : i32
    %dma_start3A_1 = arith.constant 0 : i32
    %dma_start3A_2 = arith.constant 0 : i32
    %dma_start3A_3 = arith.constant 0 : i32
    %dma_start3A_4 = arith.constant 0 : i32
    %dma_start3A_5 = tpu.memref_slice %arg7[%dma_start3A_1, %dma_start3A_3, %dma_start3A_4] : memref<6x128x128xf32, #tpu.memory_space<vmem>> -> memref<1x128x128xf32, #tpu.memory_space<vmem>>
    %dma_start3A_6 = tpu.memref_squeeze %dma_start3A_5 : memref<1x128x128xf32, #tpu.memory_space<vmem>> -> memref<128x128xf32, #tpu.memory_space<vmem>>
    %dma_start3A_7 = arith.constant 0 : i32
    %dma_start3A_8 = tpu.memref_slice %arg6[%dma_start3A, %dma_start3A_7] : memref<17x128xi32, #tpu.memory_space<vmem>> -> memref<1x128xi32, #tpu.memory_space<vmem>>
    %dma_start3A_9 = tpu.memref_squeeze %dma_start3A_8 : memref<1x128xi32, #tpu.memory_space<vmem>> -> memref<128xi32, #tpu.memory_space<vmem>>
    %dma_start3A_10 = arith.constant 0 : i32
    %dma_start3A_11 = arith.constant 0 : i32
    %dma_start3A_12 = tpu.memref_slice %arg2[%dma_start3A_10, %dma_start3A_11] : memref<4096x128xf32, #tpu.memory_space<hbm>> -> memref<4096x128xf32, #tpu.memory_space<hbm>>
    %dma_start3A_13 = tpu.memref_slice %arg8[%dma_start3A_2] : memref<6x!tpu.dma_semaphore, #tpu.memory_space<semaphore_mem>> -> memref<1x!tpu.dma_semaphore, #tpu.memory_space<semaphore_mem>>
    %dma_start3A_14 = tpu.memref_squeeze %dma_start3A_13 : memref<1x!tpu.dma_semaphore, #tpu.memory_space<semaphore_mem>> -> memref<!tpu.dma_semaphore, #tpu.memory_space<semaphore_mem>>
    tpu.enqueue_indirect_dma source(%dma_start3A_12 : memref<4096x128xf32, #tpu.memory_space<hbm>>) target(%dma_start3A_6 : memref<128x128xf32, #tpu.memory_space<vmem>>) offsets(%dma_start3A_9 : memref<128xi32, #tpu.memory_space<vmem>>) semaphore(%dma_start3A_14 : memref<!tpu.dma_semaphore, #tpu.memory_space<semaphore_mem>>)
    %dma_start3A_15 = arith.constant 1 : i32
    %dma_start3A_16 = arith.constant 1 : i32
    %dma_start3A_17 = arith.constant 1 : i32
    %dma_start3A_18 = arith.constant 0 : i32
    %dma_start3A_19 = arith.constant 0 : i32
    %dma_start3A_20 = tpu.memref_slice %arg7[%dma_start3A_16, %dma_start3A_18, %dma_start3A_19] : memref<6x128x128xf32, #tpu.memory_space<vmem>> -> memref<1x128x128xf32, #tpu.memory_space<vmem>>
    %dma_start3A_21 = tpu.memref_squeeze %dma_start3A_20 : memref<1x128x128xf32, #tpu.memory_space<vmem>> -> memref<128x128xf32, #tpu.memory_space<vmem>>
    %dma_start3A_22 = arith.constant 0 : i32
    %dma_start3A_23 = tpu.memref_slice %arg6[%dma_start3A_15, %dma_start3A_22] : memref<17x128xi32, #tpu.memory_space<vmem>> -> memref<1x128xi32, #tpu.memory_space<vmem>>
    %dma_start3A_24 = tpu.memref_squeeze %dma_start3A_23 : memref<1x128xi32, #tpu.memory_space<vmem>> -> memref<128xi32, #tpu.memory_space<vmem>>
    %dma_start3A_25 = arith.constant 0 : i32
    %dma_start3A_26 = arith.constant 0 : i32
    %dma_start3A_27 = tpu.memref_slice %arg2[%dma_start3A_25, %dma_start3A_26] : memref<4096x128xf32, #tpu.memory_space<hbm>> -> memref<4096x128xf32, #tpu.memory_space<hbm>>
    %dma_start3A_28 = tpu.memref_slice %arg8[%dma_start3A_17] : memref<6x!tpu.dma_semaphore, #tpu.memory_space<semaphore_mem>> -> memref<1x!tpu.dma_semaphore, #tpu.memory_space<semaphore_mem>>
    %dma_start3A_29 = tpu.memref_squeeze %dma_start3A_28 : memref<1x!tpu.dma_semaphore, #tpu.memory_space<semaphore_mem>> -> memref<!tpu.dma_semaphore, #tpu.memory_space<semaphore_mem>>
    tpu.enqueue_indirect_dma source(%dma_start3A_27 : memref<4096x128xf32, #tpu.memory_space<hbm>>) target(%dma_start3A_21 : memref<128x128xf32, #tpu.memory_space<vmem>>) offsets(%dma_start3A_24 : memref<128xi32, #tpu.memory_space<vmem>>) semaphore(%dma_start3A_29 : memref<!tpu.dma_semaphore, #tpu.memory_space<semaphore_mem>>)
    %dma_start3A_30 = arith.constant 2 : i32
    %dma_start3A_31 = arith.constant 2 : i32
    %dma_start3A_32 = arith.constant 2 : i32
    %dma_start3A_33 = arith.constant 0 : i32
    %dma_start3A_34 = arith.constant 0 : i32
    %dma_start3A_35 = tpu.memref_slice %arg7[%dma_start3A_31, %dma_start3A_33, %dma_start3A_34] : memref<6x128x128xf32, #tpu.memory_space<vmem>> -> memref<1x128x128xf32, #tpu.memory_space<vmem>>
    %dma_start3A_36 = tpu.memref_squeeze %dma_start3A_35 : memref<1x128x128xf32, #tpu.memory_space<vmem>> -> memref<128x128xf32, #tpu.memory_space<vmem>>
    %dma_start3A_37 = arith.constant 0 : i32
    %dma_start3A_38 = tpu.memref_slice %arg6[%dma_start3A_30, %dma_start3A_37] : memref<17x128xi32, #tpu.memory_space<vmem>> -> memref<1x128xi32, #tpu.memory_space<vmem>>
    %dma_start3A_39 = tpu.memref_squeeze %dma_start3A_38 : memref<1x128xi32, #tpu.memory_space<vmem>> -> memref<128xi32, #tpu.memory_space<vmem>>
    %dma_start3A_40 = arith.constant 0 : i32
    %dma_start3A_41 = arith.constant 0 : i32
    %dma_start3A_42 = tpu.memref_slice %arg2[%dma_start3A_40, %dma_start3A_41] : memref<4096x128xf32, #tpu.memory_space<hbm>> -> memref<4096x128xf32, #tpu.memory_space<hbm>>
    %dma_start3A_43 = tpu.memref_slice %arg8[%dma_start3A_32] : memref<6x!tpu.dma_semaphore, #tpu.memory_space<semaphore_mem>> -> memref<1x!tpu.dma_semaphore, #tpu.memory_space<semaphore_mem>>
    %dma_start3A_44 = tpu.memref_squeeze %dma_start3A_43 : memref<1x!tpu.dma_semaphore, #tpu.memory_space<semaphore_mem>> -> memref<!tpu.dma_semaphore, #tpu.memory_space<semaphore_mem>>
    tpu.enqueue_indirect_dma source(%dma_start3A_42 : memref<4096x128xf32, #tpu.memory_space<hbm>>) target(%dma_start3A_36 : memref<128x128xf32, #tpu.memory_space<vmem>>) offsets(%dma_start3A_39 : memref<128xi32, #tpu.memory_space<vmem>>) semaphore(%dma_start3A_44 : memref<!tpu.dma_semaphore, #tpu.memory_space<semaphore_mem>>)
    %dma_wait3A = arith.constant 0 : i32
    %dma_wait3A_45 = arith.constant 0 : i32
    %dma_wait3A_46 = arith.constant 0 : i32
    %dma_wait3A_47 = arith.constant 0 : i32
    %dma_wait3A_48 = arith.constant 0 : i32
    %dma_wait3A_49 = tpu.memref_slice %arg7[%dma_wait3A_45, %dma_wait3A_47, %dma_wait3A_48] : memref<6x128x128xf32, #tpu.memory_space<vmem>> -> memref<1x128x128xf32, #tpu.memory_space<vmem>>
    %dma_wait3A_50 = tpu.memref_squeeze %dma_wait3A_49 : memref<1x128x128xf32, #tpu.memory_space<vmem>> -> memref<128x128xf32, #tpu.memory_space<vmem>>
    %dma_wait3A_51 = arith.constant 0 : i32
    %dma_wait3A_52 = tpu.memref_slice %arg6[%dma_wait3A, %dma_wait3A_51] : memref<17x128xi32, #tpu.memory_space<vmem>> -> memref<1x128xi32, #tpu.memory_space<vmem>>
    %dma_wait3A_53 = tpu.memref_squeeze %dma_wait3A_52 : memref<1x128xi32, #tpu.memory_space<vmem>> -> memref<128xi32, #tpu.memory_space<vmem>>
    %dma_wait3A_54 = arith.constant 0 : i32
    %dma_wait3A_55 = arith.constant 0 : i32
    %dma_wait3A_56 = tpu.memref_slice %arg2[%dma_wait3A_54, %dma_wait3A_55] : memref<4096x128xf32, #tpu.memory_space<hbm>> -> memref<4096x128xf32, #tpu.memory_space<hbm>>
    %dma_wait3A_57 = tpu.memref_slice %arg8[%dma_wait3A_46] : memref<6x!tpu.dma_semaphore, #tpu.memory_space<semaphore_mem>> -> memref<1x!tpu.dma_semaphore, #tpu.memory_space<semaphore_mem>>
    %dma_wait3A_58 = tpu.memref_squeeze %dma_wait3A_57 : memref<1x!tpu.dma_semaphore, #tpu.memory_space<semaphore_mem>> -> memref<!tpu.dma_semaphore, #tpu.memory_space<semaphore_mem>>
    tpu.wait_indirect_dma semaphore(%dma_wait3A_58 : memref<!tpu.dma_semaphore, #tpu.memory_space<semaphore_mem>>) src(%dma_wait3A_56 : memref<4096x128xf32, #tpu.memory_space<hbm>>) dst(%dma_wait3A_50 : memref<128x128xf32, #tpu.memory_space<vmem>>)
    %mul3A_59 = arith.constant 15 : i32
    %mul3A_60 = arith.muli %add3A, %mul3A_59 : i32
    %add3A_61 = arith.constant 0 : i32
    %add3A_62 = arith.addi %mul3A_60, %add3A_61 : i32
    %mul3A_63 = arith.constant 128 : i32
    %mul3A_64 = arith.muli %add3A_62, %mul3A_63 : i32
    %dma_start3A_65 = arith.constant 0 : i32
    %dma_start3A_66 = arith.constant 0 : i32
    %dma_start3A_67 = arith.constant 0 : i32
    %dma_start3A_68 = arith.constant 0 : i32
    %dma_start3A_69 = tpu.memref_slice %arg7[%dma_start3A_65, %dma_start3A_67, %dma_start3A_68] : memref<6x128x128xf32, #tpu.memory_space<vmem>> -> memref<1x128x128xf32, #tpu.memory_space<vmem>>
    %dma_start3A_70 = tpu.memref_squeeze %dma_start3A_69 : memref<1x128x128xf32, #tpu.memory_space<vmem>> -> memref<128x128xf32, #tpu.memory_space<vmem>>
    %dma_start3A_71 = arith.constant 0 : i32
    %dma_start3A_72 = tpu.memref_slice %arg4[%mul3A_64, %dma_start3A_71] : memref<61440x128xf32, #tpu.memory_space<hbm>> -> memref<128x128xf32, #tpu.memory_space<hbm>>
    %dma_start3A_73 = tpu.memref_slice %arg9[%dma_start3A_66] : memref<6x!tpu.dma_semaphore, #tpu.memory_space<semaphore_mem>> -> memref<1x!tpu.dma_semaphore, #tpu.memory_space<semaphore_mem>>
    %dma_start3A_74 = tpu.memref_squeeze %dma_start3A_73 : memref<1x!tpu.dma_semaphore, #tpu.memory_space<semaphore_mem>> -> memref<!tpu.dma_semaphore, #tpu.memory_space<semaphore_mem>>
    %dma_start3A_75 = arith.constant 0 : i32
    %dma_start3A_76 = tpu.memref_slice %arg4[%mul3A_64, %dma_start3A_75] : memref<61440x128xf32, #tpu.memory_space<hbm>> -> memref<128x128xf32, #tpu.memory_space<hbm>>
    %dma_start3A_77 = arith.constant 0 : i32
    %dma_start3A_78 = arith.constant 0 : i32
    %dma_start3A_79 = tpu.memref_slice %arg7[%dma_start3A_65, %dma_start3A_77, %dma_start3A_78] : memref<6x128x128xf32, #tpu.memory_space<vmem>> -> memref<1x128x128xf32, #tpu.memory_space<vmem>>
    %dma_start3A_80 = tpu.memref_squeeze %dma_start3A_79 : memref<1x128x128xf32, #tpu.memory_space<vmem>> -> memref<128x128xf32, #tpu.memory_space<vmem>>
    tpu.enqueue_dma source(%dma_start3A_80 : memref<128x128xf32, #tpu.memory_space<vmem>>) target(%dma_start3A_76 : memref<128x128xf32, #tpu.memory_space<hbm>>) target_semaphore(%dma_start3A_74 : memref<!tpu.dma_semaphore, #tpu.memory_space<semaphore_mem>>)
    %dma_start3A_81 = arith.constant 3 : i32
    %dma_start3A_82 = arith.constant 3 : i32
    %dma_start3A_83 = arith.constant 3 : i32
    %dma_start3A_84 = arith.constant 0 : i32
    %dma_start3A_85 = arith.constant 0 : i32
    %dma_start3A_86 = tpu.memref_slice %arg7[%dma_start3A_82, %dma_start3A_84, %dma_start3A_85] : memref<6x128x128xf32, #tpu.memory_space<vmem>> -> memref<1x128x128xf32, #tpu.memory_space<vmem>>
    %dma_start3A_87 = tpu.memref_squeeze %dma_start3A_86 : memref<1x128x128xf32, #tpu.memory_space<vmem>> -> memref<128x128xf32, #tpu.memory_space<vmem>>
    %dma_start3A_88 = arith.constant 0 : i32
    %dma_start3A_89 = tpu.memref_slice %arg6[%dma_start3A_81, %dma_start3A_88] : memref<17x128xi32, #tpu.memory_space<vmem>> -> memref<1x128xi32, #tpu.memory_space<vmem>>
    %dma_start3A_90 = tpu.memref_squeeze %dma_start3A_89 : memref<1x128xi32, #tpu.memory_space<vmem>> -> memref<128xi32, #tpu.memory_space<vmem>>
    %dma_start3A_91 = arith.constant 0 : i32
    %dma_start3A_92 = arith.constant 0 : i32
    %dma_start3A_93 = tpu.memref_slice %arg2[%dma_start3A_91, %dma_start3A_92] : memref<4096x128xf32, #tpu.memory_space<hbm>> -> memref<4096x128xf32, #tpu.memory_space<hbm>>
    %dma_start3A_94 = tpu.memref_slice %arg8[%dma_start3A_83] : memref<6x!tpu.dma_semaphore, #tpu.memory_space<semaphore_mem>> -> memref<1x!tpu.dma_semaphore, #tpu.memory_space<semaphore_mem>>
    %dma_start3A_95 = tpu.memref_squeeze %dma_start3A_94 : memref<1x!tpu.dma_semaphore, #tpu.memory_space<semaphore_mem>> -> memref<!tpu.dma_semaphore, #tpu.memory_space<semaphore_mem>>
    tpu.enqueue_indirect_dma source(%dma_start3A_93 : memref<4096x128xf32, #tpu.memory_space<hbm>>) target(%dma_start3A_87 : memref<128x128xf32, #tpu.memory_space<vmem>>) offsets(%dma_start3A_90 : memref<128xi32, #tpu.memory_space<vmem>>) semaphore(%dma_start3A_95 : memref<!tpu.dma_semaphore, #tpu.memory_space<semaphore_mem>>)
    %dma_wait3A_96 = arith.constant 1 : i32
    %dma_wait3A_97 = arith.constant 1 : i32
    %dma_wait3A_98 = arith.constant 1 : i32
    %dma_wait3A_99 = arith.constant 0 : i32
    %dma_wait3A_100 = arith.constant 0 : i32
    %dma_wait3A_101 = tpu.memref_slice %arg7[%dma_wait3A_97, %dma_wait3A_99, %dma_wait3A_100] : memref<6x128x128xf32, #tpu.memory_space<vmem>> -> memref<1x128x128xf32, #tpu.memory_space<vmem>>
    %dma_wait3A_102 = tpu.memref_squeeze %dma_wait3A_101 : memref<1x128x128xf32, #tpu.memory_space<vmem>> -> memref<128x128xf32, #tpu.memory_space<vmem>>
    %dma_wait3A_103 = arith.constant 0 : i32
    %dma_wait3A_104 = tpu.memref_slice %arg6[%dma_wait3A_96, %dma_wait3A_103] : memref<17x128xi32, #tpu.memory_space<vmem>> -> memref<1x128xi32, #tpu.memory_space<vmem>>
    %dma_wait3A_105 = tpu.memref_squeeze %dma_wait3A_104 : memref<1x128xi32, #tpu.memory_space<vmem>> -> memref<128xi32, #tpu.memory_space<vmem>>
    %dma_wait3A_106 = arith.constant 0 : i32
    %dma_wait3A_107 = arith.constant 0 : i32
    %dma_wait3A_108 = tpu.memref_slice %arg2[%dma_wait3A_106, %dma_wait3A_107] : memref<4096x128xf32, #tpu.memory_space<hbm>> -> memref<4096x128xf32, #tpu.memory_space<hbm>>
    %dma_wait3A_109 = tpu.memref_slice %arg8[%dma_wait3A_98] : memref<6x!tpu.dma_semaphore, #tpu.memory_space<semaphore_mem>> -> memref<1x!tpu.dma_semaphore, #tpu.memory_space<semaphore_mem>>
    %dma_wait3A_110 = tpu.memref_squeeze %dma_wait3A_109 : memref<1x!tpu.dma_semaphore, #tpu.memory_space<semaphore_mem>> -> memref<!tpu.dma_semaphore, #tpu.memory_space<semaphore_mem>>
    tpu.wait_indirect_dma semaphore(%dma_wait3A_110 : memref<!tpu.dma_semaphore, #tpu.memory_space<semaphore_mem>>) src(%dma_wait3A_108 : memref<4096x128xf32, #tpu.memory_space<hbm>>) dst(%dma_wait3A_102 : memref<128x128xf32, #tpu.memory_space<vmem>>)
    %mul3A_111 = arith.constant 15 : i32
    %mul3A_112 = arith.muli %add3A, %mul3A_111 : i32
    %add3A_113 = arith.constant 1 : i32
    %add3A_114 = arith.addi %mul3A_112, %add3A_113 : i32
    %mul3A_115 = arith.constant 128 : i32
    %mul3A_116 = arith.muli %add3A_114, %mul3A_115 : i32
    %dma_start3A_117 = arith.constant 1 : i32
    %dma_start3A_118 = arith.constant 1 : i32
    %dma_start3A_119 = arith.constant 0 : i32
    %dma_start3A_120 = arith.constant 0 : i32
    %dma_start3A_121 = tpu.memref_slice %arg7[%dma_start3A_117, %dma_start3A_119, %dma_start3A_120] : memref<6x128x128xf32, #tpu.memory_space<vmem>> -> memref<1x128x128xf32, #tpu.memory_space<vmem>>
    %dma_start3A_122 = tpu.memref_squeeze %dma_start3A_121 : memref<1x128x128xf32, #tpu.memory_space<vmem>> -> memref<128x128xf32, #tpu.memory_space<vmem>>
    %dma_start3A_123 = arith.constant 0 : i32
    %dma_start3A_124 = tpu.memref_slice %arg4[%mul3A_116, %dma_start3A_123] : memref<61440x128xf32, #tpu.memory_space<hbm>> -> memref<128x128xf32, #tpu.memory_space<hbm>>
    %dma_start3A_125 = tpu.memref_slice %arg9[%dma_start3A_118] : memref<6x!tpu.dma_semaphore, #tpu.memory_space<semaphore_mem>> -> memref<1x!tpu.dma_semaphore, #tpu.memory_space<semaphore_mem>>
    %dma_start3A_126 = tpu.memref_squeeze %dma_start3A_125 : memref<1x!tpu.dma_semaphore, #tpu.memory_space<semaphore_mem>> -> memref<!tpu.dma_semaphore, #tpu.memory_space<semaphore_mem>>
    %dma_start3A_127 = arith.constant 0 : i32
    %dma_start3A_128 = tpu.memref_slice %arg4[%mul3A_116, %dma_start3A_127] : memref<61440x128xf32, #tpu.memory_space<hbm>> -> memref<128x128xf32, #tpu.memory_space<hbm>>
    %dma_start3A_129 = arith.constant 0 : i32
    %dma_start3A_130 = arith.constant 0 : i32
    %dma_start3A_131 = tpu.memref_slice %arg7[%dma_start3A_117, %dma_start3A_129, %dma_start3A_130] : memref<6x128x128xf32, #tpu.memory_space<vmem>> -> memref<1x128x128xf32, #tpu.memory_space<vmem>>
    %dma_start3A_132 = tpu.memref_squeeze %dma_start3A_131 : memref<1x128x128xf32, #tpu.memory_space<vmem>> -> memref<128x128xf32, #tpu.memory_space<vmem>>
    tpu.enqueue_dma source(%dma_start3A_132 : memref<128x128xf32, #tpu.memory_space<vmem>>) target(%dma_start3A_128 : memref<128x128xf32, #tpu.memory_space<hbm>>) target_semaphore(%dma_start3A_126 : memref<!tpu.dma_semaphore, #tpu.memory_space<semaphore_mem>>)
    %dma_start3A_133 = arith.constant 4 : i32
    %dma_start3A_134 = arith.constant 4 : i32
    %dma_start3A_135 = arith.constant 4 : i32
    %dma_start3A_136 = arith.constant 0 : i32
    %dma_start3A_137 = arith.constant 0 : i32
    %dma_start3A_138 = tpu.memref_slice %arg7[%dma_start3A_134, %dma_start3A_136, %dma_start3A_137] : memref<6x128x128xf32, #tpu.memory_space<vmem>> -> memref<1x128x128xf32, #tpu.memory_space<vmem>>
    %dma_start3A_139 = tpu.memref_squeeze %dma_start3A_138 : memref<1x128x128xf32, #tpu.memory_space<vmem>> -> memref<128x128xf32, #tpu.memory_space<vmem>>
    %dma_start3A_140 = arith.constant 0 : i32
    %dma_start3A_141 = tpu.memref_slice %arg6[%dma_start3A_133, %dma_start3A_140] : memref<17x128xi32, #tpu.memory_space<vmem>> -> memref<1x128xi32, #tpu.memory_space<vmem>>
    %dma_start3A_142 = tpu.memref_squeeze %dma_start3A_141 : memref<1x128xi32, #tpu.memory_space<vmem>> -> memref<128xi32, #tpu.memory_space<vmem>>
    %dma_start3A_143 = arith.constant 0 : i32
    %dma_start3A_144 = arith.constant 0 : i32
    %dma_start3A_145 = tpu.memref_slice %arg2[%dma_start3A_143, %dma_start3A_144] : memref<4096x128xf32, #tpu.memory_space<hbm>> -> memref<4096x128xf32, #tpu.memory_space<hbm>>
    %dma_start3A_146 = tpu.memref_slice %arg8[%dma_start3A_135] : memref<6x!tpu.dma_semaphore, #tpu.memory_space<semaphore_mem>> -> memref<1x!tpu.dma_semaphore, #tpu.memory_space<semaphore_mem>>
    %dma_start3A_147 = tpu.memref_squeeze %dma_start3A_146 : memref<1x!tpu.dma_semaphore, #tpu.memory_space<semaphore_mem>> -> memref<!tpu.dma_semaphore, #tpu.memory_space<semaphore_mem>>
    tpu.enqueue_indirect_dma source(%dma_start3A_145 : memref<4096x128xf32, #tpu.memory_space<hbm>>) target(%dma_start3A_139 : memref<128x128xf32, #tpu.memory_space<vmem>>) offsets(%dma_start3A_142 : memref<128xi32, #tpu.memory_space<vmem>>) semaphore(%dma_start3A_147 : memref<!tpu.dma_semaphore, #tpu.memory_space<semaphore_mem>>)
    %dma_wait3A_148 = arith.constant 2 : i32
    %dma_wait3A_149 = arith.constant 2 : i32
    %dma_wait3A_150 = arith.constant 2 : i32
    %dma_wait3A_151 = arith.constant 0 : i32
    %dma_wait3A_152 = arith.constant 0 : i32
    %dma_wait3A_153 = tpu.memref_slice %arg7[%dma_wait3A_149, %dma_wait3A_151, %dma_wait3A_152] : memref<6x128x128xf32, #tpu.memory_space<vmem>> -> memref<1x128x128xf32, #tpu.memory_space<vmem>>
    %dma_wait3A_154 = tpu.memref_squeeze %dma_wait3A_153 : memref<1x128x128xf32, #tpu.memory_space<vmem>> -> memref<128x128xf32, #tpu.memory_space<vmem>>
    %dma_wait3A_155 = arith.constant 0 : i32
    %dma_wait3A_156 = tpu.memref_slice %arg6[%dma_wait3A_148, %dma_wait3A_155] : memref<17x128xi32, #tpu.memory_space<vmem>> -> memref<1x128xi32, #tpu.memory_space<vmem>>
    %dma_wait3A_157 = tpu.memref_squeeze %dma_wait3A_156 : memref<1x128xi32, #tpu.memory_space<vmem>> -> memref<128xi32, #tpu.memory_space<vmem>>
    %dma_wait3A_158 = arith.constant 0 : i32
    %dma_wait3A_159 = arith.constant 0 : i32
    %dma_wait3A_160 = tpu.memref_slice %arg2[%dma_wait3A_158, %dma_wait3A_159] : memref<4096x128xf32, #tpu.memory_space<hbm>> -> memref<4096x128xf32, #tpu.memory_space<hbm>>
    %dma_wait3A_161 = tpu.memref_slice %arg8[%dma_wait3A_150] : memref<6x!tpu.dma_semaphore, #tpu.memory_space<semaphore_mem>> -> memref<1x!tpu.dma_semaphore, #tpu.memory_space<semaphore_mem>>
    %dma_wait3A_162 = tpu.memref_squeeze %dma_wait3A_161 : memref<1x!tpu.dma_semaphore, #tpu.memory_space<semaphore_mem>> -> memref<!tpu.dma_semaphore, #tpu.memory_space<semaphore_mem>>
    tpu.wait_indirect_dma semaphore(%dma_wait3A_162 : memref<!tpu.dma_semaphore, #tpu.memory_space<semaphore_mem>>) src(%dma_wait3A_160 : memref<4096x128xf32, #tpu.memory_space<hbm>>) dst(%dma_wait3A_154 : memref<128x128xf32, #tpu.memory_space<vmem>>)
    %mul3A_163 = arith.constant 15 : i32
    %mul3A_164 = arith.muli %add3A, %mul3A_163 : i32
    %add3A_165 = arith.constant 2 : i32
    %add3A_166 = arith.addi %mul3A_164, %add3A_165 : i32
    %mul3A_167 = arith.constant 128 : i32
    %mul3A_168 = arith.muli %add3A_166, %mul3A_167 : i32
    %dma_start3A_169 = arith.constant 2 : i32
    %dma_start3A_170 = arith.constant 2 : i32
    %dma_start3A_171 = arith.constant 0 : i32
    %dma_start3A_172 = arith.constant 0 : i32
    %dma_start3A_173 = tpu.memref_slice %arg7[%dma_start3A_169, %dma_start3A_171, %dma_start3A_172] : memref<6x128x128xf32, #tpu.memory_space<vmem>> -> memref<1x128x128xf32, #tpu.memory_space<vmem>>
    %dma_start3A_174 = tpu.memref_squeeze %dma_start3A_173 : memref<1x128x128xf32, #tpu.memory_space<vmem>> -> memref<128x128xf32, #tpu.memory_space<vmem>>
    %dma_start3A_175 = arith.constant 0 : i32
    %dma_start3A_176 = tpu.memref_slice %arg4[%mul3A_168, %dma_start3A_175] : memref<61440x128xf32, #tpu.memory_space<hbm>> -> memref<128x128xf32, #tpu.memory_space<hbm>>
    %dma_start3A_177 = tpu.memref_slice %arg9[%dma_start3A_170] : memref<6x!tpu.dma_semaphore, #tpu.memory_space<semaphore_mem>> -> memref<1x!tpu.dma_semaphore, #tpu.memory_space<semaphore_mem>>
    %dma_start3A_178 = tpu.memref_squeeze %dma_start3A_177 : memref<1x!tpu.dma_semaphore, #tpu.memory_space<semaphore_mem>> -> memref<!tpu.dma_semaphore, #tpu.memory_space<semaphore_mem>>
    %dma_start3A_179 = arith.constant 0 : i32
    %dma_start3A_180 = tpu.memref_slice %arg4[%mul3A_168, %dma_start3A_179] : memref<61440x128xf32, #tpu.memory_space<hbm>> -> memref<128x128xf32, #tpu.memory_space<hbm>>
    %dma_start3A_181 = arith.constant 0 : i32
    %dma_start3A_182 = arith.constant 0 : i32
    %dma_start3A_183 = tpu.memref_slice %arg7[%dma_start3A_169, %dma_start3A_181, %dma_start3A_182] : memref<6x128x128xf32, #tpu.memory_space<vmem>> -> memref<1x128x128xf32, #tpu.memory_space<vmem>>
    %dma_start3A_184 = tpu.memref_squeeze %dma_start3A_183 : memref<1x128x128xf32, #tpu.memory_space<vmem>> -> memref<128x128xf32, #tpu.memory_space<vmem>>
    tpu.enqueue_dma source(%dma_start3A_184 : memref<128x128xf32, #tpu.memory_space<vmem>>) target(%dma_start3A_180 : memref<128x128xf32, #tpu.memory_space<hbm>>) target_semaphore(%dma_start3A_178 : memref<!tpu.dma_semaphore, #tpu.memory_space<semaphore_mem>>)
    %dma_start3A_185 = arith.constant 5 : i32
    %dma_start3A_186 = arith.constant 5 : i32
    %dma_start3A_187 = arith.constant 5 : i32
    %dma_start3A_188 = arith.constant 0 : i32
    %dma_start3A_189 = arith.constant 0 : i32
    %dma_start3A_190 = tpu.memref_slice %arg7[%dma_start3A_186, %dma_start3A_188, %dma_start3A_189] : memref<6x128x128xf32, #tpu.memory_space<vmem>> -> memref<1x128x128xf32, #tpu.memory_space<vmem>>
    %dma_start3A_191 = tpu.memref_squeeze %dma_start3A_190 : memref<1x128x128xf32, #tpu.memory_space<vmem>> -> memref<128x128xf32, #tpu.memory_space<vmem>>
    %dma_start3A_192 = arith.constant 0 : i32
    %dma_start3A_193 = tpu.memref_slice %arg6[%dma_start3A_185, %dma_start3A_192] : memref<17x128xi32, #tpu.memory_space<vmem>> -> memref<1x128xi32, #tpu.memory_space<vmem>>
    %dma_start3A_194 = tpu.memref_squeeze %dma_start3A_193 : memref<1x128xi32, #tpu.memory_space<vmem>> -> memref<128xi32, #tpu.memory_space<vmem>>
    %dma_start3A_195 = arith.constant 0 : i32
    %dma_start3A_196 = arith.constant 0 : i32
    %dma_start3A_197 = tpu.memref_slice %arg2[%dma_start3A_195, %dma_start3A_196] : memref<4096x128xf32, #tpu.memory_space<hbm>> -> memref<4096x128xf32, #tpu.memory_space<hbm>>
    %dma_start3A_198 = tpu.memref_slice %arg8[%dma_start3A_187] : memref<6x!tpu.dma_semaphore, #tpu.memory_space<semaphore_mem>> -> memref<1x!tpu.dma_semaphore, #tpu.memory_space<semaphore_mem>>
    %dma_start3A_199 = tpu.memref_squeeze %dma_start3A_198 : memref<1x!tpu.dma_semaphore, #tpu.memory_space<semaphore_mem>> -> memref<!tpu.dma_semaphore, #tpu.memory_space<semaphore_mem>>
    tpu.enqueue_indirect_dma source(%dma_start3A_197 : memref<4096x128xf32, #tpu.memory_space<hbm>>) target(%dma_start3A_191 : memref<128x128xf32, #tpu.memory_space<vmem>>) offsets(%dma_start3A_194 : memref<128xi32, #tpu.memory_space<vmem>>) semaphore(%dma_start3A_199 : memref<!tpu.dma_semaphore, #tpu.memory_space<semaphore_mem>>)
    %dma_wait3A_200 = arith.constant 3 : i32
    %dma_wait3A_201 = arith.constant 3 : i32
    %dma_wait3A_202 = arith.constant 3 : i32
    %dma_wait3A_203 = arith.constant 0 : i32
    %dma_wait3A_204 = arith.constant 0 : i32
    %dma_wait3A_205 = tpu.memref_slice %arg7[%dma_wait3A_201, %dma_wait3A_203, %dma_wait3A_204] : memref<6x128x128xf32, #tpu.memory_space<vmem>> -> memref<1x128x128xf32, #tpu.memory_space<vmem>>
    %dma_wait3A_206 = tpu.memref_squeeze %dma_wait3A_205 : memref<1x128x128xf32, #tpu.memory_space<vmem>> -> memref<128x128xf32, #tpu.memory_space<vmem>>
    %dma_wait3A_207 = arith.constant 0 : i32
    %dma_wait3A_208 = tpu.memref_slice %arg6[%dma_wait3A_200, %dma_wait3A_207] : memref<17x128xi32, #tpu.memory_space<vmem>> -> memref<1x128xi32, #tpu.memory_space<vmem>>
    %dma_wait3A_209 = tpu.memref_squeeze %dma_wait3A_208 : memref<1x128xi32, #tpu.memory_space<vmem>> -> memref<128xi32, #tpu.memory_space<vmem>>
    %dma_wait3A_210 = arith.constant 0 : i32
    %dma_wait3A_211 = arith.constant 0 : i32
    %dma_wait3A_212 = tpu.memref_slice %arg2[%dma_wait3A_210, %dma_wait3A_211] : memref<4096x128xf32, #tpu.memory_space<hbm>> -> memref<4096x128xf32, #tpu.memory_space<hbm>>
    %dma_wait3A_213 = tpu.memref_slice %arg8[%dma_wait3A_202] : memref<6x!tpu.dma_semaphore, #tpu.memory_space<semaphore_mem>> -> memref<1x!tpu.dma_semaphore, #tpu.memory_space<semaphore_mem>>
    %dma_wait3A_214 = tpu.memref_squeeze %dma_wait3A_213 : memref<1x!tpu.dma_semaphore, #tpu.memory_space<semaphore_mem>> -> memref<!tpu.dma_semaphore, #tpu.memory_space<semaphore_mem>>
    tpu.wait_indirect_dma semaphore(%dma_wait3A_214 : memref<!tpu.dma_semaphore, #tpu.memory_space<semaphore_mem>>) src(%dma_wait3A_212 : memref<4096x128xf32, #tpu.memory_space<hbm>>) dst(%dma_wait3A_206 : memref<128x128xf32, #tpu.memory_space<vmem>>)
    %mul3A_215 = arith.constant 15 : i32
    %mul3A_216 = arith.muli %add3A, %mul3A_215 : i32
    %add3A_217 = arith.constant 3 : i32
    %add3A_218 = arith.addi %mul3A_216, %add3A_217 : i32
    %mul3A_219 = arith.constant 128 : i32
    %mul3A_220 = arith.muli %add3A_218, %mul3A_219 : i32
    %dma_start3A_221 = arith.constant 3 : i32
    %dma_start3A_222 = arith.constant 3 : i32
    %dma_start3A_223 = arith.constant 0 : i32
    %dma_start3A_224 = arith.constant 0 : i32
    %dma_start3A_225 = tpu.memref_slice %arg7[%dma_start3A_221, %dma_start3A_223, %dma_start3A_224] : memref<6x128x128xf32, #tpu.memory_space<vmem>> -> memref<1x128x128xf32, #tpu.memory_space<vmem>>
    %dma_start3A_226 = tpu.memref_squeeze %dma_start3A_225 : memref<1x128x128xf32, #tpu.memory_space<vmem>> -> memref<128x128xf32, #tpu.memory_space<vmem>>
    %dma_start3A_227 = arith.constant 0 : i32
    %dma_start3A_228 = tpu.memref_slice %arg4[%mul3A_220, %dma_start3A_227] : memref<61440x128xf32, #tpu.memory_space<hbm>> -> memref<128x128xf32, #tpu.memory_space<hbm>>
    %dma_start3A_229 = tpu.memref_slice %arg9[%dma_start3A_222] : memref<6x!tpu.dma_semaphore, #tpu.memory_space<semaphore_mem>> -> memref<1x!tpu.dma_semaphore, #tpu.memory_space<semaphore_mem>>
    %dma_start3A_230 = tpu.memref_squeeze %dma_start3A_229 : memref<1x!tpu.dma_semaphore, #tpu.memory_space<semaphore_mem>> -> memref<!tpu.dma_semaphore, #tpu.memory_space<semaphore_mem>>
    %dma_start3A_231 = arith.constant 0 : i32
    %dma_start3A_232 = tpu.memref_slice %arg4[%mul3A_220, %dma_start3A_231] : memref<61440x128xf32, #tpu.memory_space<hbm>> -> memref<128x128xf32, #tpu.memory_space<hbm>>
    %dma_start3A_233 = arith.constant 0 : i32
    %dma_start3A_234 = arith.constant 0 : i32
    %dma_start3A_235 = tpu.memref_slice %arg7[%dma_start3A_221, %dma_start3A_233, %dma_start3A_234] : memref<6x128x128xf32, #tpu.memory_space<vmem>> -> memref<1x128x128xf32, #tpu.memory_space<vmem>>
    %dma_start3A_236 = tpu.memref_squeeze %dma_start3A_235 : memref<1x128x128xf32, #tpu.memory_space<vmem>> -> memref<128x128xf32, #tpu.memory_space<vmem>>
    tpu.enqueue_dma source(%dma_start3A_236 : memref<128x128xf32, #tpu.memory_space<vmem>>) target(%dma_start3A_232 : memref<128x128xf32, #tpu.memory_space<hbm>>) target_semaphore(%dma_start3A_230 : memref<!tpu.dma_semaphore, #tpu.memory_space<semaphore_mem>>)
    %dma_wait3A_237 = arith.constant 0 : i32
    %dma_wait3A_238 = arith.constant 0 : i32
    %dma_wait3A_239 = arith.constant 0 : i32
    %dma_wait3A_240 = arith.constant 0 : i32
    %dma_wait3A_241 = tpu.memref_slice %arg7[%dma_wait3A_237, %dma_wait3A_239, %dma_wait3A_240] : memref<6x128x128xf32, #tpu.memory_space<vmem>> -> memref<1x128x128xf32, #tpu.memory_space<vmem>>
    %dma_wait3A_242 = tpu.memref_squeeze %dma_wait3A_241 : memref<1x128x128xf32, #tpu.memory_space<vmem>> -> memref<128x128xf32, #tpu.memory_space<vmem>>
    %dma_wait3A_243 = arith.constant 0 : i32
    %dma_wait3A_244 = tpu.memref_slice %arg4[%mul3A_64, %dma_wait3A_243] : memref<61440x128xf32, #tpu.memory_space<hbm>> -> memref<128x128xf32, #tpu.memory_space<hbm>>
    %dma_wait3A_245 = tpu.memref_slice %arg9[%dma_wait3A_238] : memref<6x!tpu.dma_semaphore, #tpu.memory_space<semaphore_mem>> -> memref<1x!tpu.dma_semaphore, #tpu.memory_space<semaphore_mem>>
    %dma_wait3A_246 = tpu.memref_squeeze %dma_wait3A_245 : memref<1x!tpu.dma_semaphore, #tpu.memory_space<semaphore_mem>> -> memref<!tpu.dma_semaphore, #tpu.memory_space<semaphore_mem>>
    %dma_wait3A_247 = arith.constant 0 : i32
    %dma_wait3A_248 = tpu.memref_slice %arg4[%mul3A_64, %dma_wait3A_247] : memref<61440x128xf32, #tpu.memory_space<hbm>> -> memref<128x128xf32, #tpu.memory_space<hbm>>
    %dma_wait3A_249 = arith.constant 0 : i32
    %dma_wait3A_250 = arith.constant 0 : i32
    %dma_wait3A_251 = tpu.memref_slice %arg7[%dma_wait3A_237, %dma_wait3A_249, %dma_wait3A_250] : memref<6x128x128xf32, #tpu.memory_space<vmem>> -> memref<1x128x128xf32, #tpu.memory_space<vmem>>
    %dma_wait3A_252 = tpu.memref_squeeze %dma_wait3A_251 : memref<1x128x128xf32, #tpu.memory_space<vmem>> -> memref<128x128xf32, #tpu.memory_space<vmem>>
    tpu.wait_dma2 semaphore(%dma_wait3A_246 : memref<!tpu.dma_semaphore, #tpu.memory_space<semaphore_mem>>) src(%dma_wait3A_252 : memref<128x128xf32, #tpu.memory_space<vmem>>) dst(%dma_wait3A_248 : memref<128x128xf32, #tpu.memory_space<hbm>>)
    %dma_start3A_253 = arith.constant 6 : i32
    %dma_start3A_254 = arith.constant 0 : i32
    %dma_start3A_255 = arith.constant 0 : i32
    %dma_start3A_256 = arith.constant 0 : i32
    %dma_start3A_257 = arith.constant 0 : i32
    %dma_start3A_258 = tpu.memref_slice %arg7[%dma_start3A_254, %dma_start3A_256, %dma_start3A_257] : memref<6x128x128xf32, #tpu.memory_space<vmem>> -> memref<1x128x128xf32, #tpu.memory_space<vmem>>
    %dma_start3A_259 = tpu.memref_squeeze %dma_start3A_258 : memref<1x128x128xf32, #tpu.memory_space<vmem>> -> memref<128x128xf32, #tpu.memory_space<vmem>>
    %dma_start3A_260 = arith.constant 0 : i32
    %dma_start3A_261 = tpu.memref_slice %arg6[%dma_start3A_253, %dma_start3A_260] : memref<17x128xi32, #tpu.memory_space<vmem>> -> memref<1x128xi32, #tpu.memory_space<vmem>>
    %dma_start3A_262 = tpu.memref_squeeze %dma_start3A_261 : memref<1x128xi32, #tpu.memory_space<vmem>> -> memref<128xi32, #tpu.memory_space<vmem>>
    %dma_start3A_263 = arith.constant 0 : i32
    %dma_start3A_264 = arith.constant 0 : i32
    %dma_start3A_265 = tpu.memref_slice %arg2[%dma_start3A_263, %dma_start3A_264] : memref<4096x128xf32, #tpu.memory_space<hbm>> -> memref<4096x128xf32, #tpu.memory_space<hbm>>
    %dma_start3A_266 = tpu.memref_slice %arg8[%dma_start3A_255] : memref<6x!tpu.dma_semaphore, #tpu.memory_space<semaphore_mem>> -> memref<1x!tpu.dma_semaphore, #tpu.memory_space<semaphore_mem>>
    %dma_start3A_267 = tpu.memref_squeeze %dma_start3A_266 : memref<1x!tpu.dma_semaphore, #tpu.memory_space<semaphore_mem>> -> memref<!tpu.dma_semaphore, #tpu.memory_space<semaphore_mem>>
    tpu.enqueue_indirect_dma source(%dma_start3A_265 : memref<4096x128xf32, #tpu.memory_space<hbm>>) target(%dma_start3A_259 : memref<128x128xf32, #tpu.memory_space<vmem>>) offsets(%dma_start3A_262 : memref<128xi32, #tpu.memory_space<vmem>>) semaphore(%dma_start3A_267 : memref<!tpu.dma_semaphore, #tpu.memory_space<semaphore_mem>>)
    %dma_wait3A_268 = arith.constant 4 : i32
    %dma_wait3A_269 = arith.constant 4 : i32
    %dma_wait3A_270 = arith.constant 4 : i32
    %dma_wait3A_271 = arith.constant 0 : i32
    %dma_wait3A_272 = arith.constant 0 : i32
    %dma_wait3A_273 = tpu.memref_slice %arg7[%dma_wait3A_269, %dma_wait3A_271, %dma_wait3A_272] : memref<6x128x128xf32, #tpu.memory_space<vmem>> -> memref<1x128x128xf32, #tpu.memory_space<vmem>>
    %dma_wait3A_274 = tpu.memref_squeeze %dma_wait3A_273 : memref<1x128x128xf32, #tpu.memory_space<vmem>> -> memref<128x128xf32, #tpu.memory_space<vmem>>
    %dma_wait3A_275 = arith.constant 0 : i32
    %dma_wait3A_276 = tpu.memref_slice %arg6[%dma_wait3A_268, %dma_wait3A_275] : memref<17x128xi32, #tpu.memory_space<vmem>> -> memref<1x128xi32, #tpu.memory_space<vmem>>
    %dma_wait3A_277 = tpu.memref_squeeze %dma_wait3A_276 : memref<1x128xi32, #tpu.memory_space<vmem>> -> memref<128xi32, #tpu.memory_space<vmem>>
    %dma_wait3A_278 = arith.constant 0 : i32
    %dma_wait3A_279 = arith.constant 0 : i32
    %dma_wait3A_280 = tpu.memref_slice %arg2[%dma_wait3A_278, %dma_wait3A_279] : memref<4096x128xf32, #tpu.memory_space<hbm>> -> memref<4096x128xf32, #tpu.memory_space<hbm>>
    %dma_wait3A_281 = tpu.memref_slice %arg8[%dma_wait3A_270] : memref<6x!tpu.dma_semaphore, #tpu.memory_space<semaphore_mem>> -> memref<1x!tpu.dma_semaphore, #tpu.memory_space<semaphore_mem>>
    %dma_wait3A_282 = tpu.memref_squeeze %dma_wait3A_281 : memref<1x!tpu.dma_semaphore, #tpu.memory_space<semaphore_mem>> -> memref<!tpu.dma_semaphore, #tpu.memory_space<semaphore_mem>>
    tpu.wait_indirect_dma semaphore(%dma_wait3A_282 : memref<!tpu.dma_semaphore, #tpu.memory_space<semaphore_mem>>) src(%dma_wait3A_280 : memref<4096x128xf32, #tpu.memory_space<hbm>>) dst(%dma_wait3A_274 : memref<128x128xf32, #tpu.memory_space<vmem>>)
    %mul3A_283 = arith.constant 15 : i32
    %mul3A_284 = arith.muli %add3A, %mul3A_283 : i32
    %add3A_285 = arith.constant 4 : i32
    %add3A_286 = arith.addi %mul3A_284, %add3A_285 : i32
    %mul3A_287 = arith.constant 128 : i32
    %mul3A_288 = arith.muli %add3A_286, %mul3A_287 : i32
    %dma_start3A_289 = arith.constant 4 : i32
    %dma_start3A_290 = arith.constant 4 : i32
    %dma_start3A_291 = arith.constant 0 : i32
    %dma_start3A_292 = arith.constant 0 : i32
    %dma_start3A_293 = tpu.memref_slice %arg7[%dma_start3A_289, %dma_start3A_291, %dma_start3A_292] : memref<6x128x128xf32, #tpu.memory_space<vmem>> -> memref<1x128x128xf32, #tpu.memory_space<vmem>>
    %dma_start3A_294 = tpu.memref_squeeze %dma_start3A_293 : memref<1x128x128xf32, #tpu.memory_space<vmem>> -> memref<128x128xf32, #tpu.memory_space<vmem>>
    %dma_start3A_295 = arith.constant 0 : i32
    %dma_start3A_296 = tpu.memref_slice %arg4[%mul3A_288, %dma_start3A_295] : memref<61440x128xf32, #tpu.memory_space<hbm>> -> memref<128x128xf32, #tpu.memory_space<hbm>>
    %dma_start3A_297 = tpu.memref_slice %arg9[%dma_start3A_290] : memref<6x!tpu.dma_semaphore, #tpu.memory_space<semaphore_mem>> -> memref<1x!tpu.dma_semaphore, #tpu.memory_space<semaphore_mem>>
    %dma_start3A_298 = tpu.memref_squeeze %dma_start3A_297 : memref<1x!tpu.dma_semaphore, #tpu.memory_space<semaphore_mem>> -> memref<!tpu.dma_semaphore, #tpu.memory_space<semaphore_mem>>
    %dma_start3A_299 = arith.constant 0 : i32
    %dma_start3A_300 = tpu.memref_slice %arg4[%mul3A_288, %dma_start3A_299] : memref<61440x128xf32, #tpu.memory_space<hbm>> -> memref<128x128xf32, #tpu.memory_space<hbm>>
    %dma_start3A_301 = arith.constant 0 : i32
    %dma_start3A_302 = arith.constant 0 : i32
    %dma_start3A_303 = tpu.memref_slice %arg7[%dma_start3A_289, %dma_start3A_301, %dma_start3A_302] : memref<6x128x128xf32, #tpu.memory_space<vmem>> -> memref<1x128x128xf32, #tpu.memory_space<vmem>>
    %dma_start3A_304 = tpu.memref_squeeze %dma_start3A_303 : memref<1x128x128xf32, #tpu.memory_space<vmem>> -> memref<128x128xf32, #tpu.memory_space<vmem>>
    tpu.enqueue_dma source(%dma_start3A_304 : memref<128x128xf32, #tpu.memory_space<vmem>>) target(%dma_start3A_300 : memref<128x128xf32, #tpu.memory_space<hbm>>) target_semaphore(%dma_start3A_298 : memref<!tpu.dma_semaphore, #tpu.memory_space<semaphore_mem>>)
    %dma_wait3A_305 = arith.constant 1 : i32
    %dma_wait3A_306 = arith.constant 1 : i32
    %dma_wait3A_307 = arith.constant 0 : i32
    %dma_wait3A_308 = arith.constant 0 : i32
    %dma_wait3A_309 = tpu.memref_slice %arg7[%dma_wait3A_305, %dma_wait3A_307, %dma_wait3A_308] : memref<6x128x128xf32, #tpu.memory_space<vmem>> -> memref<1x128x128xf32, #tpu.memory_space<vmem>>
    %dma_wait3A_310 = tpu.memref_squeeze %dma_wait3A_309 : memref<1x128x128xf32, #tpu.memory_space<vmem>> -> memref<128x128xf32, #tpu.memory_space<vmem>>
    %dma_wait3A_311 = arith.constant 0 : i32
    %dma_wait3A_312 = tpu.memref_slice %arg4[%mul3A_116, %dma_wait3A_311] : memref<61440x128xf32, #tpu.memory_space<hbm>> -> memref<128x128xf32, #tpu.memory_space<hbm>>
    %dma_wait3A_313 = tpu.memref_slice %arg9[%dma_wait3A_306] : memref<6x!tpu.dma_semaphore, #tpu.memory_space<semaphore_mem>> -> memref<1x!tpu.dma_semaphore, #tpu.memory_space<semaphore_mem>>
    %dma_wait3A_314 = tpu.memref_squeeze %dma_wait3A_313 : memref<1x!tpu.dma_semaphore, #tpu.memory_space<semaphore_mem>> -> memref<!tpu.dma_semaphore, #tpu.memory_space<semaphore_mem>>
    %dma_wait3A_315 = arith.constant 0 : i32
    %dma_wait3A_316 = tpu.memref_slice %arg4[%mul3A_116, %dma_wait3A_315] : memref<61440x128xf32, #tpu.memory_space<hbm>> -> memref<128x128xf32, #tpu.memory_space<hbm>>
    %dma_wait3A_317 = arith.constant 0 : i32
    %dma_wait3A_318 = arith.constant 0 : i32
    %dma_wait3A_319 = tpu.memref_slice %arg7[%dma_wait3A_305, %dma_wait3A_317, %dma_wait3A_318] : memref<6x128x128xf32, #tpu.memory_space<vmem>> -> memref<1x128x128xf32, #tpu.memory_space<vmem>>
    %dma_wait3A_320 = tpu.memref_squeeze %dma_wait3A_319 : memref<1x128x128xf32, #tpu.memory_space<vmem>> -> memref<128x128xf32, #tpu.memory_space<vmem>>
    tpu.wait_dma2 semaphore(%dma_wait3A_314 : memref<!tpu.dma_semaphore, #tpu.memory_space<semaphore_mem>>) src(%dma_wait3A_320 : memref<128x128xf32, #tpu.memory_space<vmem>>) dst(%dma_wait3A_316 : memref<128x128xf32, #tpu.memory_space<hbm>>)
    %dma_start3A_321 = arith.constant 7 : i32
    %dma_start3A_322 = arith.constant 1 : i32
    %dma_start3A_323 = arith.constant 1 : i32
    %dma_start3A_324 = arith.constant 0 : i32
    %dma_start3A_325 = arith.constant 0 : i32
    %dma_start3A_326 = tpu.memref_slice %arg7[%dma_start3A_322, %dma_start3A_324, %dma_start3A_325] : memref<6x128x128xf32, #tpu.memory_space<vmem>> -> memref<1x128x128xf32, #tpu.memory_space<vmem>>
    %dma_start3A_327 = tpu.memref_squeeze %dma_start3A_326 : memref<1x128x128xf32, #tpu.memory_space<vmem>> -> memref<128x128xf32, #tpu.memory_space<vmem>>
    %dma_start3A_328 = arith.constant 0 : i32
    %dma_start3A_329 = tpu.memref_slice %arg6[%dma_start3A_321, %dma_start3A_328] : memref<17x128xi32, #tpu.memory_space<vmem>> -> memref<1x128xi32, #tpu.memory_space<vmem>>
    %dma_start3A_330 = tpu.memref_squeeze %dma_start3A_329 : memref<1x128xi32, #tpu.memory_space<vmem>> -> memref<128xi32, #tpu.memory_space<vmem>>
    %dma_start3A_331 = arith.constant 0 : i32
    %dma_start3A_332 = arith.constant 0 : i32
    %dma_start3A_333 = tpu.memref_slice %arg2[%dma_start3A_331, %dma_start3A_332] : memref<4096x128xf32, #tpu.memory_space<hbm>> -> memref<4096x128xf32, #tpu.memory_space<hbm>>
    %dma_start3A_334 = tpu.memref_slice %arg8[%dma_start3A_323] : memref<6x!tpu.dma_semaphore, #tpu.memory_space<semaphore_mem>> -> memref<1x!tpu.dma_semaphore, #tpu.memory_space<semaphore_mem>>
    %dma_start3A_335 = tpu.memref_squeeze %dma_start3A_334 : memref<1x!tpu.dma_semaphore, #tpu.memory_space<semaphore_mem>> -> memref<!tpu.dma_semaphore, #tpu.memory_space<semaphore_mem>>
    tpu.enqueue_indirect_dma source(%dma_start3A_333 : memref<4096x128xf32, #tpu.memory_space<hbm>>) target(%dma_start3A_327 : memref<128x128xf32, #tpu.memory_space<vmem>>) offsets(%dma_start3A_330 : memref<128xi32, #tpu.memory_space<vmem>>) semaphore(%dma_start3A_335 : memref<!tpu.dma_semaphore, #tpu.memory_space<semaphore_mem>>)
    %dma_wait3A_336 = arith.constant 5 : i32
    %dma_wait3A_337 = arith.constant 5 : i32
    %dma_wait3A_338 = arith.constant 5 : i32
    %dma_wait3A_339 = arith.constant 0 : i32
    %dma_wait3A_340 = arith.constant 0 : i32
    %dma_wait3A_341 = tpu.memref_slice %arg7[%dma_wait3A_337, %dma_wait3A_339, %dma_wait3A_340] : memref<6x128x128xf32, #tpu.memory_space<vmem>> -> memref<1x128x128xf32, #tpu.memory_space<vmem>>
    %dma_wait3A_342 = tpu.memref_squeeze %dma_wait3A_341 : memref<1x128x128xf32, #tpu.memory_space<vmem>> -> memref<128x128xf32, #tpu.memory_space<vmem>>
    %dma_wait3A_343 = arith.constant 0 : i32
    %dma_wait3A_344 = tpu.memref_slice %arg6[%dma_wait3A_336, %dma_wait3A_343] : memref<17x128xi32, #tpu.memory_space<vmem>> -> memref<1x128xi32, #tpu.memory_space<vmem>>
    %dma_wait3A_345 = tpu.memref_squeeze %dma_wait3A_344 : memref<1x128xi32, #tpu.memory_space<vmem>> -> memref<128xi32, #tpu.memory_space<vmem>>
    %dma_wait3A_346 = arith.constant 0 : i32
    %dma_wait3A_347 = arith.constant 0 : i32
    %dma_wait3A_348 = tpu.memref_slice %arg2[%dma_wait3A_346, %dma_wait3A_347] : memref<4096x128xf32, #tpu.memory_space<hbm>> -> memref<4096x128xf32, #tpu.memory_space<hbm>>
    %dma_wait3A_349 = tpu.memref_slice %arg8[%dma_wait3A_338] : memref<6x!tpu.dma_semaphore, #tpu.memory_space<semaphore_mem>> -> memref<1x!tpu.dma_semaphore, #tpu.memory_space<semaphore_mem>>
    %dma_wait3A_350 = tpu.memref_squeeze %dma_wait3A_349 : memref<1x!tpu.dma_semaphore, #tpu.memory_space<semaphore_mem>> -> memref<!tpu.dma_semaphore, #tpu.memory_space<semaphore_mem>>
    tpu.wait_indirect_dma semaphore(%dma_wait3A_350 : memref<!tpu.dma_semaphore, #tpu.memory_space<semaphore_mem>>) src(%dma_wait3A_348 : memref<4096x128xf32, #tpu.memory_space<hbm>>) dst(%dma_wait3A_342 : memref<128x128xf32, #tpu.memory_space<vmem>>)
    %mul3A_351 = arith.constant 15 : i32
    %mul3A_352 = arith.muli %add3A, %mul3A_351 : i32
    %add3A_353 = arith.constant 5 : i32
    %add3A_354 = arith.addi %mul3A_352, %add3A_353 : i32
    %mul3A_355 = arith.constant 128 : i32
    %mul3A_356 = arith.muli %add3A_354, %mul3A_355 : i32
    %dma_start3A_357 = arith.constant 5 : i32
    %dma_start3A_358 = arith.constant 5 : i32
    %dma_start3A_359 = arith.constant 0 : i32
    %dma_start3A_360 = arith.constant 0 : i32
    %dma_start3A_361 = tpu.memref_slice %arg7[%dma_start3A_357, %dma_start3A_359, %dma_start3A_360] : memref<6x128x128xf32, #tpu.memory_space<vmem>> -> memref<1x128x128xf32, #tpu.memory_space<vmem>>
    %dma_start3A_362 = tpu.memref_squeeze %dma_start3A_361 : memref<1x128x128xf32, #tpu.memory_space<vmem>> -> memref<128x128xf32, #tpu.memory_space<vmem>>
    %dma_start3A_363 = arith.constant 0 : i32
    %dma_start3A_364 = tpu.memref_slice %arg4[%mul3A_356, %dma_start3A_363] : memref<61440x128xf32, #tpu.memory_space<hbm>> -> memref<128x128xf32, #tpu.memory_space<hbm>>
    %dma_start3A_365 = tpu.memref_slice %arg9[%dma_start3A_358] : memref<6x!tpu.dma_semaphore, #tpu.memory_space<semaphore_mem>> -> memref<1x!tpu.dma_semaphore, #tpu.memory_space<semaphore_mem>>
    %dma_start3A_366 = tpu.memref_squeeze %dma_start3A_365 : memref<1x!tpu.dma_semaphore, #tpu.memory_space<semaphore_mem>> -> memref<!tpu.dma_semaphore, #tpu.memory_space<semaphore_mem>>
    %dma_start3A_367 = arith.constant 0 : i32
    %dma_start3A_368 = tpu.memref_slice %arg4[%mul3A_356, %dma_start3A_367] : memref<61440x128xf32, #tpu.memory_space<hbm>> -> memref<128x128xf32, #tpu.memory_space<hbm>>
    %dma_start3A_369 = arith.constant 0 : i32
    %dma_start3A_370 = arith.constant 0 : i32
    %dma_start3A_371 = tpu.memref_slice %arg7[%dma_start3A_357, %dma_start3A_369, %dma_start3A_370] : memref<6x128x128xf32, #tpu.memory_space<vmem>> -> memref<1x128x128xf32, #tpu.memory_space<vmem>>
    %dma_start3A_372 = tpu.memref_squeeze %dma_start3A_371 : memref<1x128x128xf32, #tpu.memory_space<vmem>> -> memref<128x128xf32, #tpu.memory_space<vmem>>
    tpu.enqueue_dma source(%dma_start3A_372 : memref<128x128xf32, #tpu.memory_space<vmem>>) target(%dma_start3A_368 : memref<128x128xf32, #tpu.memory_space<hbm>>) target_semaphore(%dma_start3A_366 : memref<!tpu.dma_semaphore, #tpu.memory_space<semaphore_mem>>)
    %dma_wait3A_373 = arith.constant 2 : i32
    %dma_wait3A_374 = arith.constant 2 : i32
    %dma_wait3A_375 = arith.constant 0 : i32
    %dma_wait3A_376 = arith.constant 0 : i32
    %dma_wait3A_377 = tpu.memref_slice %arg7[%dma_wait3A_373, %dma_wait3A_375, %dma_wait3A_376] : memref<6x128x128xf32, #tpu.memory_space<vmem>> -> memref<1x128x128xf32, #tpu.memory_space<vmem>>
    %dma_wait3A_378 = tpu.memref_squeeze %dma_wait3A_377 : memref<1x128x128xf32, #tpu.memory_space<vmem>> -> memref<128x128xf32, #tpu.memory_space<vmem>>
    %dma_wait3A_379 = arith.constant 0 : i32
    %dma_wait3A_380 = tpu.memref_slice %arg4[%mul3A_168, %dma_wait3A_379] : memref<61440x128xf32, #tpu.memory_space<hbm>> -> memref<128x128xf32, #tpu.memory_space<hbm>>
    %dma_wait3A_381 = tpu.memref_slice %arg9[%dma_wait3A_374] : memref<6x!tpu.dma_semaphore, #tpu.memory_space<semaphore_mem>> -> memref<1x!tpu.dma_semaphore, #tpu.memory_space<semaphore_mem>>
    %dma_wait3A_382 = tpu.memref_squeeze %dma_wait3A_381 : memref<1x!tpu.dma_semaphore, #tpu.memory_space<semaphore_mem>> -> memref<!tpu.dma_semaphore, #tpu.memory_space<semaphore_mem>>
    %dma_wait3A_383 = arith.constant 0 : i32
    %dma_wait3A_384 = tpu.memref_slice %arg4[%mul3A_168, %dma_wait3A_383] : memref<61440x128xf32, #tpu.memory_space<hbm>> -> memref<128x128xf32, #tpu.memory_space<hbm>>
    %dma_wait3A_385 = arith.constant 0 : i32
    %dma_wait3A_386 = arith.constant 0 : i32
    %dma_wait3A_387 = tpu.memref_slice %arg7[%dma_wait3A_373, %dma_wait3A_385, %dma_wait3A_386] : memref<6x128x128xf32, #tpu.memory_space<vmem>> -> memref<1x128x128xf32, #tpu.memory_space<vmem>>
    %dma_wait3A_388 = tpu.memref_squeeze %dma_wait3A_387 : memref<1x128x128xf32, #tpu.memory_space<vmem>> -> memref<128x128xf32, #tpu.memory_space<vmem>>
    tpu.wait_dma2 semaphore(%dma_wait3A_382 : memref<!tpu.dma_semaphore, #tpu.memory_space<semaphore_mem>>) src(%dma_wait3A_388 : memref<128x128xf32, #tpu.memory_space<vmem>>) dst(%dma_wait3A_384 : memref<128x128xf32, #tpu.memory_space<hbm>>)
    %dma_start3A_389 = arith.constant 8 : i32
    %dma_start3A_390 = arith.constant 2 : i32
    %dma_start3A_391 = arith.constant 2 : i32
    %dma_start3A_392 = arith.constant 0 : i32
    %dma_start3A_393 = arith.constant 0 : i32
    %dma_start3A_394 = tpu.memref_slice %arg7[%dma_start3A_390, %dma_start3A_392, %dma_start3A_393] : memref<6x128x128xf32, #tpu.memory_space<vmem>> -> memref<1x128x128xf32, #tpu.memory_space<vmem>>
    %dma_start3A_395 = tpu.memref_squeeze %dma_start3A_394 : memref<1x128x128xf32, #tpu.memory_space<vmem>> -> memref<128x128xf32, #tpu.memory_space<vmem>>
    %dma_start3A_396 = arith.constant 0 : i32
    %dma_start3A_397 = tpu.memref_slice %arg6[%dma_start3A_389, %dma_start3A_396] : memref<17x128xi32, #tpu.memory_space<vmem>> -> memref<1x128xi32, #tpu.memory_space<vmem>>
    %dma_start3A_398 = tpu.memref_squeeze %dma_start3A_397 : memref<1x128xi32, #tpu.memory_space<vmem>> -> memref<128xi32, #tpu.memory_space<vmem>>
    %dma_start3A_399 = arith.constant 0 : i32
    %dma_start3A_400 = arith.constant 0 : i32
    %dma_start3A_401 = tpu.memref_slice %arg2[%dma_start3A_399, %dma_start3A_400] : memref<4096x128xf32, #tpu.memory_space<hbm>> -> memref<4096x128xf32, #tpu.memory_space<hbm>>
    %dma_start3A_402 = tpu.memref_slice %arg8[%dma_start3A_391] : memref<6x!tpu.dma_semaphore, #tpu.memory_space<semaphore_mem>> -> memref<1x!tpu.dma_semaphore, #tpu.memory_space<semaphore_mem>>
    %dma_start3A_403 = tpu.memref_squeeze %dma_start3A_402 : memref<1x!tpu.dma_semaphore, #tpu.memory_space<semaphore_mem>> -> memref<!tpu.dma_semaphore, #tpu.memory_space<semaphore_mem>>
    tpu.enqueue_indirect_dma source(%dma_start3A_401 : memref<4096x128xf32, #tpu.memory_space<hbm>>) target(%dma_start3A_395 : memref<128x128xf32, #tpu.memory_space<vmem>>) offsets(%dma_start3A_398 : memref<128xi32, #tpu.memory_space<vmem>>) semaphore(%dma_start3A_403 : memref<!tpu.dma_semaphore, #tpu.memory_space<semaphore_mem>>)
    %dma_wait3A_404 = arith.constant 6 : i32
    %dma_wait3A_405 = arith.constant 0 : i32
    %dma_wait3A_406 = arith.constant 0 : i32
    %dma_wait3A_407 = arith.constant 0 : i32
    %dma_wait3A_408 = arith.constant 0 : i32
    %dma_wait3A_409 = tpu.memref_slice %arg7[%dma_wait3A_405, %dma_wait3A_407, %dma_wait3A_408] : memref<6x128x128xf32, #tpu.memory_space<vmem>> -> memref<1x128x128xf32, #tpu.memory_space<vmem>>
    %dma_wait3A_410 = tpu.memref_squeeze %dma_wait3A_409 : memref<1x128x128xf32, #tpu.memory_space<vmem>> -> memref<128x128xf32, #tpu.memory_space<vmem>>
    %dma_wait3A_411 = arith.constant 0 : i32
    %dma_wait3A_412 = tpu.memref_slice %arg6[%dma_wait3A_404, %dma_wait3A_411] : memref<17x128xi32, #tpu.memory_space<vmem>> -> memref<1x128xi32, #tpu.memory_space<vmem>>
    %dma_wait3A_413 = tpu.memref_squeeze %dma_wait3A_412 : memref<1x128xi32, #tpu.memory_space<vmem>> -> memref<128xi32, #tpu.memory_space<vmem>>
    %dma_wait3A_414 = arith.constant 0 : i32
    %dma_wait3A_415 = arith.constant 0 : i32
    %dma_wait3A_416 = tpu.memref_slice %arg2[%dma_wait3A_414, %dma_wait3A_415] : memref<4096x128xf32, #tpu.memory_space<hbm>> -> memref<4096x128xf32, #tpu.memory_space<hbm>>
    %dma_wait3A_417 = tpu.memref_slice %arg8[%dma_wait3A_406] : memref<6x!tpu.dma_semaphore, #tpu.memory_space<semaphore_mem>> -> memref<1x!tpu.dma_semaphore, #tpu.memory_space<semaphore_mem>>
    %dma_wait3A_418 = tpu.memref_squeeze %dma_wait3A_417 : memref<1x!tpu.dma_semaphore, #tpu.memory_space<semaphore_mem>> -> memref<!tpu.dma_semaphore, #tpu.memory_space<semaphore_mem>>
    tpu.wait_indirect_dma semaphore(%dma_wait3A_418 : memref<!tpu.dma_semaphore, #tpu.memory_space<semaphore_mem>>) src(%dma_wait3A_416 : memref<4096x128xf32, #tpu.memory_space<hbm>>) dst(%dma_wait3A_410 : memref<128x128xf32, #tpu.memory_space<vmem>>)
    %mul3A_419 = arith.constant 15 : i32
    %mul3A_420 = arith.muli %add3A, %mul3A_419 : i32
    %add3A_421 = arith.constant 6 : i32
    %add3A_422 = arith.addi %mul3A_420, %add3A_421 : i32
    %mul3A_423 = arith.constant 128 : i32
    %mul3A_424 = arith.muli %add3A_422, %mul3A_423 : i32
    %dma_start3A_425 = arith.constant 0 : i32
    %dma_start3A_426 = arith.constant 0 : i32
    %dma_start3A_427 = arith.constant 0 : i32
    %dma_start3A_428 = arith.constant 0 : i32
    %dma_start3A_429 = tpu.memref_slice %arg7[%dma_start3A_425, %dma_start3A_427, %dma_start3A_428] : memref<6x128x128xf32, #tpu.memory_space<vmem>> -> memref<1x128x128xf32, #tpu.memory_space<vmem>>
    %dma_start3A_430 = tpu.memref_squeeze %dma_start3A_429 : memref<1x128x128xf32, #tpu.memory_space<vmem>> -> memref<128x128xf32, #tpu.memory_space<vmem>>
    %dma_start3A_431 = arith.constant 0 : i32
    %dma_start3A_432 = tpu.memref_slice %arg4[%mul3A_424, %dma_start3A_431] : memref<61440x128xf32, #tpu.memory_space<hbm>> -> memref<128x128xf32, #tpu.memory_space<hbm>>
    %dma_start3A_433 = tpu.memref_slice %arg9[%dma_start3A_426] : memref<6x!tpu.dma_semaphore, #tpu.memory_space<semaphore_mem>> -> memref<1x!tpu.dma_semaphore, #tpu.memory_space<semaphore_mem>>
    %dma_start3A_434 = tpu.memref_squeeze %dma_start3A_433 : memref<1x!tpu.dma_semaphore, #tpu.memory_space<semaphore_mem>> -> memref<!tpu.dma_semaphore, #tpu.memory_space<semaphore_mem>>
    %dma_start3A_435 = arith.constant 0 : i32
    %dma_start3A_436 = tpu.memref_slice %arg4[%mul3A_424, %dma_start3A_435] : memref<61440x128xf32, #tpu.memory_space<hbm>> -> memref<128x128xf32, #tpu.memory_space<hbm>>
    %dma_start3A_437 = arith.constant 0 : i32
    %dma_start3A_438 = arith.constant 0 : i32
    %dma_start3A_439 = tpu.memref_slice %arg7[%dma_start3A_425, %dma_start3A_437, %dma_start3A_438] : memref<6x128x128xf32, #tpu.memory_space<vmem>> -> memref<1x128x128xf32, #tpu.memory_space<vmem>>
    %dma_start3A_440 = tpu.memref_squeeze %dma_start3A_439 : memref<1x128x128xf32, #tpu.memory_space<vmem>> -> memref<128x128xf32, #tpu.memory_space<vmem>>
    tpu.enqueue_dma source(%dma_start3A_440 : memref<128x128xf32, #tpu.memory_space<vmem>>) target(%dma_start3A_436 : memref<128x128xf32, #tpu.memory_space<hbm>>) target_semaphore(%dma_start3A_434 : memref<!tpu.dma_semaphore, #tpu.memory_space<semaphore_mem>>)
    %dma_wait3A_441 = arith.constant 3 : i32
    %dma_wait3A_442 = arith.constant 3 : i32
    %dma_wait3A_443 = arith.constant 0 : i32
    %dma_wait3A_444 = arith.constant 0 : i32
    %dma_wait3A_445 = tpu.memref_slice %arg7[%dma_wait3A_441, %dma_wait3A_443, %dma_wait3A_444] : memref<6x128x128xf32, #tpu.memory_space<vmem>> -> memref<1x128x128xf32, #tpu.memory_space<vmem>>
    %dma_wait3A_446 = tpu.memref_squeeze %dma_wait3A_445 : memref<1x128x128xf32, #tpu.memory_space<vmem>> -> memref<128x128xf32, #tpu.memory_space<vmem>>
    %dma_wait3A_447 = arith.constant 0 : i32
    %dma_wait3A_448 = tpu.memref_slice %arg4[%mul3A_220, %dma_wait3A_447] : memref<61440x128xf32, #tpu.memory_space<hbm>> -> memref<128x128xf32, #tpu.memory_space<hbm>>
    %dma_wait3A_449 = tpu.memref_slice %arg9[%dma_wait3A_442] : memref<6x!tpu.dma_semaphore, #tpu.memory_space<semaphore_mem>> -> memref<1x!tpu.dma_semaphore, #tpu.memory_space<semaphore_mem>>
    %dma_wait3A_450 = tpu.memref_squeeze %dma_wait3A_449 : memref<1x!tpu.dma_semaphore, #tpu.memory_space<semaphore_mem>> -> memref<!tpu.dma_semaphore, #tpu.memory_space<semaphore_mem>>
    %dma_wait3A_451 = arith.constant 0 : i32
    %dma_wait3A_452 = tpu.memref_slice %arg4[%mul3A_220, %dma_wait3A_451] : memref<61440x128xf32, #tpu.memory_space<hbm>> -> memref<128x128xf32, #tpu.memory_space<hbm>>
    %dma_wait3A_453 = arith.constant 0 : i32
    %dma_wait3A_454 = arith.constant 0 : i32
    %dma_wait3A_455 = tpu.memref_slice %arg7[%dma_wait3A_441, %dma_wait3A_453, %dma_wait3A_454] : memref<6x128x128xf32, #tpu.memory_space<vmem>> -> memref<1x128x128xf32, #tpu.memory_space<vmem>>
    %dma_wait3A_456 = tpu.memref_squeeze %dma_wait3A_455 : memref<1x128x128xf32, #tpu.memory_space<vmem>> -> memref<128x128xf32, #tpu.memory_space<vmem>>
    tpu.wait_dma2 semaphore(%dma_wait3A_450 : memref<!tpu.dma_semaphore, #tpu.memory_space<semaphore_mem>>) src(%dma_wait3A_456 : memref<128x128xf32, #tpu.memory_space<vmem>>) dst(%dma_wait3A_452 : memref<128x128xf32, #tpu.memory_space<hbm>>)
    %dma_start3A_457 = arith.constant 9 : i32
    %dma_start3A_458 = arith.constant 3 : i32
    %dma_start3A_459 = arith.constant 3 : i32
    %dma_start3A_460 = arith.constant 0 : i32
    %dma_start3A_461 = arith.constant 0 : i32
    %dma_start3A_462 = tpu.memref_slice %arg7[%dma_start3A_458, %dma_start3A_460, %dma_start3A_461] : memref<6x128x128xf32, #tpu.memory_space<vmem>> -> memref<1x128x128xf32, #tpu.memory_space<vmem>>
    %dma_start3A_463 = tpu.memref_squeeze %dma_start3A_462 : memref<1x128x128xf32, #tpu.memory_space<vmem>> -> memref<128x128xf32, #tpu.memory_space<vmem>>
    %dma_start3A_464 = arith.constant 0 : i32
    %dma_start3A_465 = tpu.memref_slice %arg6[%dma_start3A_457, %dma_start3A_464] : memref<17x128xi32, #tpu.memory_space<vmem>> -> memref<1x128xi32, #tpu.memory_space<vmem>>
    %dma_start3A_466 = tpu.memref_squeeze %dma_start3A_465 : memref<1x128xi32, #tpu.memory_space<vmem>> -> memref<128xi32, #tpu.memory_space<vmem>>
    %dma_start3A_467 = arith.constant 0 : i32
    %dma_start3A_468 = arith.constant 0 : i32
    %dma_start3A_469 = tpu.memref_slice %arg2[%dma_start3A_467, %dma_start3A_468] : memref<4096x128xf32, #tpu.memory_space<hbm>> -> memref<4096x128xf32, #tpu.memory_space<hbm>>
    %dma_start3A_470 = tpu.memref_slice %arg8[%dma_start3A_459] : memref<6x!tpu.dma_semaphore, #tpu.memory_space<semaphore_mem>> -> memref<1x!tpu.dma_semaphore, #tpu.memory_space<semaphore_mem>>
    %dma_start3A_471 = tpu.memref_squeeze %dma_start3A_470 : memref<1x!tpu.dma_semaphore, #tpu.memory_space<semaphore_mem>> -> memref<!tpu.dma_semaphore, #tpu.memory_space<semaphore_mem>>
    tpu.enqueue_indirect_dma source(%dma_start3A_469 : memref<4096x128xf32, #tpu.memory_space<hbm>>) target(%dma_start3A_463 : memref<128x128xf32, #tpu.memory_space<vmem>>) offsets(%dma_start3A_466 : memref<128xi32, #tpu.memory_space<vmem>>) semaphore(%dma_start3A_471 : memref<!tpu.dma_semaphore, #tpu.memory_space<semaphore_mem>>)
    %dma_wait3A_472 = arith.constant 7 : i32
    %dma_wait3A_473 = arith.constant 1 : i32
    %dma_wait3A_474 = arith.constant 1 : i32
    %dma_wait3A_475 = arith.constant 0 : i32
    %dma_wait3A_476 = arith.constant 0 : i32
    %dma_wait3A_477 = tpu.memref_slice %arg7[%dma_wait3A_473, %dma_wait3A_475, %dma_wait3A_476] : memref<6x128x128xf32, #tpu.memory_space<vmem>> -> memref<1x128x128xf32, #tpu.memory_space<vmem>>
    %dma_wait3A_478 = tpu.memref_squeeze %dma_wait3A_477 : memref<1x128x128xf32, #tpu.memory_space<vmem>> -> memref<128x128xf32, #tpu.memory_space<vmem>>
    %dma_wait3A_479 = arith.constant 0 : i32
    %dma_wait3A_480 = tpu.memref_slice %arg6[%dma_wait3A_472, %dma_wait3A_479] : memref<17x128xi32, #tpu.memory_space<vmem>> -> memref<1x128xi32, #tpu.memory_space<vmem>>
    %dma_wait3A_481 = tpu.memref_squeeze %dma_wait3A_480 : memref<1x128xi32, #tpu.memory_space<vmem>> -> memref<128xi32, #tpu.memory_space<vmem>>
    %dma_wait3A_482 = arith.constant 0 : i32
    %dma_wait3A_483 = arith.constant 0 : i32
    %dma_wait3A_484 = tpu.memref_slice %arg2[%dma_wait3A_482, %dma_wait3A_483] : memref<4096x128xf32, #tpu.memory_space<hbm>> -> memref<4096x128xf32, #tpu.memory_space<hbm>>
    %dma_wait3A_485 = tpu.memref_slice %arg8[%dma_wait3A_474] : memref<6x!tpu.dma_semaphore, #tpu.memory_space<semaphore_mem>> -> memref<1x!tpu.dma_semaphore, #tpu.memory_space<semaphore_mem>>
    %dma_wait3A_486 = tpu.memref_squeeze %dma_wait3A_485 : memref<1x!tpu.dma_semaphore, #tpu.memory_space<semaphore_mem>> -> memref<!tpu.dma_semaphore, #tpu.memory_space<semaphore_mem>>
    tpu.wait_indirect_dma semaphore(%dma_wait3A_486 : memref<!tpu.dma_semaphore, #tpu.memory_space<semaphore_mem>>) src(%dma_wait3A_484 : memref<4096x128xf32, #tpu.memory_space<hbm>>) dst(%dma_wait3A_478 : memref<128x128xf32, #tpu.memory_space<vmem>>)
    %mul3A_487 = arith.constant 15 : i32
    %mul3A_488 = arith.muli %add3A, %mul3A_487 : i32
    %add3A_489 = arith.constant 7 : i32
    %add3A_490 = arith.addi %mul3A_488, %add3A_489 : i32
    %mul3A_491 = arith.constant 128 : i32
    %mul3A_492 = arith.muli %add3A_490, %mul3A_491 : i32
    %dma_start3A_493 = arith.constant 1 : i32
    %dma_start3A_494 = arith.constant 1 : i32
    %dma_start3A_495 = arith.constant 0 : i32
    %dma_start3A_496 = arith.constant 0 : i32
    %dma_start3A_497 = tpu.memref_slice %arg7[%dma_start3A_493, %dma_start3A_495, %dma_start3A_496] : memref<6x128x128xf32, #tpu.memory_space<vmem>> -> memref<1x128x128xf32, #tpu.memory_space<vmem>>
    %dma_start3A_498 = tpu.memref_squeeze %dma_start3A_497 : memref<1x128x128xf32, #tpu.memory_space<vmem>> -> memref<128x128xf32, #tpu.memory_space<vmem>>
    %dma_start3A_499 = arith.constant 0 : i32
    %dma_start3A_500 = tpu.memref_slice %arg4[%mul3A_492, %dma_start3A_499] : memref<61440x128xf32, #tpu.memory_space<hbm>> -> memref<128x128xf32, #tpu.memory_space<hbm>>
    %dma_start3A_501 = tpu.memref_slice %arg9[%dma_start3A_494] : memref<6x!tpu.dma_semaphore, #tpu.memory_space<semaphore_mem>> -> memref<1x!tpu.dma_semaphore, #tpu.memory_space<semaphore_mem>>
    %dma_start3A_502 = tpu.memref_squeeze %dma_start3A_501 : memref<1x!tpu.dma_semaphore, #tpu.memory_space<semaphore_mem>> -> memref<!tpu.dma_semaphore, #tpu.memory_space<semaphore_mem>>
    %dma_start3A_503 = arith.constant 0 : i32
    %dma_start3A_504 = tpu.memref_slice %arg4[%mul3A_492, %dma_start3A_503] : memref<61440x128xf32, #tpu.memory_space<hbm>> -> memref<128x128xf32, #tpu.memory_space<hbm>>
    %dma_start3A_505 = arith.constant 0 : i32
    %dma_start3A_506 = arith.constant 0 : i32
    %dma_start3A_507 = tpu.memref_slice %arg7[%dma_start3A_493, %dma_start3A_505, %dma_start3A_506] : memref<6x128x128xf32, #tpu.memory_space<vmem>> -> memref<1x128x128xf32, #tpu.memory_space<vmem>>
    %dma_start3A_508 = tpu.memref_squeeze %dma_start3A_507 : memref<1x128x128xf32, #tpu.memory_space<vmem>> -> memref<128x128xf32, #tpu.memory_space<vmem>>
    tpu.enqueue_dma source(%dma_start3A_508 : memref<128x128xf32, #tpu.memory_space<vmem>>) target(%dma_start3A_504 : memref<128x128xf32, #tpu.memory_space<hbm>>) target_semaphore(%dma_start3A_502 : memref<!tpu.dma_semaphore, #tpu.memory_space<semaphore_mem>>)
    %dma_wait3A_509 = arith.constant 4 : i32
    %dma_wait3A_510 = arith.constant 4 : i32
    %dma_wait3A_511 = arith.constant 0 : i32
    %dma_wait3A_512 = arith.constant 0 : i32
    %dma_wait3A_513 = tpu.memref_slice %arg7[%dma_wait3A_509, %dma_wait3A_511, %dma_wait3A_512] : memref<6x128x128xf32, #tpu.memory_space<vmem>> -> memref<1x128x128xf32, #tpu.memory_space<vmem>>
    %dma_wait3A_514 = tpu.memref_squeeze %dma_wait3A_513 : memref<1x128x128xf32, #tpu.memory_space<vmem>> -> memref<128x128xf32, #tpu.memory_space<vmem>>
    %dma_wait3A_515 = arith.constant 0 : i32
    %dma_wait3A_516 = tpu.memref_slice %arg4[%mul3A_288, %dma_wait3A_515] : memref<61440x128xf32, #tpu.memory_space<hbm>> -> memref<128x128xf32, #tpu.memory_space<hbm>>
    %dma_wait3A_517 = tpu.memref_slice %arg9[%dma_wait3A_510] : memref<6x!tpu.dma_semaphore, #tpu.memory_space<semaphore_mem>> -> memref<1x!tpu.dma_semaphore, #tpu.memory_space<semaphore_mem>>
    %dma_wait3A_518 = tpu.memref_squeeze %dma_wait3A_517 : memref<1x!tpu.dma_semaphore, #tpu.memory_space<semaphore_mem>> -> memref<!tpu.dma_semaphore, #tpu.memory_space<semaphore_mem>>
    %dma_wait3A_519 = arith.constant 0 : i32
    %dma_wait3A_520 = tpu.memref_slice %arg4[%mul3A_288, %dma_wait3A_519] : memref<61440x128xf32, #tpu.memory_space<hbm>> -> memref<128x128xf32, #tpu.memory_space<hbm>>
    %dma_wait3A_521 = arith.constant 0 : i32
    %dma_wait3A_522 = arith.constant 0 : i32
    %dma_wait3A_523 = tpu.memref_slice %arg7[%dma_wait3A_509, %dma_wait3A_521, %dma_wait3A_522] : memref<6x128x128xf32, #tpu.memory_space<vmem>> -> memref<1x128x128xf32, #tpu.memory_space<vmem>>
    %dma_wait3A_524 = tpu.memref_squeeze %dma_wait3A_523 : memref<1x128x128xf32, #tpu.memory_space<vmem>> -> memref<128x128xf32, #tpu.memory_space<vmem>>
    tpu.wait_dma2 semaphore(%dma_wait3A_518 : memref<!tpu.dma_semaphore, #tpu.memory_space<semaphore_mem>>) src(%dma_wait3A_524 : memref<128x128xf32, #tpu.memory_space<vmem>>) dst(%dma_wait3A_520 : memref<128x128xf32, #tpu.memory_space<hbm>>)
    %dma_start3A_525 = arith.constant 10 : i32
    %dma_start3A_526 = arith.constant 4 : i32
    %dma_start3A_527 = arith.constant 4 : i32
    %dma_start3A_528 = arith.constant 0 : i32
    %dma_start3A_529 = arith.constant 0 : i32
    %dma_start3A_530 = tpu.memref_slice %arg7[%dma_start3A_526, %dma_start3A_528, %dma_start3A_529] : memref<6x128x128xf32, #tpu.memory_space<vmem>> -> memref<1x128x128xf32, #tpu.memory_space<vmem>>
    %dma_start3A_531 = tpu.memref_squeeze %dma_start3A_530 : memref<1x128x128xf32, #tpu.memory_space<vmem>> -> memref<128x128xf32, #tpu.memory_space<vmem>>
    %dma_start3A_532 = arith.constant 0 : i32
    %dma_start3A_533 = tpu.memref_slice %arg6[%dma_start3A_525, %dma_start3A_532] : memref<17x128xi32, #tpu.memory_space<vmem>> -> memref<1x128xi32, #tpu.memory_space<vmem>>
    %dma_start3A_534 = tpu.memref_squeeze %dma_start3A_533 : memref<1x128xi32, #tpu.memory_space<vmem>> -> memref<128xi32, #tpu.memory_space<vmem>>
    %dma_start3A_535 = arith.constant 0 : i32
    %dma_start3A_536 = arith.constant 0 : i32
    %dma_start3A_537 = tpu.memref_slice %arg2[%dma_start3A_535, %dma_start3A_536] : memref<4096x128xf32, #tpu.memory_space<hbm>> -> memref<4096x128xf32, #tpu.memory_space<hbm>>
    %dma_start3A_538 = tpu.memref_slice %arg8[%dma_start3A_527] : memref<6x!tpu.dma_semaphore, #tpu.memory_space<semaphore_mem>> -> memref<1x!tpu.dma_semaphore, #tpu.memory_space<semaphore_mem>>
    %dma_start3A_539 = tpu.memref_squeeze %dma_start3A_538 : memref<1x!tpu.dma_semaphore, #tpu.memory_space<semaphore_mem>> -> memref<!tpu.dma_semaphore, #tpu.memory_space<semaphore_mem>>
    tpu.enqueue_indirect_dma source(%dma_start3A_537 : memref<4096x128xf32, #tpu.memory_space<hbm>>) target(%dma_start3A_531 : memref<128x128xf32, #tpu.memory_space<vmem>>) offsets(%dma_start3A_534 : memref<128xi32, #tpu.memory_space<vmem>>) semaphore(%dma_start3A_539 : memref<!tpu.dma_semaphore, #tpu.memory_space<semaphore_mem>>)
    %dma_wait3A_540 = arith.constant 8 : i32
    %dma_wait3A_541 = arith.constant 2 : i32
    %dma_wait3A_542 = arith.constant 2 : i32
    %dma_wait3A_543 = arith.constant 0 : i32
    %dma_wait3A_544 = arith.constant 0 : i32
    %dma_wait3A_545 = tpu.memref_slice %arg7[%dma_wait3A_541, %dma_wait3A_543, %dma_wait3A_544] : memref<6x128x128xf32, #tpu.memory_space<vmem>> -> memref<1x128x128xf32, #tpu.memory_space<vmem>>
    %dma_wait3A_546 = tpu.memref_squeeze %dma_wait3A_545 : memref<1x128x128xf32, #tpu.memory_space<vmem>> -> memref<128x128xf32, #tpu.memory_space<vmem>>
    %dma_wait3A_547 = arith.constant 0 : i32
    %dma_wait3A_548 = tpu.memref_slice %arg6[%dma_wait3A_540, %dma_wait3A_547] : memref<17x128xi32, #tpu.memory_space<vmem>> -> memref<1x128xi32, #tpu.memory_space<vmem>>
    %dma_wait3A_549 = tpu.memref_squeeze %dma_wait3A_548 : memref<1x128xi32, #tpu.memory_space<vmem>> -> memref<128xi32, #tpu.memory_space<vmem>>
    %dma_wait3A_550 = arith.constant 0 : i32
    %dma_wait3A_551 = arith.constant 0 : i32
    %dma_wait3A_552 = tpu.memref_slice %arg2[%dma_wait3A_550, %dma_wait3A_551] : memref<4096x128xf32, #tpu.memory_space<hbm>> -> memref<4096x128xf32, #tpu.memory_space<hbm>>
    %dma_wait3A_553 = tpu.memref_slice %arg8[%dma_wait3A_542] : memref<6x!tpu.dma_semaphore, #tpu.memory_space<semaphore_mem>> -> memref<1x!tpu.dma_semaphore, #tpu.memory_space<semaphore_mem>>
    %dma_wait3A_554 = tpu.memref_squeeze %dma_wait3A_553 : memref<1x!tpu.dma_semaphore, #tpu.memory_space<semaphore_mem>> -> memref<!tpu.dma_semaphore, #tpu.memory_space<semaphore_mem>>
    tpu.wait_indirect_dma semaphore(%dma_wait3A_554 : memref<!tpu.dma_semaphore, #tpu.memory_space<semaphore_mem>>) src(%dma_wait3A_552 : memref<4096x128xf32, #tpu.memory_space<hbm>>) dst(%dma_wait3A_546 : memref<128x128xf32, #tpu.memory_space<vmem>>)
    %mul3A_555 = arith.constant 15 : i32
    %mul3A_556 = arith.muli %add3A, %mul3A_555 : i32
    %add3A_557 = arith.constant 8 : i32
    %add3A_558 = arith.addi %mul3A_556, %add3A_557 : i32
    %mul3A_559 = arith.constant 128 : i32
    %mul3A_560 = arith.muli %add3A_558, %mul3A_559 : i32
    %dma_start3A_561 = arith.constant 2 : i32
    %dma_start3A_562 = arith.constant 2 : i32
    %dma_start3A_563 = arith.constant 0 : i32
    %dma_start3A_564 = arith.constant 0 : i32
    %dma_start3A_565 = tpu.memref_slice %arg7[%dma_start3A_561, %dma_start3A_563, %dma_start3A_564] : memref<6x128x128xf32, #tpu.memory_space<vmem>> -> memref<1x128x128xf32, #tpu.memory_space<vmem>>
    %dma_start3A_566 = tpu.memref_squeeze %dma_start3A_565 : memref<1x128x128xf32, #tpu.memory_space<vmem>> -> memref<128x128xf32, #tpu.memory_space<vmem>>
    %dma_start3A_567 = arith.constant 0 : i32
    %dma_start3A_568 = tpu.memref_slice %arg4[%mul3A_560, %dma_start3A_567] : memref<61440x128xf32, #tpu.memory_space<hbm>> -> memref<128x128xf32, #tpu.memory_space<hbm>>
    %dma_start3A_569 = tpu.memref_slice %arg9[%dma_start3A_562] : memref<6x!tpu.dma_semaphore, #tpu.memory_space<semaphore_mem>> -> memref<1x!tpu.dma_semaphore, #tpu.memory_space<semaphore_mem>>
    %dma_start3A_570 = tpu.memref_squeeze %dma_start3A_569 : memref<1x!tpu.dma_semaphore, #tpu.memory_space<semaphore_mem>> -> memref<!tpu.dma_semaphore, #tpu.memory_space<semaphore_mem>>
    %dma_start3A_571 = arith.constant 0 : i32
    %dma_start3A_572 = tpu.memref_slice %arg4[%mul3A_560, %dma_start3A_571] : memref<61440x128xf32, #tpu.memory_space<hbm>> -> memref<128x128xf32, #tpu.memory_space<hbm>>
    %dma_start3A_573 = arith.constant 0 : i32
    %dma_start3A_574 = arith.constant 0 : i32
    %dma_start3A_575 = tpu.memref_slice %arg7[%dma_start3A_561, %dma_start3A_573, %dma_start3A_574] : memref<6x128x128xf32, #tpu.memory_space<vmem>> -> memref<1x128x128xf32, #tpu.memory_space<vmem>>
    %dma_start3A_576 = tpu.memref_squeeze %dma_start3A_575 : memref<1x128x128xf32, #tpu.memory_space<vmem>> -> memref<128x128xf32, #tpu.memory_space<vmem>>
    tpu.enqueue_dma source(%dma_start3A_576 : memref<128x128xf32, #tpu.memory_space<vmem>>) target(%dma_start3A_572 : memref<128x128xf32, #tpu.memory_space<hbm>>) target_semaphore(%dma_start3A_570 : memref<!tpu.dma_semaphore, #tpu.memory_space<semaphore_mem>>)
    %dma_wait3A_577 = arith.constant 5 : i32
    %dma_wait3A_578 = arith.constant 5 : i32
    %dma_wait3A_579 = arith.constant 0 : i32
    %dma_wait3A_580 = arith.constant 0 : i32
    %dma_wait3A_581 = tpu.memref_slice %arg7[%dma_wait3A_577, %dma_wait3A_579, %dma_wait3A_580] : memref<6x128x128xf32, #tpu.memory_space<vmem>> -> memref<1x128x128xf32, #tpu.memory_space<vmem>>
    %dma_wait3A_582 = tpu.memref_squeeze %dma_wait3A_581 : memref<1x128x128xf32, #tpu.memory_space<vmem>> -> memref<128x128xf32, #tpu.memory_space<vmem>>
    %dma_wait3A_583 = arith.constant 0 : i32
    %dma_wait3A_584 = tpu.memref_slice %arg4[%mul3A_356, %dma_wait3A_583] : memref<61440x128xf32, #tpu.memory_space<hbm>> -> memref<128x128xf32, #tpu.memory_space<hbm>>
    %dma_wait3A_585 = tpu.memref_slice %arg9[%dma_wait3A_578] : memref<6x!tpu.dma_semaphore, #tpu.memory_space<semaphore_mem>> -> memref<1x!tpu.dma_semaphore, #tpu.memory_space<semaphore_mem>>
    %dma_wait3A_586 = tpu.memref_squeeze %dma_wait3A_585 : memref<1x!tpu.dma_semaphore, #tpu.memory_space<semaphore_mem>> -> memref<!tpu.dma_semaphore, #tpu.memory_space<semaphore_mem>>
    %dma_wait3A_587 = arith.constant 0 : i32
    %dma_wait3A_588 = tpu.memref_slice %arg4[%mul3A_356, %dma_wait3A_587] : memref<61440x128xf32, #tpu.memory_space<hbm>> -> memref<128x128xf32, #tpu.memory_space<hbm>>
    %dma_wait3A_589 = arith.constant 0 : i32
    %dma_wait3A_590 = arith.constant 0 : i32
    %dma_wait3A_591 = tpu.memref_slice %arg7[%dma_wait3A_577, %dma_wait3A_589, %dma_wait3A_590] : memref<6x128x128xf32, #tpu.memory_space<vmem>> -> memref<1x128x128xf32, #tpu.memory_space<vmem>>
    %dma_wait3A_592 = tpu.memref_squeeze %dma_wait3A_591 : memref<1x128x128xf32, #tpu.memory_space<vmem>> -> memref<128x128xf32, #tpu.memory_space<vmem>>
    tpu.wait_dma2 semaphore(%dma_wait3A_586 : memref<!tpu.dma_semaphore, #tpu.memory_space<semaphore_mem>>) src(%dma_wait3A_592 : memref<128x128xf32, #tpu.memory_space<vmem>>) dst(%dma_wait3A_588 : memref<128x128xf32, #tpu.memory_space<hbm>>)
    %dma_start3A_593 = arith.constant 11 : i32
    %dma_start3A_594 = arith.constant 5 : i32
    %dma_start3A_595 = arith.constant 5 : i32
    %dma_start3A_596 = arith.constant 0 : i32
    %dma_start3A_597 = arith.constant 0 : i32
    %dma_start3A_598 = tpu.memref_slice %arg7[%dma_start3A_594, %dma_start3A_596, %dma_start3A_597] : memref<6x128x128xf32, #tpu.memory_space<vmem>> -> memref<1x128x128xf32, #tpu.memory_space<vmem>>
    %dma_start3A_599 = tpu.memref_squeeze %dma_start3A_598 : memref<1x128x128xf32, #tpu.memory_space<vmem>> -> memref<128x128xf32, #tpu.memory_space<vmem>>
    %dma_start3A_600 = arith.constant 0 : i32
    %dma_start3A_601 = tpu.memref_slice %arg6[%dma_start3A_593, %dma_start3A_600] : memref<17x128xi32, #tpu.memory_space<vmem>> -> memref<1x128xi32, #tpu.memory_space<vmem>>
    %dma_start3A_602 = tpu.memref_squeeze %dma_start3A_601 : memref<1x128xi32, #tpu.memory_space<vmem>> -> memref<128xi32, #tpu.memory_space<vmem>>
    %dma_start3A_603 = arith.constant 0 : i32
    %dma_start3A_604 = arith.constant 0 : i32
    %dma_start3A_605 = tpu.memref_slice %arg2[%dma_start3A_603, %dma_start3A_604] : memref<4096x128xf32, #tpu.memory_space<hbm>> -> memref<4096x128xf32, #tpu.memory_space<hbm>>
    %dma_start3A_606 = tpu.memref_slice %arg8[%dma_start3A_595] : memref<6x!tpu.dma_semaphore, #tpu.memory_space<semaphore_mem>> -> memref<1x!tpu.dma_semaphore, #tpu.memory_space<semaphore_mem>>
    %dma_start3A_607 = tpu.memref_squeeze %dma_start3A_606 : memref<1x!tpu.dma_semaphore, #tpu.memory_space<semaphore_mem>> -> memref<!tpu.dma_semaphore, #tpu.memory_space<semaphore_mem>>
    tpu.enqueue_indirect_dma source(%dma_start3A_605 : memref<4096x128xf32, #tpu.memory_space<hbm>>) target(%dma_start3A_599 : memref<128x128xf32, #tpu.memory_space<vmem>>) offsets(%dma_start3A_602 : memref<128xi32, #tpu.memory_space<vmem>>) semaphore(%dma_start3A_607 : memref<!tpu.dma_semaphore, #tpu.memory_space<semaphore_mem>>)
    %dma_wait3A_608 = arith.constant 9 : i32
    %dma_wait3A_609 = arith.constant 3 : i32
    %dma_wait3A_610 = arith.constant 3 : i32
    %dma_wait3A_611 = arith.constant 0 : i32
    %dma_wait3A_612 = arith.constant 0 : i32
    %dma_wait3A_613 = tpu.memref_slice %arg7[%dma_wait3A_609, %dma_wait3A_611, %dma_wait3A_612] : memref<6x128x128xf32, #tpu.memory_space<vmem>> -> memref<1x128x128xf32, #tpu.memory_space<vmem>>
    %dma_wait3A_614 = tpu.memref_squeeze %dma_wait3A_613 : memref<1x128x128xf32, #tpu.memory_space<vmem>> -> memref<128x128xf32, #tpu.memory_space<vmem>>
    %dma_wait3A_615 = arith.constant 0 : i32
    %dma_wait3A_616 = tpu.memref_slice %arg6[%dma_wait3A_608, %dma_wait3A_615] : memref<17x128xi32, #tpu.memory_space<vmem>> -> memref<1x128xi32, #tpu.memory_space<vmem>>
    %dma_wait3A_617 = tpu.memref_squeeze %dma_wait3A_616 : memref<1x128xi32, #tpu.memory_space<vmem>> -> memref<128xi32, #tpu.memory_space<vmem>>
    %dma_wait3A_618 = arith.constant 0 : i32
    %dma_wait3A_619 = arith.constant 0 : i32
    %dma_wait3A_620 = tpu.memref_slice %arg2[%dma_wait3A_618, %dma_wait3A_619] : memref<4096x128xf32, #tpu.memory_space<hbm>> -> memref<4096x128xf32, #tpu.memory_space<hbm>>
    %dma_wait3A_621 = tpu.memref_slice %arg8[%dma_wait3A_610] : memref<6x!tpu.dma_semaphore, #tpu.memory_space<semaphore_mem>> -> memref<1x!tpu.dma_semaphore, #tpu.memory_space<semaphore_mem>>
    %dma_wait3A_622 = tpu.memref_squeeze %dma_wait3A_621 : memref<1x!tpu.dma_semaphore, #tpu.memory_space<semaphore_mem>> -> memref<!tpu.dma_semaphore, #tpu.memory_space<semaphore_mem>>
    tpu.wait_indirect_dma semaphore(%dma_wait3A_622 : memref<!tpu.dma_semaphore, #tpu.memory_space<semaphore_mem>>) src(%dma_wait3A_620 : memref<4096x128xf32, #tpu.memory_space<hbm>>) dst(%dma_wait3A_614 : memref<128x128xf32, #tpu.memory_space<vmem>>)
    %mul3A_623 = arith.constant 15 : i32
    %mul3A_624 = arith.muli %add3A, %mul3A_623 : i32
    %add3A_625 = arith.constant 9 : i32
    %add3A_626 = arith.addi %mul3A_624, %add3A_625 : i32
    %mul3A_627 = arith.constant 128 : i32
    %mul3A_628 = arith.muli %add3A_626, %mul3A_627 : i32
    %dma_start3A_629 = arith.constant 3 : i32
    %dma_start3A_630 = arith.constant 3 : i32
    %dma_start3A_631 = arith.constant 0 : i32
    %dma_start3A_632 = arith.constant 0 : i32
    %dma_start3A_633 = tpu.memref_slice %arg7[%dma_start3A_629, %dma_start3A_631, %dma_start3A_632] : memref<6x128x128xf32, #tpu.memory_space<vmem>> -> memref<1x128x128xf32, #tpu.memory_space<vmem>>
    %dma_start3A_634 = tpu.memref_squeeze %dma_start3A_633 : memref<1x128x128xf32, #tpu.memory_space<vmem>> -> memref<128x128xf32, #tpu.memory_space<vmem>>
    %dma_start3A_635 = arith.constant 0 : i32
    %dma_start3A_636 = tpu.memref_slice %arg4[%mul3A_628, %dma_start3A_635] : memref<61440x128xf32, #tpu.memory_space<hbm>> -> memref<128x128xf32, #tpu.memory_space<hbm>>
    %dma_start3A_637 = tpu.memref_slice %arg9[%dma_start3A_630] : memref<6x!tpu.dma_semaphore, #tpu.memory_space<semaphore_mem>> -> memref<1x!tpu.dma_semaphore, #tpu.memory_space<semaphore_mem>>
    %dma_start3A_638 = tpu.memref_squeeze %dma_start3A_637 : memref<1x!tpu.dma_semaphore, #tpu.memory_space<semaphore_mem>> -> memref<!tpu.dma_semaphore, #tpu.memory_space<semaphore_mem>>
    %dma_start3A_639 = arith.constant 0 : i32
    %dma_start3A_640 = tpu.memref_slice %arg4[%mul3A_628, %dma_start3A_639] : memref<61440x128xf32, #tpu.memory_space<hbm>> -> memref<128x128xf32, #tpu.memory_space<hbm>>
    %dma_start3A_641 = arith.constant 0 : i32
    %dma_start3A_642 = arith.constant 0 : i32
    %dma_start3A_643 = tpu.memref_slice %arg7[%dma_start3A_629, %dma_start3A_641, %dma_start3A_642] : memref<6x128x128xf32, #tpu.memory_space<vmem>> -> memref<1x128x128xf32, #tpu.memory_space<vmem>>
    %dma_start3A_644 = tpu.memref_squeeze %dma_start3A_643 : memref<1x128x128xf32, #tpu.memory_space<vmem>> -> memref<128x128xf32, #tpu.memory_space<vmem>>
    tpu.enqueue_dma source(%dma_start3A_644 : memref<128x128xf32, #tpu.memory_space<vmem>>) target(%dma_start3A_640 : memref<128x128xf32, #tpu.memory_space<hbm>>) target_semaphore(%dma_start3A_638 : memref<!tpu.dma_semaphore, #tpu.memory_space<semaphore_mem>>)
    %dma_wait3A_645 = arith.constant 0 : i32
    %dma_wait3A_646 = arith.constant 0 : i32
    %dma_wait3A_647 = arith.constant 0 : i32
    %dma_wait3A_648 = arith.constant 0 : i32
    %dma_wait3A_649 = tpu.memref_slice %arg7[%dma_wait3A_645, %dma_wait3A_647, %dma_wait3A_648] : memref<6x128x128xf32, #tpu.memory_space<vmem>> -> memref<1x128x128xf32, #tpu.memory_space<vmem>>
    %dma_wait3A_650 = tpu.memref_squeeze %dma_wait3A_649 : memref<1x128x128xf32, #tpu.memory_space<vmem>> -> memref<128x128xf32, #tpu.memory_space<vmem>>
    %dma_wait3A_651 = arith.constant 0 : i32
    %dma_wait3A_652 = tpu.memref_slice %arg4[%mul3A_424, %dma_wait3A_651] : memref<61440x128xf32, #tpu.memory_space<hbm>> -> memref<128x128xf32, #tpu.memory_space<hbm>>
    %dma_wait3A_653 = tpu.memref_slice %arg9[%dma_wait3A_646] : memref<6x!tpu.dma_semaphore, #tpu.memory_space<semaphore_mem>> -> memref<1x!tpu.dma_semaphore, #tpu.memory_space<semaphore_mem>>
    %dma_wait3A_654 = tpu.memref_squeeze %dma_wait3A_653 : memref<1x!tpu.dma_semaphore, #tpu.memory_space<semaphore_mem>> -> memref<!tpu.dma_semaphore, #tpu.memory_space<semaphore_mem>>
    %dma_wait3A_655 = arith.constant 0 : i32
    %dma_wait3A_656 = tpu.memref_slice %arg4[%mul3A_424, %dma_wait3A_655] : memref<61440x128xf32, #tpu.memory_space<hbm>> -> memref<128x128xf32, #tpu.memory_space<hbm>>
    %dma_wait3A_657 = arith.constant 0 : i32
    %dma_wait3A_658 = arith.constant 0 : i32
    %dma_wait3A_659 = tpu.memref_slice %arg7[%dma_wait3A_645, %dma_wait3A_657, %dma_wait3A_658] : memref<6x128x128xf32, #tpu.memory_space<vmem>> -> memref<1x128x128xf32, #tpu.memory_space<vmem>>
    %dma_wait3A_660 = tpu.memref_squeeze %dma_wait3A_659 : memref<1x128x128xf32, #tpu.memory_space<vmem>> -> memref<128x128xf32, #tpu.memory_space<vmem>>
    tpu.wait_dma2 semaphore(%dma_wait3A_654 : memref<!tpu.dma_semaphore, #tpu.memory_space<semaphore_mem>>) src(%dma_wait3A_660 : memref<128x128xf32, #tpu.memory_space<vmem>>) dst(%dma_wait3A_656 : memref<128x128xf32, #tpu.memory_space<hbm>>)
    %dma_start3A_661 = arith.constant 12 : i32
    %dma_start3A_662 = arith.constant 0 : i32
    %dma_start3A_663 = arith.constant 0 : i32
    %dma_start3A_664 = arith.constant 0 : i32
    %dma_start3A_665 = arith.constant 0 : i32
    %dma_start3A_666 = tpu.memref_slice %arg7[%dma_start3A_662, %dma_start3A_664, %dma_start3A_665] : memref<6x128x128xf32, #tpu.memory_space<vmem>> -> memref<1x128x128xf32, #tpu.memory_space<vmem>>
    %dma_start3A_667 = tpu.memref_squeeze %dma_start3A_666 : memref<1x128x128xf32, #tpu.memory_space<vmem>> -> memref<128x128xf32, #tpu.memory_space<vmem>>
    %dma_start3A_668 = arith.constant 0 : i32
    %dma_start3A_669 = tpu.memref_slice %arg6[%dma_start3A_661, %dma_start3A_668] : memref<17x128xi32, #tpu.memory_space<vmem>> -> memref<1x128xi32, #tpu.memory_space<vmem>>
    %dma_start3A_670 = tpu.memref_squeeze %dma_start3A_669 : memref<1x128xi32, #tpu.memory_space<vmem>> -> memref<128xi32, #tpu.memory_space<vmem>>
    %dma_start3A_671 = arith.constant 0 : i32
    %dma_start3A_672 = arith.constant 0 : i32
    %dma_start3A_673 = tpu.memref_slice %arg2[%dma_start3A_671, %dma_start3A_672] : memref<4096x128xf32, #tpu.memory_space<hbm>> -> memref<4096x128xf32, #tpu.memory_space<hbm>>
    %dma_start3A_674 = tpu.memref_slice %arg8[%dma_start3A_663] : memref<6x!tpu.dma_semaphore, #tpu.memory_space<semaphore_mem>> -> memref<1x!tpu.dma_semaphore, #tpu.memory_space<semaphore_mem>>
    %dma_start3A_675 = tpu.memref_squeeze %dma_start3A_674 : memref<1x!tpu.dma_semaphore, #tpu.memory_space<semaphore_mem>> -> memref<!tpu.dma_semaphore, #tpu.memory_space<semaphore_mem>>
    tpu.enqueue_indirect_dma source(%dma_start3A_673 : memref<4096x128xf32, #tpu.memory_space<hbm>>) target(%dma_start3A_667 : memref<128x128xf32, #tpu.memory_space<vmem>>) offsets(%dma_start3A_670 : memref<128xi32, #tpu.memory_space<vmem>>) semaphore(%dma_start3A_675 : memref<!tpu.dma_semaphore, #tpu.memory_space<semaphore_mem>>)
    %dma_wait3A_676 = arith.constant 10 : i32
    %dma_wait3A_677 = arith.constant 4 : i32
    %dma_wait3A_678 = arith.constant 4 : i32
    %dma_wait3A_679 = arith.constant 0 : i32
    %dma_wait3A_680 = arith.constant 0 : i32
    %dma_wait3A_681 = tpu.memref_slice %arg7[%dma_wait3A_677, %dma_wait3A_679, %dma_wait3A_680] : memref<6x128x128xf32, #tpu.memory_space<vmem>> -> memref<1x128x128xf32, #tpu.memory_space<vmem>>
    %dma_wait3A_682 = tpu.memref_squeeze %dma_wait3A_681 : memref<1x128x128xf32, #tpu.memory_space<vmem>> -> memref<128x128xf32, #tpu.memory_space<vmem>>
    %dma_wait3A_683 = arith.constant 0 : i32
    %dma_wait3A_684 = tpu.memref_slice %arg6[%dma_wait3A_676, %dma_wait3A_683] : memref<17x128xi32, #tpu.memory_space<vmem>> -> memref<1x128xi32, #tpu.memory_space<vmem>>
    %dma_wait3A_685 = tpu.memref_squeeze %dma_wait3A_684 : memref<1x128xi32, #tpu.memory_space<vmem>> -> memref<128xi32, #tpu.memory_space<vmem>>
    %dma_wait3A_686 = arith.constant 0 : i32
    %dma_wait3A_687 = arith.constant 0 : i32
    %dma_wait3A_688 = tpu.memref_slice %arg2[%dma_wait3A_686, %dma_wait3A_687] : memref<4096x128xf32, #tpu.memory_space<hbm>> -> memref<4096x128xf32, #tpu.memory_space<hbm>>
    %dma_wait3A_689 = tpu.memref_slice %arg8[%dma_wait3A_678] : memref<6x!tpu.dma_semaphore, #tpu.memory_space<semaphore_mem>> -> memref<1x!tpu.dma_semaphore, #tpu.memory_space<semaphore_mem>>
    %dma_wait3A_690 = tpu.memref_squeeze %dma_wait3A_689 : memref<1x!tpu.dma_semaphore, #tpu.memory_space<semaphore_mem>> -> memref<!tpu.dma_semaphore, #tpu.memory_space<semaphore_mem>>
    tpu.wait_indirect_dma semaphore(%dma_wait3A_690 : memref<!tpu.dma_semaphore, #tpu.memory_space<semaphore_mem>>) src(%dma_wait3A_688 : memref<4096x128xf32, #tpu.memory_space<hbm>>) dst(%dma_wait3A_682 : memref<128x128xf32, #tpu.memory_space<vmem>>)
    %mul3A_691 = arith.constant 15 : i32
    %mul3A_692 = arith.muli %add3A, %mul3A_691 : i32
    %add3A_693 = arith.constant 10 : i32
    %add3A_694 = arith.addi %mul3A_692, %add3A_693 : i32
    %mul3A_695 = arith.constant 128 : i32
    %mul3A_696 = arith.muli %add3A_694, %mul3A_695 : i32
    %dma_start3A_697 = arith.constant 4 : i32
    %dma_start3A_698 = arith.constant 4 : i32
    %dma_start3A_699 = arith.constant 0 : i32
    %dma_start3A_700 = arith.constant 0 : i32
    %dma_start3A_701 = tpu.memref_slice %arg7[%dma_start3A_697, %dma_start3A_699, %dma_start3A_700] : memref<6x128x128xf32, #tpu.memory_space<vmem>> -> memref<1x128x128xf32, #tpu.memory_space<vmem>>
    %dma_start3A_702 = tpu.memref_squeeze %dma_start3A_701 : memref<1x128x128xf32, #tpu.memory_space<vmem>> -> memref<128x128xf32, #tpu.memory_space<vmem>>
    %dma_start3A_703 = arith.constant 0 : i32
    %dma_start3A_704 = tpu.memref_slice %arg4[%mul3A_696, %dma_start3A_703] : memref<61440x128xf32, #tpu.memory_space<hbm>> -> memref<128x128xf32, #tpu.memory_space<hbm>>
    %dma_start3A_705 = tpu.memref_slice %arg9[%dma_start3A_698] : memref<6x!tpu.dma_semaphore, #tpu.memory_space<semaphore_mem>> -> memref<1x!tpu.dma_semaphore, #tpu.memory_space<semaphore_mem>>
    %dma_start3A_706 = tpu.memref_squeeze %dma_start3A_705 : memref<1x!tpu.dma_semaphore, #tpu.memory_space<semaphore_mem>> -> memref<!tpu.dma_semaphore, #tpu.memory_space<semaphore_mem>>
    %dma_start3A_707 = arith.constant 0 : i32
    %dma_start3A_708 = tpu.memref_slice %arg4[%mul3A_696, %dma_start3A_707] : memref<61440x128xf32, #tpu.memory_space<hbm>> -> memref<128x128xf32, #tpu.memory_space<hbm>>
    %dma_start3A_709 = arith.constant 0 : i32
    %dma_start3A_710 = arith.constant 0 : i32
    %dma_start3A_711 = tpu.memref_slice %arg7[%dma_start3A_697, %dma_start3A_709, %dma_start3A_710] : memref<6x128x128xf32, #tpu.memory_space<vmem>> -> memref<1x128x128xf32, #tpu.memory_space<vmem>>
    %dma_start3A_712 = tpu.memref_squeeze %dma_start3A_711 : memref<1x128x128xf32, #tpu.memory_space<vmem>> -> memref<128x128xf32, #tpu.memory_space<vmem>>
    tpu.enqueue_dma source(%dma_start3A_712 : memref<128x128xf32, #tpu.memory_space<vmem>>) target(%dma_start3A_708 : memref<128x128xf32, #tpu.memory_space<hbm>>) target_semaphore(%dma_start3A_706 : memref<!tpu.dma_semaphore, #tpu.memory_space<semaphore_mem>>)
    %dma_wait3A_713 = arith.constant 1 : i32
    %dma_wait3A_714 = arith.constant 1 : i32
    %dma_wait3A_715 = arith.constant 0 : i32
    %dma_wait3A_716 = arith.constant 0 : i32
    %dma_wait3A_717 = tpu.memref_slice %arg7[%dma_wait3A_713, %dma_wait3A_715, %dma_wait3A_716] : memref<6x128x128xf32, #tpu.memory_space<vmem>> -> memref<1x128x128xf32, #tpu.memory_space<vmem>>
    %dma_wait3A_718 = tpu.memref_squeeze %dma_wait3A_717 : memref<1x128x128xf32, #tpu.memory_space<vmem>> -> memref<128x128xf32, #tpu.memory_space<vmem>>
    %dma_wait3A_719 = arith.constant 0 : i32
    %dma_wait3A_720 = tpu.memref_slice %arg4[%mul3A_492, %dma_wait3A_719] : memref<61440x128xf32, #tpu.memory_space<hbm>> -> memref<128x128xf32, #tpu.memory_space<hbm>>
    %dma_wait3A_721 = tpu.memref_slice %arg9[%dma_wait3A_714] : memref<6x!tpu.dma_semaphore, #tpu.memory_space<semaphore_mem>> -> memref<1x!tpu.dma_semaphore, #tpu.memory_space<semaphore_mem>>
    %dma_wait3A_722 = tpu.memref_squeeze %dma_wait3A_721 : memref<1x!tpu.dma_semaphore, #tpu.memory_space<semaphore_mem>> -> memref<!tpu.dma_semaphore, #tpu.memory_space<semaphore_mem>>
    %dma_wait3A_723 = arith.constant 0 : i32
    %dma_wait3A_724 = tpu.memref_slice %arg4[%mul3A_492, %dma_wait3A_723] : memref<61440x128xf32, #tpu.memory_space<hbm>> -> memref<128x128xf32, #tpu.memory_space<hbm>>
    %dma_wait3A_725 = arith.constant 0 : i32
    %dma_wait3A_726 = arith.constant 0 : i32
    %dma_wait3A_727 = tpu.memref_slice %arg7[%dma_wait3A_713, %dma_wait3A_725, %dma_wait3A_726] : memref<6x128x128xf32, #tpu.memory_space<vmem>> -> memref<1x128x128xf32, #tpu.memory_space<vmem>>
    %dma_wait3A_728 = tpu.memref_squeeze %dma_wait3A_727 : memref<1x128x128xf32, #tpu.memory_space<vmem>> -> memref<128x128xf32, #tpu.memory_space<vmem>>
    tpu.wait_dma2 semaphore(%dma_wait3A_722 : memref<!tpu.dma_semaphore, #tpu.memory_space<semaphore_mem>>) src(%dma_wait3A_728 : memref<128x128xf32, #tpu.memory_space<vmem>>) dst(%dma_wait3A_724 : memref<128x128xf32, #tpu.memory_space<hbm>>)
    %dma_start3A_729 = arith.constant 13 : i32
    %dma_start3A_730 = arith.constant 1 : i32
    %dma_start3A_731 = arith.constant 1 : i32
    %dma_start3A_732 = arith.constant 0 : i32
    %dma_start3A_733 = arith.constant 0 : i32
    %dma_start3A_734 = tpu.memref_slice %arg7[%dma_start3A_730, %dma_start3A_732, %dma_start3A_733] : memref<6x128x128xf32, #tpu.memory_space<vmem>> -> memref<1x128x128xf32, #tpu.memory_space<vmem>>
    %dma_start3A_735 = tpu.memref_squeeze %dma_start3A_734 : memref<1x128x128xf32, #tpu.memory_space<vmem>> -> memref<128x128xf32, #tpu.memory_space<vmem>>
    %dma_start3A_736 = arith.constant 0 : i32
    %dma_start3A_737 = tpu.memref_slice %arg6[%dma_start3A_729, %dma_start3A_736] : memref<17x128xi32, #tpu.memory_space<vmem>> -> memref<1x128xi32, #tpu.memory_space<vmem>>
    %dma_start3A_738 = tpu.memref_squeeze %dma_start3A_737 : memref<1x128xi32, #tpu.memory_space<vmem>> -> memref<128xi32, #tpu.memory_space<vmem>>
    %dma_start3A_739 = arith.constant 0 : i32
    %dma_start3A_740 = arith.constant 0 : i32
    %dma_start3A_741 = tpu.memref_slice %arg2[%dma_start3A_739, %dma_start3A_740] : memref<4096x128xf32, #tpu.memory_space<hbm>> -> memref<4096x128xf32, #tpu.memory_space<hbm>>
    %dma_start3A_742 = tpu.memref_slice %arg8[%dma_start3A_731] : memref<6x!tpu.dma_semaphore, #tpu.memory_space<semaphore_mem>> -> memref<1x!tpu.dma_semaphore, #tpu.memory_space<semaphore_mem>>
    %dma_start3A_743 = tpu.memref_squeeze %dma_start3A_742 : memref<1x!tpu.dma_semaphore, #tpu.memory_space<semaphore_mem>> -> memref<!tpu.dma_semaphore, #tpu.memory_space<semaphore_mem>>
    tpu.enqueue_indirect_dma source(%dma_start3A_741 : memref<4096x128xf32, #tpu.memory_space<hbm>>) target(%dma_start3A_735 : memref<128x128xf32, #tpu.memory_space<vmem>>) offsets(%dma_start3A_738 : memref<128xi32, #tpu.memory_space<vmem>>) semaphore(%dma_start3A_743 : memref<!tpu.dma_semaphore, #tpu.memory_space<semaphore_mem>>)
    %dma_wait3A_744 = arith.constant 11 : i32
    %dma_wait3A_745 = arith.constant 5 : i32
    %dma_wait3A_746 = arith.constant 5 : i32
    %dma_wait3A_747 = arith.constant 0 : i32
    %dma_wait3A_748 = arith.constant 0 : i32
    %dma_wait3A_749 = tpu.memref_slice %arg7[%dma_wait3A_745, %dma_wait3A_747, %dma_wait3A_748] : memref<6x128x128xf32, #tpu.memory_space<vmem>> -> memref<1x128x128xf32, #tpu.memory_space<vmem>>
    %dma_wait3A_750 = tpu.memref_squeeze %dma_wait3A_749 : memref<1x128x128xf32, #tpu.memory_space<vmem>> -> memref<128x128xf32, #tpu.memory_space<vmem>>
    %dma_wait3A_751 = arith.constant 0 : i32
    %dma_wait3A_752 = tpu.memref_slice %arg6[%dma_wait3A_744, %dma_wait3A_751] : memref<17x128xi32, #tpu.memory_space<vmem>> -> memref<1x128xi32, #tpu.memory_space<vmem>>
    %dma_wait3A_753 = tpu.memref_squeeze %dma_wait3A_752 : memref<1x128xi32, #tpu.memory_space<vmem>> -> memref<128xi32, #tpu.memory_space<vmem>>
    %dma_wait3A_754 = arith.constant 0 : i32
    %dma_wait3A_755 = arith.constant 0 : i32
    %dma_wait3A_756 = tpu.memref_slice %arg2[%dma_wait3A_754, %dma_wait3A_755] : memref<4096x128xf32, #tpu.memory_space<hbm>> -> memref<4096x128xf32, #tpu.memory_space<hbm>>
    %dma_wait3A_757 = tpu.memref_slice %arg8[%dma_wait3A_746] : memref<6x!tpu.dma_semaphore, #tpu.memory_space<semaphore_mem>> -> memref<1x!tpu.dma_semaphore, #tpu.memory_space<semaphore_mem>>
    %dma_wait3A_758 = tpu.memref_squeeze %dma_wait3A_757 : memref<1x!tpu.dma_semaphore, #tpu.memory_space<semaphore_mem>> -> memref<!tpu.dma_semaphore, #tpu.memory_space<semaphore_mem>>
    tpu.wait_indirect_dma semaphore(%dma_wait3A_758 : memref<!tpu.dma_semaphore, #tpu.memory_space<semaphore_mem>>) src(%dma_wait3A_756 : memref<4096x128xf32, #tpu.memory_space<hbm>>) dst(%dma_wait3A_750 : memref<128x128xf32, #tpu.memory_space<vmem>>)
    %mul3A_759 = arith.constant 15 : i32
    %mul3A_760 = arith.muli %add3A, %mul3A_759 : i32
    %add3A_761 = arith.constant 11 : i32
    %add3A_762 = arith.addi %mul3A_760, %add3A_761 : i32
    %mul3A_763 = arith.constant 128 : i32
    %mul3A_764 = arith.muli %add3A_762, %mul3A_763 : i32
    %dma_start3A_765 = arith.constant 5 : i32
    %dma_start3A_766 = arith.constant 5 : i32
    %dma_start3A_767 = arith.constant 0 : i32
    %dma_start3A_768 = arith.constant 0 : i32
    %dma_start3A_769 = tpu.memref_slice %arg7[%dma_start3A_765, %dma_start3A_767, %dma_start3A_768] : memref<6x128x128xf32, #tpu.memory_space<vmem>> -> memref<1x128x128xf32, #tpu.memory_space<vmem>>
    %dma_start3A_770 = tpu.memref_squeeze %dma_start3A_769 : memref<1x128x128xf32, #tpu.memory_space<vmem>> -> memref<128x128xf32, #tpu.memory_space<vmem>>
    %dma_start3A_771 = arith.constant 0 : i32
    %dma_start3A_772 = tpu.memref_slice %arg4[%mul3A_764, %dma_start3A_771] : memref<61440x128xf32, #tpu.memory_space<hbm>> -> memref<128x128xf32, #tpu.memory_space<hbm>>
    %dma_start3A_773 = tpu.memref_slice %arg9[%dma_start3A_766] : memref<6x!tpu.dma_semaphore, #tpu.memory_space<semaphore_mem>> -> memref<1x!tpu.dma_semaphore, #tpu.memory_space<semaphore_mem>>
    %dma_start3A_774 = tpu.memref_squeeze %dma_start3A_773 : memref<1x!tpu.dma_semaphore, #tpu.memory_space<semaphore_mem>> -> memref<!tpu.dma_semaphore, #tpu.memory_space<semaphore_mem>>
    %dma_start3A_775 = arith.constant 0 : i32
    %dma_start3A_776 = tpu.memref_slice %arg4[%mul3A_764, %dma_start3A_775] : memref<61440x128xf32, #tpu.memory_space<hbm>> -> memref<128x128xf32, #tpu.memory_space<hbm>>
    %dma_start3A_777 = arith.constant 0 : i32
    %dma_start3A_778 = arith.constant 0 : i32
    %dma_start3A_779 = tpu.memref_slice %arg7[%dma_start3A_765, %dma_start3A_777, %dma_start3A_778] : memref<6x128x128xf32, #tpu.memory_space<vmem>> -> memref<1x128x128xf32, #tpu.memory_space<vmem>>
    %dma_start3A_780 = tpu.memref_squeeze %dma_start3A_779 : memref<1x128x128xf32, #tpu.memory_space<vmem>> -> memref<128x128xf32, #tpu.memory_space<vmem>>
    tpu.enqueue_dma source(%dma_start3A_780 : memref<128x128xf32, #tpu.memory_space<vmem>>) target(%dma_start3A_776 : memref<128x128xf32, #tpu.memory_space<hbm>>) target_semaphore(%dma_start3A_774 : memref<!tpu.dma_semaphore, #tpu.memory_space<semaphore_mem>>)
    %dma_wait3A_781 = arith.constant 2 : i32
    %dma_wait3A_782 = arith.constant 2 : i32
    %dma_wait3A_783 = arith.constant 0 : i32
    %dma_wait3A_784 = arith.constant 0 : i32
    %dma_wait3A_785 = tpu.memref_slice %arg7[%dma_wait3A_781, %dma_wait3A_783, %dma_wait3A_784] : memref<6x128x128xf32, #tpu.memory_space<vmem>> -> memref<1x128x128xf32, #tpu.memory_space<vmem>>
    %dma_wait3A_786 = tpu.memref_squeeze %dma_wait3A_785 : memref<1x128x128xf32, #tpu.memory_space<vmem>> -> memref<128x128xf32, #tpu.memory_space<vmem>>
    %dma_wait3A_787 = arith.constant 0 : i32
    %dma_wait3A_788 = tpu.memref_slice %arg4[%mul3A_560, %dma_wait3A_787] : memref<61440x128xf32, #tpu.memory_space<hbm>> -> memref<128x128xf32, #tpu.memory_space<hbm>>
    %dma_wait3A_789 = tpu.memref_slice %arg9[%dma_wait3A_782] : memref<6x!tpu.dma_semaphore, #tpu.memory_space<semaphore_mem>> -> memref<1x!tpu.dma_semaphore, #tpu.memory_space<semaphore_mem>>
    %dma_wait3A_790 = tpu.memref_squeeze %dma_wait3A_789 : memref<1x!tpu.dma_semaphore, #tpu.memory_space<semaphore_mem>> -> memref<!tpu.dma_semaphore, #tpu.memory_space<semaphore_mem>>
    %dma_wait3A_791 = arith.constant 0 : i32
    %dma_wait3A_792 = tpu.memref_slice %arg4[%mul3A_560, %dma_wait3A_791] : memref<61440x128xf32, #tpu.memory_space<hbm>> -> memref<128x128xf32, #tpu.memory_space<hbm>>
    %dma_wait3A_793 = arith.constant 0 : i32
    %dma_wait3A_794 = arith.constant 0 : i32
    %dma_wait3A_795 = tpu.memref_slice %arg7[%dma_wait3A_781, %dma_wait3A_793, %dma_wait3A_794] : memref<6x128x128xf32, #tpu.memory_space<vmem>> -> memref<1x128x128xf32, #tpu.memory_space<vmem>>
    %dma_wait3A_796 = tpu.memref_squeeze %dma_wait3A_795 : memref<1x128x128xf32, #tpu.memory_space<vmem>> -> memref<128x128xf32, #tpu.memory_space<vmem>>
    tpu.wait_dma2 semaphore(%dma_wait3A_790 : memref<!tpu.dma_semaphore, #tpu.memory_space<semaphore_mem>>) src(%dma_wait3A_796 : memref<128x128xf32, #tpu.memory_space<vmem>>) dst(%dma_wait3A_792 : memref<128x128xf32, #tpu.memory_space<hbm>>)
    %dma_start3A_797 = arith.constant 14 : i32
    %dma_start3A_798 = arith.constant 2 : i32
    %dma_start3A_799 = arith.constant 2 : i32
    %dma_start3A_800 = arith.constant 0 : i32
    %dma_start3A_801 = arith.constant 0 : i32
    %dma_start3A_802 = tpu.memref_slice %arg7[%dma_start3A_798, %dma_start3A_800, %dma_start3A_801] : memref<6x128x128xf32, #tpu.memory_space<vmem>> -> memref<1x128x128xf32, #tpu.memory_space<vmem>>
    %dma_start3A_803 = tpu.memref_squeeze %dma_start3A_802 : memref<1x128x128xf32, #tpu.memory_space<vmem>> -> memref<128x128xf32, #tpu.memory_space<vmem>>
    %dma_start3A_804 = arith.constant 0 : i32
    %dma_start3A_805 = tpu.memref_slice %arg6[%dma_start3A_797, %dma_start3A_804] : memref<17x128xi32, #tpu.memory_space<vmem>> -> memref<1x128xi32, #tpu.memory_space<vmem>>
    %dma_start3A_806 = tpu.memref_squeeze %dma_start3A_805 : memref<1x128xi32, #tpu.memory_space<vmem>> -> memref<128xi32, #tpu.memory_space<vmem>>
    %dma_start3A_807 = arith.constant 0 : i32
    %dma_start3A_808 = arith.constant 0 : i32
    %dma_start3A_809 = tpu.memref_slice %arg2[%dma_start3A_807, %dma_start3A_808] : memref<4096x128xf32, #tpu.memory_space<hbm>> -> memref<4096x128xf32, #tpu.memory_space<hbm>>
    %dma_start3A_810 = tpu.memref_slice %arg8[%dma_start3A_799] : memref<6x!tpu.dma_semaphore, #tpu.memory_space<semaphore_mem>> -> memref<1x!tpu.dma_semaphore, #tpu.memory_space<semaphore_mem>>
    %dma_start3A_811 = tpu.memref_squeeze %dma_start3A_810 : memref<1x!tpu.dma_semaphore, #tpu.memory_space<semaphore_mem>> -> memref<!tpu.dma_semaphore, #tpu.memory_space<semaphore_mem>>
    tpu.enqueue_indirect_dma source(%dma_start3A_809 : memref<4096x128xf32, #tpu.memory_space<hbm>>) target(%dma_start3A_803 : memref<128x128xf32, #tpu.memory_space<vmem>>) offsets(%dma_start3A_806 : memref<128xi32, #tpu.memory_space<vmem>>) semaphore(%dma_start3A_811 : memref<!tpu.dma_semaphore, #tpu.memory_space<semaphore_mem>>)
    %dma_wait3A_812 = arith.constant 12 : i32
    %dma_wait3A_813 = arith.constant 0 : i32
    %dma_wait3A_814 = arith.constant 0 : i32
    %dma_wait3A_815 = arith.constant 0 : i32
    %dma_wait3A_816 = arith.constant 0 : i32
    %dma_wait3A_817 = tpu.memref_slice %arg7[%dma_wait3A_813, %dma_wait3A_815, %dma_wait3A_816] : memref<6x128x128xf32, #tpu.memory_space<vmem>> -> memref<1x128x128xf32, #tpu.memory_space<vmem>>
    %dma_wait3A_818 = tpu.memref_squeeze %dma_wait3A_817 : memref<1x128x128xf32, #tpu.memory_space<vmem>> -> memref<128x128xf32, #tpu.memory_space<vmem>>
    %dma_wait3A_819 = arith.constant 0 : i32
    %dma_wait3A_820 = tpu.memref_slice %arg6[%dma_wait3A_812, %dma_wait3A_819] : memref<17x128xi32, #tpu.memory_space<vmem>> -> memref<1x128xi32, #tpu.memory_space<vmem>>
    %dma_wait3A_821 = tpu.memref_squeeze %dma_wait3A_820 : memref<1x128xi32, #tpu.memory_space<vmem>> -> memref<128xi32, #tpu.memory_space<vmem>>
    %dma_wait3A_822 = arith.constant 0 : i32
    %dma_wait3A_823 = arith.constant 0 : i32
    %dma_wait3A_824 = tpu.memref_slice %arg2[%dma_wait3A_822, %dma_wait3A_823] : memref<4096x128xf32, #tpu.memory_space<hbm>> -> memref<4096x128xf32, #tpu.memory_space<hbm>>
    %dma_wait3A_825 = tpu.memref_slice %arg8[%dma_wait3A_814] : memref<6x!tpu.dma_semaphore, #tpu.memory_space<semaphore_mem>> -> memref<1x!tpu.dma_semaphore, #tpu.memory_space<semaphore_mem>>
    %dma_wait3A_826 = tpu.memref_squeeze %dma_wait3A_825 : memref<1x!tpu.dma_semaphore, #tpu.memory_space<semaphore_mem>> -> memref<!tpu.dma_semaphore, #tpu.memory_space<semaphore_mem>>
    tpu.wait_indirect_dma semaphore(%dma_wait3A_826 : memref<!tpu.dma_semaphore, #tpu.memory_space<semaphore_mem>>) src(%dma_wait3A_824 : memref<4096x128xf32, #tpu.memory_space<hbm>>) dst(%dma_wait3A_818 : memref<128x128xf32, #tpu.memory_space<vmem>>)
    %mul3A_827 = arith.constant 15 : i32
    %mul3A_828 = arith.muli %add3A, %mul3A_827 : i32
    %add3A_829 = arith.constant 12 : i32
    %add3A_830 = arith.addi %mul3A_828, %add3A_829 : i32
    %mul3A_831 = arith.constant 128 : i32
    %mul3A_832 = arith.muli %add3A_830, %mul3A_831 : i32
    %dma_start3A_833 = arith.constant 0 : i32
    %dma_start3A_834 = arith.constant 0 : i32
    %dma_start3A_835 = arith.constant 0 : i32
    %dma_start3A_836 = arith.constant 0 : i32
    %dma_start3A_837 = tpu.memref_slice %arg7[%dma_start3A_833, %dma_start3A_835, %dma_start3A_836] : memref<6x128x128xf32, #tpu.memory_space<vmem>> -> memref<1x128x128xf32, #tpu.memory_space<vmem>>
    %dma_start3A_838 = tpu.memref_squeeze %dma_start3A_837 : memref<1x128x128xf32, #tpu.memory_space<vmem>> -> memref<128x128xf32, #tpu.memory_space<vmem>>
    %dma_start3A_839 = arith.constant 0 : i32
    %dma_start3A_840 = tpu.memref_slice %arg4[%mul3A_832, %dma_start3A_839] : memref<61440x128xf32, #tpu.memory_space<hbm>> -> memref<128x128xf32, #tpu.memory_space<hbm>>
    %dma_start3A_841 = tpu.memref_slice %arg9[%dma_start3A_834] : memref<6x!tpu.dma_semaphore, #tpu.memory_space<semaphore_mem>> -> memref<1x!tpu.dma_semaphore, #tpu.memory_space<semaphore_mem>>
    %dma_start3A_842 = tpu.memref_squeeze %dma_start3A_841 : memref<1x!tpu.dma_semaphore, #tpu.memory_space<semaphore_mem>> -> memref<!tpu.dma_semaphore, #tpu.memory_space<semaphore_mem>>
    %dma_start3A_843 = arith.constant 0 : i32
    %dma_start3A_844 = tpu.memref_slice %arg4[%mul3A_832, %dma_start3A_843] : memref<61440x128xf32, #tpu.memory_space<hbm>> -> memref<128x128xf32, #tpu.memory_space<hbm>>
    %dma_start3A_845 = arith.constant 0 : i32
    %dma_start3A_846 = arith.constant 0 : i32
    %dma_start3A_847 = tpu.memref_slice %arg7[%dma_start3A_833, %dma_start3A_845, %dma_start3A_846] : memref<6x128x128xf32, #tpu.memory_space<vmem>> -> memref<1x128x128xf32, #tpu.memory_space<vmem>>
    %dma_start3A_848 = tpu.memref_squeeze %dma_start3A_847 : memref<1x128x128xf32, #tpu.memory_space<vmem>> -> memref<128x128xf32, #tpu.memory_space<vmem>>
    tpu.enqueue_dma source(%dma_start3A_848 : memref<128x128xf32, #tpu.memory_space<vmem>>) target(%dma_start3A_844 : memref<128x128xf32, #tpu.memory_space<hbm>>) target_semaphore(%dma_start3A_842 : memref<!tpu.dma_semaphore, #tpu.memory_space<semaphore_mem>>)
    %dma_wait3A_849 = arith.constant 3 : i32
    %dma_wait3A_850 = arith.constant 3 : i32
    %dma_wait3A_851 = arith.constant 0 : i32
    %dma_wait3A_852 = arith.constant 0 : i32
    %dma_wait3A_853 = tpu.memref_slice %arg7[%dma_wait3A_849, %dma_wait3A_851, %dma_wait3A_852] : memref<6x128x128xf32, #tpu.memory_space<vmem>> -> memref<1x128x128xf32, #tpu.memory_space<vmem>>
    %dma_wait3A_854 = tpu.memref_squeeze %dma_wait3A_853 : memref<1x128x128xf32, #tpu.memory_space<vmem>> -> memref<128x128xf32, #tpu.memory_space<vmem>>
    %dma_wait3A_855 = arith.constant 0 : i32
    %dma_wait3A_856 = tpu.memref_slice %arg4[%mul3A_628, %dma_wait3A_855] : memref<61440x128xf32, #tpu.memory_space<hbm>> -> memref<128x128xf32, #tpu.memory_space<hbm>>
    %dma_wait3A_857 = tpu.memref_slice %arg9[%dma_wait3A_850] : memref<6x!tpu.dma_semaphore, #tpu.memory_space<semaphore_mem>> -> memref<1x!tpu.dma_semaphore, #tpu.memory_space<semaphore_mem>>
    %dma_wait3A_858 = tpu.memref_squeeze %dma_wait3A_857 : memref<1x!tpu.dma_semaphore, #tpu.memory_space<semaphore_mem>> -> memref<!tpu.dma_semaphore, #tpu.memory_space<semaphore_mem>>
    %dma_wait3A_859 = arith.constant 0 : i32
    %dma_wait3A_860 = tpu.memref_slice %arg4[%mul3A_628, %dma_wait3A_859] : memref<61440x128xf32, #tpu.memory_space<hbm>> -> memref<128x128xf32, #tpu.memory_space<hbm>>
    %dma_wait3A_861 = arith.constant 0 : i32
    %dma_wait3A_862 = arith.constant 0 : i32
    %dma_wait3A_863 = tpu.memref_slice %arg7[%dma_wait3A_849, %dma_wait3A_861, %dma_wait3A_862] : memref<6x128x128xf32, #tpu.memory_space<vmem>> -> memref<1x128x128xf32, #tpu.memory_space<vmem>>
    %dma_wait3A_864 = tpu.memref_squeeze %dma_wait3A_863 : memref<1x128x128xf32, #tpu.memory_space<vmem>> -> memref<128x128xf32, #tpu.memory_space<vmem>>
    tpu.wait_dma2 semaphore(%dma_wait3A_858 : memref<!tpu.dma_semaphore, #tpu.memory_space<semaphore_mem>>) src(%dma_wait3A_864 : memref<128x128xf32, #tpu.memory_space<vmem>>) dst(%dma_wait3A_860 : memref<128x128xf32, #tpu.memory_space<hbm>>)
    %dma_start3A_865 = arith.constant 15 : i32
    %dma_start3A_866 = arith.constant 3 : i32
    %dma_start3A_867 = arith.constant 3 : i32
    %dma_start3A_868 = arith.constant 0 : i32
    %dma_start3A_869 = arith.constant 0 : i32
    %dma_start3A_870 = tpu.memref_slice %arg7[%dma_start3A_866, %dma_start3A_868, %dma_start3A_869] : memref<6x128x128xf32, #tpu.memory_space<vmem>> -> memref<1x128x128xf32, #tpu.memory_space<vmem>>
    %dma_start3A_871 = tpu.memref_squeeze %dma_start3A_870 : memref<1x128x128xf32, #tpu.memory_space<vmem>> -> memref<128x128xf32, #tpu.memory_space<vmem>>
    %dma_start3A_872 = arith.constant 0 : i32
    %dma_start3A_873 = tpu.memref_slice %arg6[%dma_start3A_865, %dma_start3A_872] : memref<17x128xi32, #tpu.memory_space<vmem>> -> memref<1x128xi32, #tpu.memory_space<vmem>>
    %dma_start3A_874 = tpu.memref_squeeze %dma_start3A_873 : memref<1x128xi32, #tpu.memory_space<vmem>> -> memref<128xi32, #tpu.memory_space<vmem>>
    %dma_start3A_875 = arith.constant 0 : i32
    %dma_start3A_876 = arith.constant 0 : i32
    %dma_start3A_877 = tpu.memref_slice %arg2[%dma_start3A_875, %dma_start3A_876] : memref<4096x128xf32, #tpu.memory_space<hbm>> -> memref<4096x128xf32, #tpu.memory_space<hbm>>
    %dma_start3A_878 = tpu.memref_slice %arg8[%dma_start3A_867] : memref<6x!tpu.dma_semaphore, #tpu.memory_space<semaphore_mem>> -> memref<1x!tpu.dma_semaphore, #tpu.memory_space<semaphore_mem>>
    %dma_start3A_879 = tpu.memref_squeeze %dma_start3A_878 : memref<1x!tpu.dma_semaphore, #tpu.memory_space<semaphore_mem>> -> memref<!tpu.dma_semaphore, #tpu.memory_space<semaphore_mem>>
    tpu.enqueue_indirect_dma source(%dma_start3A_877 : memref<4096x128xf32, #tpu.memory_space<hbm>>) target(%dma_start3A_871 : memref<128x128xf32, #tpu.memory_space<vmem>>) offsets(%dma_start3A_874 : memref<128xi32, #tpu.memory_space<vmem>>) semaphore(%dma_start3A_879 : memref<!tpu.dma_semaphore, #tpu.memory_space<semaphore_mem>>)
    %dma_wait3A_880 = arith.constant 13 : i32
    %dma_wait3A_881 = arith.constant 1 : i32
    %dma_wait3A_882 = arith.constant 1 : i32
    %dma_wait3A_883 = arith.constant 0 : i32
    %dma_wait3A_884 = arith.constant 0 : i32
    %dma_wait3A_885 = tpu.memref_slice %arg7[%dma_wait3A_881, %dma_wait3A_883, %dma_wait3A_884] : memref<6x128x128xf32, #tpu.memory_space<vmem>> -> memref<1x128x128xf32, #tpu.memory_space<vmem>>
    %dma_wait3A_886 = tpu.memref_squeeze %dma_wait3A_885 : memref<1x128x128xf32, #tpu.memory_space<vmem>> -> memref<128x128xf32, #tpu.memory_space<vmem>>
    %dma_wait3A_887 = arith.constant 0 : i32
    %dma_wait3A_888 = tpu.memref_slice %arg6[%dma_wait3A_880, %dma_wait3A_887] : memref<17x128xi32, #tpu.memory_space<vmem>> -> memref<1x128xi32, #tpu.memory_space<vmem>>
    %dma_wait3A_889 = tpu.memref_squeeze %dma_wait3A_888 : memref<1x128xi32, #tpu.memory_space<vmem>> -> memref<128xi32, #tpu.memory_space<vmem>>
    %dma_wait3A_890 = arith.constant 0 : i32
    %dma_wait3A_891 = arith.constant 0 : i32
    %dma_wait3A_892 = tpu.memref_slice %arg2[%dma_wait3A_890, %dma_wait3A_891] : memref<4096x128xf32, #tpu.memory_space<hbm>> -> memref<4096x128xf32, #tpu.memory_space<hbm>>
    %dma_wait3A_893 = tpu.memref_slice %arg8[%dma_wait3A_882] : memref<6x!tpu.dma_semaphore, #tpu.memory_space<semaphore_mem>> -> memref<1x!tpu.dma_semaphore, #tpu.memory_space<semaphore_mem>>
    %dma_wait3A_894 = tpu.memref_squeeze %dma_wait3A_893 : memref<1x!tpu.dma_semaphore, #tpu.memory_space<semaphore_mem>> -> memref<!tpu.dma_semaphore, #tpu.memory_space<semaphore_mem>>
    tpu.wait_indirect_dma semaphore(%dma_wait3A_894 : memref<!tpu.dma_semaphore, #tpu.memory_space<semaphore_mem>>) src(%dma_wait3A_892 : memref<4096x128xf32, #tpu.memory_space<hbm>>) dst(%dma_wait3A_886 : memref<128x128xf32, #tpu.memory_space<vmem>>)
    %mul3A_895 = arith.constant 15 : i32
    %mul3A_896 = arith.muli %add3A, %mul3A_895 : i32
    %add3A_897 = arith.constant 13 : i32
    %add3A_898 = arith.addi %mul3A_896, %add3A_897 : i32
    %mul3A_899 = arith.constant 128 : i32
    %mul3A_900 = arith.muli %add3A_898, %mul3A_899 : i32
    %dma_start3A_901 = arith.constant 1 : i32
    %dma_start3A_902 = arith.constant 1 : i32
    %dma_start3A_903 = arith.constant 0 : i32
    %dma_start3A_904 = arith.constant 0 : i32
    %dma_start3A_905 = tpu.memref_slice %arg7[%dma_start3A_901, %dma_start3A_903, %dma_start3A_904] : memref<6x128x128xf32, #tpu.memory_space<vmem>> -> memref<1x128x128xf32, #tpu.memory_space<vmem>>
    %dma_start3A_906 = tpu.memref_squeeze %dma_start3A_905 : memref<1x128x128xf32, #tpu.memory_space<vmem>> -> memref<128x128xf32, #tpu.memory_space<vmem>>
    %dma_start3A_907 = arith.constant 0 : i32
    %dma_start3A_908 = tpu.memref_slice %arg4[%mul3A_900, %dma_start3A_907] : memref<61440x128xf32, #tpu.memory_space<hbm>> -> memref<128x128xf32, #tpu.memory_space<hbm>>
    %dma_start3A_909 = tpu.memref_slice %arg9[%dma_start3A_902] : memref<6x!tpu.dma_semaphore, #tpu.memory_space<semaphore_mem>> -> memref<1x!tpu.dma_semaphore, #tpu.memory_space<semaphore_mem>>
    %dma_start3A_910 = tpu.memref_squeeze %dma_start3A_909 : memref<1x!tpu.dma_semaphore, #tpu.memory_space<semaphore_mem>> -> memref<!tpu.dma_semaphore, #tpu.memory_space<semaphore_mem>>
    %dma_start3A_911 = arith.constant 0 : i32
    %dma_start3A_912 = tpu.memref_slice %arg4[%mul3A_900, %dma_start3A_911] : memref<61440x128xf32, #tpu.memory_space<hbm>> -> memref<128x128xf32, #tpu.memory_space<hbm>>
    %dma_start3A_913 = arith.constant 0 : i32
    %dma_start3A_914 = arith.constant 0 : i32
    %dma_start3A_915 = tpu.memref_slice %arg7[%dma_start3A_901, %dma_start3A_913, %dma_start3A_914] : memref<6x128x128xf32, #tpu.memory_space<vmem>> -> memref<1x128x128xf32, #tpu.memory_space<vmem>>
    %dma_start3A_916 = tpu.memref_squeeze %dma_start3A_915 : memref<1x128x128xf32, #tpu.memory_space<vmem>> -> memref<128x128xf32, #tpu.memory_space<vmem>>
    tpu.enqueue_dma source(%dma_start3A_916 : memref<128x128xf32, #tpu.memory_space<vmem>>) target(%dma_start3A_912 : memref<128x128xf32, #tpu.memory_space<hbm>>) target_semaphore(%dma_start3A_910 : memref<!tpu.dma_semaphore, #tpu.memory_space<semaphore_mem>>)
    %dma_wait3A_917 = arith.constant 4 : i32
    %dma_wait3A_918 = arith.constant 4 : i32
    %dma_wait3A_919 = arith.constant 0 : i32
    %dma_wait3A_920 = arith.constant 0 : i32
    %dma_wait3A_921 = tpu.memref_slice %arg7[%dma_wait3A_917, %dma_wait3A_919, %dma_wait3A_920] : memref<6x128x128xf32, #tpu.memory_space<vmem>> -> memref<1x128x128xf32, #tpu.memory_space<vmem>>
    %dma_wait3A_922 = tpu.memref_squeeze %dma_wait3A_921 : memref<1x128x128xf32, #tpu.memory_space<vmem>> -> memref<128x128xf32, #tpu.memory_space<vmem>>
    %dma_wait3A_923 = arith.constant 0 : i32
    %dma_wait3A_924 = tpu.memref_slice %arg4[%mul3A_696, %dma_wait3A_923] : memref<61440x128xf32, #tpu.memory_space<hbm>> -> memref<128x128xf32, #tpu.memory_space<hbm>>
    %dma_wait3A_925 = tpu.memref_slice %arg9[%dma_wait3A_918] : memref<6x!tpu.dma_semaphore, #tpu.memory_space<semaphore_mem>> -> memref<1x!tpu.dma_semaphore, #tpu.memory_space<semaphore_mem>>
    %dma_wait3A_926 = tpu.memref_squeeze %dma_wait3A_925 : memref<1x!tpu.dma_semaphore, #tpu.memory_space<semaphore_mem>> -> memref<!tpu.dma_semaphore, #tpu.memory_space<semaphore_mem>>
    %dma_wait3A_927 = arith.constant 0 : i32
    %dma_wait3A_928 = tpu.memref_slice %arg4[%mul3A_696, %dma_wait3A_927] : memref<61440x128xf32, #tpu.memory_space<hbm>> -> memref<128x128xf32, #tpu.memory_space<hbm>>
    %dma_wait3A_929 = arith.constant 0 : i32
    %dma_wait3A_930 = arith.constant 0 : i32
    %dma_wait3A_931 = tpu.memref_slice %arg7[%dma_wait3A_917, %dma_wait3A_929, %dma_wait3A_930] : memref<6x128x128xf32, #tpu.memory_space<vmem>> -> memref<1x128x128xf32, #tpu.memory_space<vmem>>
    %dma_wait3A_932 = tpu.memref_squeeze %dma_wait3A_931 : memref<1x128x128xf32, #tpu.memory_space<vmem>> -> memref<128x128xf32, #tpu.memory_space<vmem>>
    tpu.wait_dma2 semaphore(%dma_wait3A_926 : memref<!tpu.dma_semaphore, #tpu.memory_space<semaphore_mem>>) src(%dma_wait3A_932 : memref<128x128xf32, #tpu.memory_space<vmem>>) dst(%dma_wait3A_928 : memref<128x128xf32, #tpu.memory_space<hbm>>)
    %dma_start3A_933 = arith.constant 16 : i32
    %dma_start3A_934 = arith.constant 4 : i32
    %dma_start3A_935 = arith.constant 4 : i32
    %dma_start3A_936 = arith.constant 0 : i32
    %dma_start3A_937 = arith.constant 0 : i32
    %dma_start3A_938 = tpu.memref_slice %arg7[%dma_start3A_934, %dma_start3A_936, %dma_start3A_937] : memref<6x128x128xf32, #tpu.memory_space<vmem>> -> memref<1x128x128xf32, #tpu.memory_space<vmem>>
    %dma_start3A_939 = tpu.memref_squeeze %dma_start3A_938 : memref<1x128x128xf32, #tpu.memory_space<vmem>> -> memref<128x128xf32, #tpu.memory_space<vmem>>
    %dma_start3A_940 = arith.constant 0 : i32
    %dma_start3A_941 = tpu.memref_slice %arg6[%dma_start3A_933, %dma_start3A_940] : memref<17x128xi32, #tpu.memory_space<vmem>> -> memref<1x128xi32, #tpu.memory_space<vmem>>
    %dma_start3A_942 = tpu.memref_squeeze %dma_start3A_941 : memref<1x128xi32, #tpu.memory_space<vmem>> -> memref<128xi32, #tpu.memory_space<vmem>>
    %dma_start3A_943 = arith.constant 0 : i32
    %dma_start3A_944 = arith.constant 0 : i32
    %dma_start3A_945 = tpu.memref_slice %arg2[%dma_start3A_943, %dma_start3A_944] : memref<4096x128xf32, #tpu.memory_space<hbm>> -> memref<4096x128xf32, #tpu.memory_space<hbm>>
    %dma_start3A_946 = tpu.memref_slice %arg8[%dma_start3A_935] : memref<6x!tpu.dma_semaphore, #tpu.memory_space<semaphore_mem>> -> memref<1x!tpu.dma_semaphore, #tpu.memory_space<semaphore_mem>>
    %dma_start3A_947 = tpu.memref_squeeze %dma_start3A_946 : memref<1x!tpu.dma_semaphore, #tpu.memory_space<semaphore_mem>> -> memref<!tpu.dma_semaphore, #tpu.memory_space<semaphore_mem>>
    tpu.enqueue_indirect_dma source(%dma_start3A_945 : memref<4096x128xf32, #tpu.memory_space<hbm>>) target(%dma_start3A_939 : memref<128x128xf32, #tpu.memory_space<vmem>>) offsets(%dma_start3A_942 : memref<128xi32, #tpu.memory_space<vmem>>) semaphore(%dma_start3A_947 : memref<!tpu.dma_semaphore, #tpu.memory_space<semaphore_mem>>)
    %dma_wait3A_948 = arith.constant 14 : i32
    %dma_wait3A_949 = arith.constant 2 : i32
    %dma_wait3A_950 = arith.constant 2 : i32
    %dma_wait3A_951 = arith.constant 0 : i32
    %dma_wait3A_952 = arith.constant 0 : i32
    %dma_wait3A_953 = tpu.memref_slice %arg7[%dma_wait3A_949, %dma_wait3A_951, %dma_wait3A_952] : memref<6x128x128xf32, #tpu.memory_space<vmem>> -> memref<1x128x128xf32, #tpu.memory_space<vmem>>
    %dma_wait3A_954 = tpu.memref_squeeze %dma_wait3A_953 : memref<1x128x128xf32, #tpu.memory_space<vmem>> -> memref<128x128xf32, #tpu.memory_space<vmem>>
    %dma_wait3A_955 = arith.constant 0 : i32
    %dma_wait3A_956 = tpu.memref_slice %arg6[%dma_wait3A_948, %dma_wait3A_955] : memref<17x128xi32, #tpu.memory_space<vmem>> -> memref<1x128xi32, #tpu.memory_space<vmem>>
    %dma_wait3A_957 = tpu.memref_squeeze %dma_wait3A_956 : memref<1x128xi32, #tpu.memory_space<vmem>> -> memref<128xi32, #tpu.memory_space<vmem>>
    %dma_wait3A_958 = arith.constant 0 : i32
    %dma_wait3A_959 = arith.constant 0 : i32
    %dma_wait3A_960 = tpu.memref_slice %arg2[%dma_wait3A_958, %dma_wait3A_959] : memref<4096x128xf32, #tpu.memory_space<hbm>> -> memref<4096x128xf32, #tpu.memory_space<hbm>>
    %dma_wait3A_961 = tpu.memref_slice %arg8[%dma_wait3A_950] : memref<6x!tpu.dma_semaphore, #tpu.memory_space<semaphore_mem>> -> memref<1x!tpu.dma_semaphore, #tpu.memory_space<semaphore_mem>>
    %dma_wait3A_962 = tpu.memref_squeeze %dma_wait3A_961 : memref<1x!tpu.dma_semaphore, #tpu.memory_space<semaphore_mem>> -> memref<!tpu.dma_semaphore, #tpu.memory_space<semaphore_mem>>
    tpu.wait_indirect_dma semaphore(%dma_wait3A_962 : memref<!tpu.dma_semaphore, #tpu.memory_space<semaphore_mem>>) src(%dma_wait3A_960 : memref<4096x128xf32, #tpu.memory_space<hbm>>) dst(%dma_wait3A_954 : memref<128x128xf32, #tpu.memory_space<vmem>>)
    %mul3A_963 = arith.constant 15 : i32
    %mul3A_964 = arith.muli %add3A, %mul3A_963 : i32
    %add3A_965 = arith.constant 14 : i32
    %add3A_966 = arith.addi %mul3A_964, %add3A_965 : i32
    %mul3A_967 = arith.constant 128 : i32
    %mul3A_968 = arith.muli %add3A_966, %mul3A_967 : i32
    %dma_start3A_969 = arith.constant 2 : i32
    %dma_start3A_970 = arith.constant 2 : i32
    %dma_start3A_971 = arith.constant 0 : i32
    %dma_start3A_972 = arith.constant 0 : i32
    %dma_start3A_973 = tpu.memref_slice %arg7[%dma_start3A_969, %dma_start3A_971, %dma_start3A_972] : memref<6x128x128xf32, #tpu.memory_space<vmem>> -> memref<1x128x128xf32, #tpu.memory_space<vmem>>
    %dma_start3A_974 = tpu.memref_squeeze %dma_start3A_973 : memref<1x128x128xf32, #tpu.memory_space<vmem>> -> memref<128x128xf32, #tpu.memory_space<vmem>>
    %dma_start3A_975 = arith.constant 0 : i32
    %dma_start3A_976 = tpu.memref_slice %arg4[%mul3A_968, %dma_start3A_975] : memref<61440x128xf32, #tpu.memory_space<hbm>> -> memref<128x128xf32, #tpu.memory_space<hbm>>
    %dma_start3A_977 = tpu.memref_slice %arg9[%dma_start3A_970] : memref<6x!tpu.dma_semaphore, #tpu.memory_space<semaphore_mem>> -> memref<1x!tpu.dma_semaphore, #tpu.memory_space<semaphore_mem>>
    %dma_start3A_978 = tpu.memref_squeeze %dma_start3A_977 : memref<1x!tpu.dma_semaphore, #tpu.memory_space<semaphore_mem>> -> memref<!tpu.dma_semaphore, #tpu.memory_space<semaphore_mem>>
    %dma_start3A_979 = arith.constant 0 : i32
    %dma_start3A_980 = tpu.memref_slice %arg4[%mul3A_968, %dma_start3A_979] : memref<61440x128xf32, #tpu.memory_space<hbm>> -> memref<128x128xf32, #tpu.memory_space<hbm>>
    %dma_start3A_981 = arith.constant 0 : i32
    %dma_start3A_982 = arith.constant 0 : i32
    %dma_start3A_983 = tpu.memref_slice %arg7[%dma_start3A_969, %dma_start3A_981, %dma_start3A_982] : memref<6x128x128xf32, #tpu.memory_space<vmem>> -> memref<1x128x128xf32, #tpu.memory_space<vmem>>
    %dma_start3A_984 = tpu.memref_squeeze %dma_start3A_983 : memref<1x128x128xf32, #tpu.memory_space<vmem>> -> memref<128x128xf32, #tpu.memory_space<vmem>>
    tpu.enqueue_dma source(%dma_start3A_984 : memref<128x128xf32, #tpu.memory_space<vmem>>) target(%dma_start3A_980 : memref<128x128xf32, #tpu.memory_space<hbm>>) target_semaphore(%dma_start3A_978 : memref<!tpu.dma_semaphore, #tpu.memory_space<semaphore_mem>>)
    %dma_wait3A_985 = arith.constant 15 : i32
    %dma_wait3A_986 = arith.constant 3 : i32
    %dma_wait3A_987 = arith.constant 3 : i32
    %dma_wait3A_988 = arith.constant 0 : i32
    %dma_wait3A_989 = arith.constant 0 : i32
    %dma_wait3A_990 = tpu.memref_slice %arg7[%dma_wait3A_986, %dma_wait3A_988, %dma_wait3A_989] : memref<6x128x128xf32, #tpu.memory_space<vmem>> -> memref<1x128x128xf32, #tpu.memory_space<vmem>>
    %dma_wait3A_991 = tpu.memref_squeeze %dma_wait3A_990 : memref<1x128x128xf32, #tpu.memory_space<vmem>> -> memref<128x128xf32, #tpu.memory_space<vmem>>
    %dma_wait3A_992 = arith.constant 0 : i32
    %dma_wait3A_993 = tpu.memref_slice %arg6[%dma_wait3A_985, %dma_wait3A_992] : memref<17x128xi32, #tpu.memory_space<vmem>> -> memref<1x128xi32, #tpu.memory_space<vmem>>
    %dma_wait3A_994 = tpu.memref_squeeze %dma_wait3A_993 : memref<1x128xi32, #tpu.memory_space<vmem>> -> memref<128xi32, #tpu.memory_space<vmem>>
    %dma_wait3A_995 = arith.constant 0 : i32
    %dma_wait3A_996 = arith.constant 0 : i32
    %dma_wait3A_997 = tpu.memref_slice %arg2[%dma_wait3A_995, %dma_wait3A_996] : memref<4096x128xf32, #tpu.memory_space<hbm>> -> memref<4096x128xf32, #tpu.memory_space<hbm>>
    %dma_wait3A_998 = tpu.memref_slice %arg8[%dma_wait3A_987] : memref<6x!tpu.dma_semaphore, #tpu.memory_space<semaphore_mem>> -> memref<1x!tpu.dma_semaphore, #tpu.memory_space<semaphore_mem>>
    %dma_wait3A_999 = tpu.memref_squeeze %dma_wait3A_998 : memref<1x!tpu.dma_semaphore, #tpu.memory_space<semaphore_mem>> -> memref<!tpu.dma_semaphore, #tpu.memory_space<semaphore_mem>>
    tpu.wait_indirect_dma semaphore(%dma_wait3A_999 : memref<!tpu.dma_semaphore, #tpu.memory_space<semaphore_mem>>) src(%dma_wait3A_997 : memref<4096x128xf32, #tpu.memory_space<hbm>>) dst(%dma_wait3A_991 : memref<128x128xf32, #tpu.memory_space<vmem>>)
    %mul3A_1000 = arith.constant 2 : i32
    %mul3A_1001 = arith.muli %add3A, %mul3A_1000 : i32
    %add3A_1002 = arith.constant 0 : i32
    %add3A_1003 = arith.addi %mul3A_1001, %add3A_1002 : i32
    %mul3A_1004 = arith.constant 128 : i32
    %mul3A_1005 = arith.muli %add3A_1003, %mul3A_1004 : i32
    %dma_start3A_1006 = arith.constant 3 : i32
    %dma_start3A_1007 = arith.constant 3 : i32
    %dma_start3A_1008 = arith.constant 0 : i32
    %dma_start3A_1009 = arith.constant 0 : i32
    %dma_start3A_1010 = tpu.memref_slice %arg7[%dma_start3A_1006, %dma_start3A_1008, %dma_start3A_1009] : memref<6x128x128xf32, #tpu.memory_space<vmem>> -> memref<1x128x128xf32, #tpu.memory_space<vmem>>
    %dma_start3A_1011 = tpu.memref_squeeze %dma_start3A_1010 : memref<1x128x128xf32, #tpu.memory_space<vmem>> -> memref<128x128xf32, #tpu.memory_space<vmem>>
    %dma_start3A_1012 = arith.constant 0 : i32
    %dma_start3A_1013 = tpu.memref_slice %arg5[%mul3A_1005, %dma_start3A_1012] : memref<8192x128xf32, #tpu.memory_space<hbm>> -> memref<128x128xf32, #tpu.memory_space<hbm>>
    %dma_start3A_1014 = tpu.memref_slice %arg9[%dma_start3A_1007] : memref<6x!tpu.dma_semaphore, #tpu.memory_space<semaphore_mem>> -> memref<1x!tpu.dma_semaphore, #tpu.memory_space<semaphore_mem>>
    %dma_start3A_1015 = tpu.memref_squeeze %dma_start3A_1014 : memref<1x!tpu.dma_semaphore, #tpu.memory_space<semaphore_mem>> -> memref<!tpu.dma_semaphore, #tpu.memory_space<semaphore_mem>>
    %dma_start3A_1016 = arith.constant 0 : i32
    %dma_start3A_1017 = tpu.memref_slice %arg5[%mul3A_1005, %dma_start3A_1016] : memref<8192x128xf32, #tpu.memory_space<hbm>> -> memref<128x128xf32, #tpu.memory_space<hbm>>
    %dma_start3A_1018 = arith.constant 0 : i32
    %dma_start3A_1019 = arith.constant 0 : i32
    %dma_start3A_1020 = tpu.memref_slice %arg7[%dma_start3A_1006, %dma_start3A_1018, %dma_start3A_1019] : memref<6x128x128xf32, #tpu.memory_space<vmem>> -> memref<1x128x128xf32, #tpu.memory_space<vmem>>
    %dma_start3A_1021 = tpu.memref_squeeze %dma_start3A_1020 : memref<1x128x128xf32, #tpu.memory_space<vmem>> -> memref<128x128xf32, #tpu.memory_space<vmem>>
    tpu.enqueue_dma source(%dma_start3A_1021 : memref<128x128xf32, #tpu.memory_space<vmem>>) target(%dma_start3A_1017 : memref<128x128xf32, #tpu.memory_space<hbm>>) target_semaphore(%dma_start3A_1015 : memref<!tpu.dma_semaphore, #tpu.memory_space<semaphore_mem>>)
    %dma_wait3A_1022 = arith.constant 16 : i32
    %dma_wait3A_1023 = arith.constant 4 : i32
    %dma_wait3A_1024 = arith.constant 4 : i32
    %dma_wait3A_1025 = arith.constant 0 : i32
    %dma_wait3A_1026 = arith.constant 0 : i32
    %dma_wait3A_1027 = tpu.memref_slice %arg7[%dma_wait3A_1023, %dma_wait3A_1025, %dma_wait3A_1026] : memref<6x128x128xf32, #tpu.memory_space<vmem>> -> memref<1x128x128xf32, #tpu.memory_space<vmem>>
    %dma_wait3A_1028 = tpu.memref_squeeze %dma_wait3A_1027 : memref<1x128x128xf32, #tpu.memory_space<vmem>> -> memref<128x128xf32, #tpu.memory_space<vmem>>
    %dma_wait3A_1029 = arith.constant 0 : i32
    %dma_wait3A_1030 = tpu.memref_slice %arg6[%dma_wait3A_1022, %dma_wait3A_1029] : memref<17x128xi32, #tpu.memory_space<vmem>> -> memref<1x128xi32, #tpu.memory_space<vmem>>
    %dma_wait3A_1031 = tpu.memref_squeeze %dma_wait3A_1030 : memref<1x128xi32, #tpu.memory_space<vmem>> -> memref<128xi32, #tpu.memory_space<vmem>>
    %dma_wait3A_1032 = arith.constant 0 : i32
    %dma_wait3A_1033 = arith.constant 0 : i32
    %dma_wait3A_1034 = tpu.memref_slice %arg2[%dma_wait3A_1032, %dma_wait3A_1033] : memref<4096x128xf32, #tpu.memory_space<hbm>> -> memref<4096x128xf32, #tpu.memory_space<hbm>>
    %dma_wait3A_1035 = tpu.memref_slice %arg8[%dma_wait3A_1024] : memref<6x!tpu.dma_semaphore, #tpu.memory_space<semaphore_mem>> -> memref<1x!tpu.dma_semaphore, #tpu.memory_space<semaphore_mem>>
    %dma_wait3A_1036 = tpu.memref_squeeze %dma_wait3A_1035 : memref<1x!tpu.dma_semaphore, #tpu.memory_space<semaphore_mem>> -> memref<!tpu.dma_semaphore, #tpu.memory_space<semaphore_mem>>
    tpu.wait_indirect_dma semaphore(%dma_wait3A_1036 : memref<!tpu.dma_semaphore, #tpu.memory_space<semaphore_mem>>) src(%dma_wait3A_1034 : memref<4096x128xf32, #tpu.memory_space<hbm>>) dst(%dma_wait3A_1028 : memref<128x128xf32, #tpu.memory_space<vmem>>)
    %mul3A_1037 = arith.constant 2 : i32
    %mul3A_1038 = arith.muli %add3A, %mul3A_1037 : i32
    %add3A_1039 = arith.constant 1 : i32
    %add3A_1040 = arith.addi %mul3A_1038, %add3A_1039 : i32
    %mul3A_1041 = arith.constant 128 : i32
    %mul3A_1042 = arith.muli %add3A_1040, %mul3A_1041 : i32
    %dma_start3A_1043 = arith.constant 4 : i32
    %dma_start3A_1044 = arith.constant 4 : i32
    %dma_start3A_1045 = arith.constant 0 : i32
    %dma_start3A_1046 = arith.constant 0 : i32
    %dma_start3A_1047 = tpu.memref_slice %arg7[%dma_start3A_1043, %dma_start3A_1045, %dma_start3A_1046] : memref<6x128x128xf32, #tpu.memory_space<vmem>> -> memref<1x128x128xf32, #tpu.memory_space<vmem>>
    %dma_start3A_1048 = tpu.memref_squeeze %dma_start3A_1047 : memref<1x128x128xf32, #tpu.memory_space<vmem>> -> memref<128x128xf32, #tpu.memory_space<vmem>>
    %dma_start3A_1049 = arith.constant 0 : i32
    %dma_start3A_1050 = tpu.memref_slice %arg5[%mul3A_1042, %dma_start3A_1049] : memref<8192x128xf32, #tpu.memory_space<hbm>> -> memref<128x128xf32, #tpu.memory_space<hbm>>
    %dma_start3A_1051 = tpu.memref_slice %arg9[%dma_start3A_1044] : memref<6x!tpu.dma_semaphore, #tpu.memory_space<semaphore_mem>> -> memref<1x!tpu.dma_semaphore, #tpu.memory_space<semaphore_mem>>
    %dma_start3A_1052 = tpu.memref_squeeze %dma_start3A_1051 : memref<1x!tpu.dma_semaphore, #tpu.memory_space<semaphore_mem>> -> memref<!tpu.dma_semaphore, #tpu.memory_space<semaphore_mem>>
    %dma_start3A_1053 = arith.constant 0 : i32
    %dma_start3A_1054 = tpu.memref_slice %arg5[%mul3A_1042, %dma_start3A_1053] : memref<8192x128xf32, #tpu.memory_space<hbm>> -> memref<128x128xf32, #tpu.memory_space<hbm>>
    %dma_start3A_1055 = arith.constant 0 : i32
    %dma_start3A_1056 = arith.constant 0 : i32
    %dma_start3A_1057 = tpu.memref_slice %arg7[%dma_start3A_1043, %dma_start3A_1055, %dma_start3A_1056] : memref<6x128x128xf32, #tpu.memory_space<vmem>> -> memref<1x128x128xf32, #tpu.memory_space<vmem>>
    %dma_start3A_1058 = tpu.memref_squeeze %dma_start3A_1057 : memref<1x128x128xf32, #tpu.memory_space<vmem>> -> memref<128x128xf32, #tpu.memory_space<vmem>>
    tpu.enqueue_dma source(%dma_start3A_1058 : memref<128x128xf32, #tpu.memory_space<vmem>>) target(%dma_start3A_1054 : memref<128x128xf32, #tpu.memory_space<hbm>>) target_semaphore(%dma_start3A_1052 : memref<!tpu.dma_semaphore, #tpu.memory_space<semaphore_mem>>)
    %dma_wait3A_1059 = arith.constant 5 : i32
    %dma_wait3A_1060 = arith.constant 5 : i32
    %dma_wait3A_1061 = arith.constant 0 : i32
    %dma_wait3A_1062 = arith.constant 0 : i32
    %dma_wait3A_1063 = tpu.memref_slice %arg7[%dma_wait3A_1059, %dma_wait3A_1061, %dma_wait3A_1062] : memref<6x128x128xf32, #tpu.memory_space<vmem>> -> memref<1x128x128xf32, #tpu.memory_space<vmem>>
    %dma_wait3A_1064 = tpu.memref_squeeze %dma_wait3A_1063 : memref<1x128x128xf32, #tpu.memory_space<vmem>> -> memref<128x128xf32, #tpu.memory_space<vmem>>
    %dma_wait3A_1065 = arith.constant 0 : i32
    %dma_wait3A_1066 = tpu.memref_slice %arg4[%mul3A_764, %dma_wait3A_1065] : memref<61440x128xf32, #tpu.memory_space<hbm>> -> memref<128x128xf32, #tpu.memory_space<hbm>>
    %dma_wait3A_1067 = tpu.memref_slice %arg9[%dma_wait3A_1060] : memref<6x!tpu.dma_semaphore, #tpu.memory_space<semaphore_mem>> -> memref<1x!tpu.dma_semaphore, #tpu.memory_space<semaphore_mem>>
    %dma_wait3A_1068 = tpu.memref_squeeze %dma_wait3A_1067 : memref<1x!tpu.dma_semaphore, #tpu.memory_space<semaphore_mem>> -> memref<!tpu.dma_semaphore, #tpu.memory_space<semaphore_mem>>
    %dma_wait3A_1069 = arith.constant 0 : i32
    %dma_wait3A_1070 = tpu.memref_slice %arg4[%mul3A_764, %dma_wait3A_1069] : memref<61440x128xf32, #tpu.memory_space<hbm>> -> memref<128x128xf32, #tpu.memory_space<hbm>>
    %dma_wait3A_1071 = arith.constant 0 : i32
    %dma_wait3A_1072 = arith.constant 0 : i32
    %dma_wait3A_1073 = tpu.memref_slice %arg7[%dma_wait3A_1059, %dma_wait3A_1071, %dma_wait3A_1072] : memref<6x128x128xf32, #tpu.memory_space<vmem>> -> memref<1x128x128xf32, #tpu.memory_space<vmem>>
    %dma_wait3A_1074 = tpu.memref_squeeze %dma_wait3A_1073 : memref<1x128x128xf32, #tpu.memory_space<vmem>> -> memref<128x128xf32, #tpu.memory_space<vmem>>
    tpu.wait_dma2 semaphore(%dma_wait3A_1068 : memref<!tpu.dma_semaphore, #tpu.memory_space<semaphore_mem>>) src(%dma_wait3A_1074 : memref<128x128xf32, #tpu.memory_space<vmem>>) dst(%dma_wait3A_1070 : memref<128x128xf32, #tpu.memory_space<hbm>>)
    %dma_wait3A_1075 = arith.constant 0 : i32
    %dma_wait3A_1076 = arith.constant 0 : i32
    %dma_wait3A_1077 = arith.constant 0 : i32
    %dma_wait3A_1078 = arith.constant 0 : i32
    %dma_wait3A_1079 = tpu.memref_slice %arg7[%dma_wait3A_1075, %dma_wait3A_1077, %dma_wait3A_1078] : memref<6x128x128xf32, #tpu.memory_space<vmem>> -> memref<1x128x128xf32, #tpu.memory_space<vmem>>
    %dma_wait3A_1080 = tpu.memref_squeeze %dma_wait3A_1079 : memref<1x128x128xf32, #tpu.memory_space<vmem>> -> memref<128x128xf32, #tpu.memory_space<vmem>>
    %dma_wait3A_1081 = arith.constant 0 : i32
    %dma_wait3A_1082 = tpu.memref_slice %arg4[%mul3A_832, %dma_wait3A_1081] : memref<61440x128xf32, #tpu.memory_space<hbm>> -> memref<128x128xf32, #tpu.memory_space<hbm>>
    %dma_wait3A_1083 = tpu.memref_slice %arg9[%dma_wait3A_1076] : memref<6x!tpu.dma_semaphore, #tpu.memory_space<semaphore_mem>> -> memref<1x!tpu.dma_semaphore, #tpu.memory_space<semaphore_mem>>
    %dma_wait3A_1084 = tpu.memref_squeeze %dma_wait3A_1083 : memref<1x!tpu.dma_semaphore, #tpu.memory_space<semaphore_mem>> -> memref<!tpu.dma_semaphore, #tpu.memory_space<semaphore_mem>>
    %dma_wait3A_1085 = arith.constant 0 : i32
    %dma_wait3A_1086 = tpu.memref_slice %arg4[%mul3A_832, %dma_wait3A_1085] : memref<61440x128xf32, #tpu.memory_space<hbm>> -> memref<128x128xf32, #tpu.memory_space<hbm>>
    %dma_wait3A_1087 = arith.constant 0 : i32
    %dma_wait3A_1088 = arith.constant 0 : i32
    %dma_wait3A_1089 = tpu.memref_slice %arg7[%dma_wait3A_1075, %dma_wait3A_1087, %dma_wait3A_1088] : memref<6x128x128xf32, #tpu.memory_space<vmem>> -> memref<1x128x128xf32, #tpu.memory_space<vmem>>
    %dma_wait3A_1090 = tpu.memref_squeeze %dma_wait3A_1089 : memref<1x128x128xf32, #tpu.memory_space<vmem>> -> memref<128x128xf32, #tpu.memory_space<vmem>>
    tpu.wait_dma2 semaphore(%dma_wait3A_1084 : memref<!tpu.dma_semaphore, #tpu.memory_space<semaphore_mem>>) src(%dma_wait3A_1090 : memref<128x128xf32, #tpu.memory_space<vmem>>) dst(%dma_wait3A_1086 : memref<128x128xf32, #tpu.memory_space<hbm>>)
    %dma_wait3A_1091 = arith.constant 1 : i32
    %dma_wait3A_1092 = arith.constant 1 : i32
    %dma_wait3A_1093 = arith.constant 0 : i32
    %dma_wait3A_1094 = arith.constant 0 : i32
    %dma_wait3A_1095 = tpu.memref_slice %arg7[%dma_wait3A_1091, %dma_wait3A_1093, %dma_wait3A_1094] : memref<6x128x128xf32, #tpu.memory_space<vmem>> -> memref<1x128x128xf32, #tpu.memory_space<vmem>>
    %dma_wait3A_1096 = tpu.memref_squeeze %dma_wait3A_1095 : memref<1x128x128xf32, #tpu.memory_space<vmem>> -> memref<128x128xf32, #tpu.memory_space<vmem>>
    %dma_wait3A_1097 = arith.constant 0 : i32
    %dma_wait3A_1098 = tpu.memref_slice %arg4[%mul3A_900, %dma_wait3A_1097] : memref<61440x128xf32, #tpu.memory_space<hbm>> -> memref<128x128xf32, #tpu.memory_space<hbm>>
    %dma_wait3A_1099 = tpu.memref_slice %arg9[%dma_wait3A_1092] : memref<6x!tpu.dma_semaphore, #tpu.memory_space<semaphore_mem>> -> memref<1x!tpu.dma_semaphore, #tpu.memory_space<semaphore_mem>>
    %dma_wait3A_1100 = tpu.memref_squeeze %dma_wait3A_1099 : memref<1x!tpu.dma_semaphore, #tpu.memory_space<semaphore_mem>> -> memref<!tpu.dma_semaphore, #tpu.memory_space<semaphore_mem>>
    %dma_wait3A_1101 = arith.constant 0 : i32
    %dma_wait3A_1102 = tpu.memref_slice %arg4[%mul3A_900, %dma_wait3A_1101] : memref<61440x128xf32, #tpu.memory_space<hbm>> -> memref<128x128xf32, #tpu.memory_space<hbm>>
    %dma_wait3A_1103 = arith.constant 0 : i32
    %dma_wait3A_1104 = arith.constant 0 : i32
    %dma_wait3A_1105 = tpu.memref_slice %arg7[%dma_wait3A_1091, %dma_wait3A_1103, %dma_wait3A_1104] : memref<6x128x128xf32, #tpu.memory_space<vmem>> -> memref<1x128x128xf32, #tpu.memory_space<vmem>>
    %dma_wait3A_1106 = tpu.memref_squeeze %dma_wait3A_1105 : memref<1x128x128xf32, #tpu.memory_space<vmem>> -> memref<128x128xf32, #tpu.memory_space<vmem>>
    tpu.wait_dma2 semaphore(%dma_wait3A_1100 : memref<!tpu.dma_semaphore, #tpu.memory_space<semaphore_mem>>) src(%dma_wait3A_1106 : memref<128x128xf32, #tpu.memory_space<vmem>>) dst(%dma_wait3A_1102 : memref<128x128xf32, #tpu.memory_space<hbm>>)
    %dma_wait3A_1107 = arith.constant 2 : i32
    %dma_wait3A_1108 = arith.constant 2 : i32
    %dma_wait3A_1109 = arith.constant 0 : i32
    %dma_wait3A_1110 = arith.constant 0 : i32
    %dma_wait3A_1111 = tpu.memref_slice %arg7[%dma_wait3A_1107, %dma_wait3A_1109, %dma_wait3A_1110] : memref<6x128x128xf32, #tpu.memory_space<vmem>> -> memref<1x128x128xf32, #tpu.memory_space<vmem>>
    %dma_wait3A_1112 = tpu.memref_squeeze %dma_wait3A_1111 : memref<1x128x128xf32, #tpu.memory_space<vmem>> -> memref<128x128xf32, #tpu.memory_space<vmem>>
    %dma_wait3A_1113 = arith.constant 0 : i32
    %dma_wait3A_1114 = tpu.memref_slice %arg4[%mul3A_968, %dma_wait3A_1113] : memref<61440x128xf32, #tpu.memory_space<hbm>> -> memref<128x128xf32, #tpu.memory_space<hbm>>
    %dma_wait3A_1115 = tpu.memref_slice %arg9[%dma_wait3A_1108] : memref<6x!tpu.dma_semaphore, #tpu.memory_space<semaphore_mem>> -> memref<1x!tpu.dma_semaphore, #tpu.memory_space<semaphore_mem>>
    %dma_wait3A_1116 = tpu.memref_squeeze %dma_wait3A_1115 : memref<1x!tpu.dma_semaphore, #tpu.memory_space<semaphore_mem>> -> memref<!tpu.dma_semaphore, #tpu.memory_space<semaphore_mem>>
    %dma_wait3A_1117 = arith.constant 0 : i32
    %dma_wait3A_1118 = tpu.memref_slice %arg4[%mul3A_968, %dma_wait3A_1117] : memref<61440x128xf32, #tpu.memory_space<hbm>> -> memref<128x128xf32, #tpu.memory_space<hbm>>
    %dma_wait3A_1119 = arith.constant 0 : i32
    %dma_wait3A_1120 = arith.constant 0 : i32
    %dma_wait3A_1121 = tpu.memref_slice %arg7[%dma_wait3A_1107, %dma_wait3A_1119, %dma_wait3A_1120] : memref<6x128x128xf32, #tpu.memory_space<vmem>> -> memref<1x128x128xf32, #tpu.memory_space<vmem>>
    %dma_wait3A_1122 = tpu.memref_squeeze %dma_wait3A_1121 : memref<1x128x128xf32, #tpu.memory_space<vmem>> -> memref<128x128xf32, #tpu.memory_space<vmem>>
    tpu.wait_dma2 semaphore(%dma_wait3A_1116 : memref<!tpu.dma_semaphore, #tpu.memory_space<semaphore_mem>>) src(%dma_wait3A_1122 : memref<128x128xf32, #tpu.memory_space<vmem>>) dst(%dma_wait3A_1118 : memref<128x128xf32, #tpu.memory_space<hbm>>)
    %dma_wait3A_1123 = arith.constant 3 : i32
    %dma_wait3A_1124 = arith.constant 3 : i32
    %dma_wait3A_1125 = arith.constant 0 : i32
    %dma_wait3A_1126 = arith.constant 0 : i32
    %dma_wait3A_1127 = tpu.memref_slice %arg7[%dma_wait3A_1123, %dma_wait3A_1125, %dma_wait3A_1126] : memref<6x128x128xf32, #tpu.memory_space<vmem>> -> memref<1x128x128xf32, #tpu.memory_space<vmem>>
    %dma_wait3A_1128 = tpu.memref_squeeze %dma_wait3A_1127 : memref<1x128x128xf32, #tpu.memory_space<vmem>> -> memref<128x128xf32, #tpu.memory_space<vmem>>
    %dma_wait3A_1129 = arith.constant 0 : i32
    %dma_wait3A_1130 = tpu.memref_slice %arg5[%mul3A_1005, %dma_wait3A_1129] : memref<8192x128xf32, #tpu.memory_space<hbm>> -> memref<128x128xf32, #tpu.memory_space<hbm>>
    %dma_wait3A_1131 = tpu.memref_slice %arg9[%dma_wait3A_1124] : memref<6x!tpu.dma_semaphore, #tpu.memory_space<semaphore_mem>> -> memref<1x!tpu.dma_semaphore, #tpu.memory_space<semaphore_mem>>
    %dma_wait3A_1132 = tpu.memref_squeeze %dma_wait3A_1131 : memref<1x!tpu.dma_semaphore, #tpu.memory_space<semaphore_mem>> -> memref<!tpu.dma_semaphore, #tpu.memory_space<semaphore_mem>>
    %dma_wait3A_1133 = arith.constant 0 : i32
    %dma_wait3A_1134 = tpu.memref_slice %arg5[%mul3A_1005, %dma_wait3A_1133] : memref<8192x128xf32, #tpu.memory_space<hbm>> -> memref<128x128xf32, #tpu.memory_space<hbm>>
    %dma_wait3A_1135 = arith.constant 0 : i32
    %dma_wait3A_1136 = arith.constant 0 : i32
    %dma_wait3A_1137 = tpu.memref_slice %arg7[%dma_wait3A_1123, %dma_wait3A_1135, %dma_wait3A_1136] : memref<6x128x128xf32, #tpu.memory_space<vmem>> -> memref<1x128x128xf32, #tpu.memory_space<vmem>>
    %dma_wait3A_1138 = tpu.memref_squeeze %dma_wait3A_1137 : memref<1x128x128xf32, #tpu.memory_space<vmem>> -> memref<128x128xf32, #tpu.memory_space<vmem>>
    tpu.wait_dma2 semaphore(%dma_wait3A_1132 : memref<!tpu.dma_semaphore, #tpu.memory_space<semaphore_mem>>) src(%dma_wait3A_1138 : memref<128x128xf32, #tpu.memory_space<vmem>>) dst(%dma_wait3A_1134 : memref<128x128xf32, #tpu.memory_space<hbm>>)
    %dma_wait3A_1139 = arith.constant 4 : i32
    %dma_wait3A_1140 = arith.constant 4 : i32
    %dma_wait3A_1141 = arith.constant 0 : i32
    %dma_wait3A_1142 = arith.constant 0 : i32
    %dma_wait3A_1143 = tpu.memref_slice %arg7[%dma_wait3A_1139, %dma_wait3A_1141, %dma_wait3A_1142] : memref<6x128x128xf32, #tpu.memory_space<vmem>> -> memref<1x128x128xf32, #tpu.memory_space<vmem>>
    %dma_wait3A_1144 = tpu.memref_squeeze %dma_wait3A_1143 : memref<1x128x128xf32, #tpu.memory_space<vmem>> -> memref<128x128xf32, #tpu.memory_space<vmem>>
    %dma_wait3A_1145 = arith.constant 0 : i32
    %dma_wait3A_1146 = tpu.memref_slice %arg5[%mul3A_1042, %dma_wait3A_1145] : memref<8192x128xf32, #tpu.memory_space<hbm>> -> memref<128x128xf32, #tpu.memory_space<hbm>>
    %dma_wait3A_1147 = tpu.memref_slice %arg9[%dma_wait3A_1140] : memref<6x!tpu.dma_semaphore, #tpu.memory_space<semaphore_mem>> -> memref<1x!tpu.dma_semaphore, #tpu.memory_space<semaphore_mem>>
    %dma_wait3A_1148 = tpu.memref_squeeze %dma_wait3A_1147 : memref<1x!tpu.dma_semaphore, #tpu.memory_space<semaphore_mem>> -> memref<!tpu.dma_semaphore, #tpu.memory_space<semaphore_mem>>
    %dma_wait3A_1149 = arith.constant 0 : i32
    %dma_wait3A_1150 = tpu.memref_slice %arg5[%mul3A_1042, %dma_wait3A_1149] : memref<8192x128xf32, #tpu.memory_space<hbm>> -> memref<128x128xf32, #tpu.memory_space<hbm>>
    %dma_wait3A_1151 = arith.constant 0 : i32
    %dma_wait3A_1152 = arith.constant 0 : i32
    %dma_wait3A_1153 = tpu.memref_slice %arg7[%dma_wait3A_1139, %dma_wait3A_1151, %dma_wait3A_1152] : memref<6x128x128xf32, #tpu.memory_space<vmem>> -> memref<1x128x128xf32, #tpu.memory_space<vmem>>
    %dma_wait3A_1154 = tpu.memref_squeeze %dma_wait3A_1153 : memref<1x128x128xf32, #tpu.memory_space<vmem>> -> memref<128x128xf32, #tpu.memory_space<vmem>>
    tpu.wait_dma2 semaphore(%dma_wait3A_1148 : memref<!tpu.dma_semaphore, #tpu.memory_space<semaphore_mem>>) src(%dma_wait3A_1154 : memref<128x128xf32, #tpu.memory_space<vmem>>) dst(%dma_wait3A_1150 : memref<128x128xf32, #tpu.memory_space<hbm>>)
    return
  }
}

module attributes {stable_mosaic.version = 14 : i64} {
  func.func @_topk3_body(%arg0: i32, %arg1: memref<512x2048xf32, #tpu.memory_space<vmem>>, %arg2: memref<1x512x3xf32, #tpu.memory_space<vmem>>, %arg3: memref<1x512x3xi32, #tpu.memory_space<vmem>>) attributes {dimension_semantics = [#tpu.dimension_semantics<arbitrary>], iteration_bounds = array<i64: 4>, scalar_prefetch = 0 : i64, scratch_operands = 0 : i64, tpu.core_type = #tpu.core_type<tc>, window_params = [{transform_indices = @transform_0, window_bounds = array<i64: 512, 2048>}, {transform_indices = @transform_1, window_bounds = array<i64: 1, 512, 3>}, {transform_indices = @transform_2, window_bounds = array<i64: 1, 512, 3>}]} {
    %get3A = arith.constant 0 : index
    %get3A_0 = arith.constant 0 : index
    %get3A_1 = vector.load %arg1[%get3A, %get3A_0] : memref<512x2048xf32, #tpu.memory_space<vmem>>, vector<512x2048xf32>
    %iota3A = tpu.iota {dimensions = array<i32: 1>} : vector<512x2048xi32>
    %reduce_max3A = arith.constant dense<0xFF800000> : vector<512xf32>
    %reduce_max3A_2 = vector.multi_reduction <maximumf>, %get3A_1, %reduce_max3A [1] : vector<512x2048xf32> to vector<512xf32>
    %broadcast_in_dim3A = vector.shape_cast %reduce_max3A_2 : vector<512xf32> to vector<512x1xf32>
    %sub3A = vector.broadcast %broadcast_in_dim3A : vector<512x1xf32> to vector<512x2048xf32>
    %sub3A_3 = arith.subf %get3A_1, %sub3A : vector<512x2048xf32>
    %exp3A = math.exp %sub3A_3 : vector<512x2048xf32>
    %reduce_sum3A = arith.constant dense<0.000000e+00> : vector<512xf32>
    %reduce_sum3A_4 = vector.multi_reduction <add>, %exp3A, %reduce_sum3A [1] : vector<512x2048xf32> to vector<512xf32>
    %broadcast_in_dim3A_5 = vector.shape_cast %reduce_sum3A_4 : vector<512xf32> to vector<512x1xf32>
    %eq3A = vector.broadcast %broadcast_in_dim3A : vector<512x1xf32> to vector<512x2048xf32>
    %eq3A_6 = arith.cmpf oeq, %get3A_1, %eq3A : vector<512x2048xf32>
    %jit3A = arith.constant 2048 : i32
    %broadcast_in_dim3A_7 = vector.broadcast %jit3A : i32 to vector<512x2048xi32>
    %select_n3A = arith.select %eq3A_6, %iota3A, %broadcast_in_dim3A_7 : vector<512x2048xi1>, vector<512x2048xi32>
    %reduce_min3A = arith.constant dense<2147483647> : vector<512xi32>
    %reduce_min3A_8 = vector.multi_reduction <minsi>, %select_n3A, %reduce_min3A [1] : vector<512x2048xi32> to vector<512xi32>
    %broadcast_in_dim3A_9 = vector.shape_cast %reduce_min3A_8 : vector<512xi32> to vector<512x1xi32>
    %eq3A_10 = vector.broadcast %broadcast_in_dim3A_9 : vector<512x1xi32> to vector<512x2048xi32>
    %eq3A_11 = arith.cmpi eq, %iota3A, %eq3A_10 : vector<512x2048xi32>
    %jit3A_12 = arith.constant 0xFF800000 : f32
    %broadcast_in_dim3A_13 = vector.broadcast %jit3A_12 : f32 to vector<512x2048xf32>
    %select_n3A_14 = arith.select %eq3A_11, %broadcast_in_dim3A_13, %get3A_1 : vector<512x2048xi1>, vector<512x2048xf32>
    %reduce_max3A_15 = arith.constant dense<0xFF800000> : vector<512xf32>
    %reduce_max3A_16 = vector.multi_reduction <maximumf>, %select_n3A_14, %reduce_max3A_15 [1] : vector<512x2048xf32> to vector<512xf32>
    %broadcast_in_dim3A_17 = vector.shape_cast %reduce_max3A_16 : vector<512xf32> to vector<512x1xf32>
    %eq3A_18 = vector.broadcast %broadcast_in_dim3A_17 : vector<512x1xf32> to vector<512x2048xf32>
    %eq3A_19 = arith.cmpf oeq, %select_n3A_14, %eq3A_18 : vector<512x2048xf32>
    %jit3A_20 = arith.constant 2048 : i32
    %broadcast_in_dim3A_21 = vector.broadcast %jit3A_20 : i32 to vector<512x2048xi32>
    %select_n3A_22 = arith.select %eq3A_19, %iota3A, %broadcast_in_dim3A_21 : vector<512x2048xi1>, vector<512x2048xi32>
    %reduce_min3A_23 = arith.constant dense<2147483647> : vector<512xi32>
    %reduce_min3A_24 = vector.multi_reduction <minsi>, %select_n3A_22, %reduce_min3A_23 [1] : vector<512x2048xi32> to vector<512xi32>
    %broadcast_in_dim3A_25 = vector.shape_cast %reduce_min3A_24 : vector<512xi32> to vector<512x1xi32>
    %eq3A_26 = vector.broadcast %broadcast_in_dim3A_25 : vector<512x1xi32> to vector<512x2048xi32>
    %eq3A_27 = arith.cmpi eq, %iota3A, %eq3A_26 : vector<512x2048xi32>
    %jit3A_28 = arith.constant 0xFF800000 : f32
    %broadcast_in_dim3A_29 = vector.broadcast %jit3A_28 : f32 to vector<512x2048xf32>
    %select_n3A_30 = arith.select %eq3A_27, %broadcast_in_dim3A_29, %select_n3A_14 : vector<512x2048xi1>, vector<512x2048xf32>
    %reduce_max3A_31 = arith.constant dense<0xFF800000> : vector<512xf32>
    %reduce_max3A_32 = vector.multi_reduction <maximumf>, %select_n3A_30, %reduce_max3A_31 [1] : vector<512x2048xf32> to vector<512xf32>
    %broadcast_in_dim3A_33 = vector.shape_cast %reduce_max3A_32 : vector<512xf32> to vector<512x1xf32>
    %eq3A_34 = vector.broadcast %broadcast_in_dim3A_33 : vector<512x1xf32> to vector<512x2048xf32>
    %eq3A_35 = arith.cmpf oeq, %select_n3A_30, %eq3A_34 : vector<512x2048xf32>
    %jit3A_36 = arith.constant 2048 : i32
    %broadcast_in_dim3A_37 = vector.broadcast %jit3A_36 : i32 to vector<512x2048xi32>
    %select_n3A_38 = arith.select %eq3A_35, %iota3A, %broadcast_in_dim3A_37 : vector<512x2048xi1>, vector<512x2048xi32>
    %reduce_min3A_39 = arith.constant dense<2147483647> : vector<512xi32>
    %reduce_min3A_40 = vector.multi_reduction <minsi>, %select_n3A_38, %reduce_min3A_39 [1] : vector<512x2048xi32> to vector<512xi32>
    %broadcast_in_dim3A_41 = vector.shape_cast %reduce_min3A_40 : vector<512xi32> to vector<512x1xi32>
    %div3A = arith.constant 1.000000e+00 : f32
    %div3A_42 = vector.broadcast %div3A : f32 to vector<512x1xf32>
    %div3A_43 = arith.divf %div3A_42, %broadcast_in_dim3A_5 : vector<512x1xf32>
    %swap3A = arith.constant 0 : index
    %swap3A_44 = arith.constant 0 : index
    %swap3A_45 = arith.constant 0 : index
    %swap3A_46 = vector.load %arg2[%swap3A, %swap3A_44, %swap3A_45] : memref<1x512x3xf32, #tpu.memory_space<vmem>>, vector<1x512x1xf32>
    %swap3A_47 = vector.shape_cast %swap3A_46 : vector<1x512x1xf32> to vector<512x1xf32>
    %swap3A_48 = vector.shape_cast %div3A_43 : vector<512x1xf32> to vector<1x512x1xf32>
    tpu.vector_store %arg2[%swap3A, %swap3A_44, %swap3A_45], %swap3A_48 {strides = array<i32>} : memref<1x512x3xf32, #tpu.memory_space<vmem>>, vector<1x512x1xf32>,
    %sub3A_49 = arith.subf %broadcast_in_dim3A_17, %broadcast_in_dim3A : vector<512x1xf32>
    %exp3A_50 = math.exp %sub3A_49 : vector<512x1xf32>
    %mul3A = arith.mulf %exp3A_50, %div3A_43 : vector<512x1xf32>
    %swap3A_51 = arith.constant 0 : index
    %swap3A_52 = arith.constant 0 : index
    %swap3A_53 = arith.constant 1 : index
    %swap3A_54 = vector.load %arg2[%swap3A_51, %swap3A_52, %swap3A_53] : memref<1x512x3xf32, #tpu.memory_space<vmem>>, vector<1x512x1xf32>
    %swap3A_55 = vector.shape_cast %swap3A_54 : vector<1x512x1xf32> to vector<512x1xf32>
    %swap3A_56 = vector.shape_cast %mul3A : vector<512x1xf32> to vector<1x512x1xf32>
    tpu.vector_store %arg2[%swap3A_51, %swap3A_52, %swap3A_53], %swap3A_56 {strides = array<i32>} : memref<1x512x3xf32, #tpu.memory_space<vmem>>, vector<1x512x1xf32>,
    %sub3A_57 = arith.subf %broadcast_in_dim3A_33, %broadcast_in_dim3A : vector<512x1xf32>
    %exp3A_58 = math.exp %sub3A_57 : vector<512x1xf32>
    %mul3A_59 = arith.mulf %exp3A_58, %div3A_43 : vector<512x1xf32>
    %swap3A_60 = arith.constant 0 : index
    %swap3A_61 = arith.constant 0 : index
    %swap3A_62 = arith.constant 2 : index
    %swap3A_63 = vector.load %arg2[%swap3A_60, %swap3A_61, %swap3A_62] : memref<1x512x3xf32, #tpu.memory_space<vmem>>, vector<1x512x1xf32>
    %swap3A_64 = vector.shape_cast %swap3A_63 : vector<1x512x1xf32> to vector<512x1xf32>
    %swap3A_65 = vector.shape_cast %mul3A_59 : vector<512x1xf32> to vector<1x512x1xf32>
    tpu.vector_store %arg2[%swap3A_60, %swap3A_61, %swap3A_62], %swap3A_65 {strides = array<i32>} : memref<1x512x3xf32, #tpu.memory_space<vmem>>, vector<1x512x1xf32>,
    %swap3A_66 = arith.constant 0 : index
    %swap3A_67 = arith.constant 0 : index
    %swap3A_68 = arith.constant 0 : index
    %swap3A_69 = vector.load %arg3[%swap3A_66, %swap3A_67, %swap3A_68] : memref<1x512x3xi32, #tpu.memory_space<vmem>>, vector<1x512x1xi32>
    %swap3A_70 = vector.shape_cast %swap3A_69 : vector<1x512x1xi32> to vector<512x1xi32>
    %swap3A_71 = vector.shape_cast %broadcast_in_dim3A_9 : vector<512x1xi32> to vector<1x512x1xi32>
    tpu.vector_store %arg3[%swap3A_66, %swap3A_67, %swap3A_68], %swap3A_71 {strides = array<i32>} : memref<1x512x3xi32, #tpu.memory_space<vmem>>, vector<1x512x1xi32>,
    %swap3A_72 = arith.constant 0 : index
    %swap3A_73 = arith.constant 0 : index
    %swap3A_74 = arith.constant 1 : index
    %swap3A_75 = vector.load %arg3[%swap3A_72, %swap3A_73, %swap3A_74] : memref<1x512x3xi32, #tpu.memory_space<vmem>>, vector<1x512x1xi32>
    %swap3A_76 = vector.shape_cast %swap3A_75 : vector<1x512x1xi32> to vector<512x1xi32>
    %swap3A_77 = vector.shape_cast %broadcast_in_dim3A_25 : vector<512x1xi32> to vector<1x512x1xi32>
    tpu.vector_store %arg3[%swap3A_72, %swap3A_73, %swap3A_74], %swap3A_77 {strides = array<i32>} : memref<1x512x3xi32, #tpu.memory_space<vmem>>, vector<1x512x1xi32>,
    %swap3A_78 = arith.constant 0 : index
    %swap3A_79 = arith.constant 0 : index
    %swap3A_80 = arith.constant 2 : index
    %swap3A_81 = vector.load %arg3[%swap3A_78, %swap3A_79, %swap3A_80] : memref<1x512x3xi32, #tpu.memory_space<vmem>>, vector<1x512x1xi32>
    %swap3A_82 = vector.shape_cast %swap3A_81 : vector<1x512x1xi32> to vector<512x1xi32>
    %swap3A_83 = vector.shape_cast %broadcast_in_dim3A_41 : vector<512x1xi32> to vector<1x512x1xi32>
    tpu.vector_store %arg3[%swap3A_78, %swap3A_79, %swap3A_80], %swap3A_83 {strides = array<i32>} : memref<1x512x3xi32, #tpu.memory_space<vmem>>, vector<1x512x1xi32>,
    return
  }
  func.func @transform_0(%arg0: i32) -> (i32, i32) {
    %add3A = arith.constant 0 : i32
    %add3A_0 = arith.addi %add3A, %arg0 : i32
    %c0_i32 = arith.constant 0 : i32
    %c0_i32_1 = arith.constant 0 : i32
    return %add3A_0, %c0_i32 : i32, i32
  }
  func.func @transform_1(%arg0: i32) -> (i32, i32, i32) {
    %c0_i32 = arith.constant 0 : i32
    %c0_i32_0 = arith.constant 0 : i32
    %c0_i32_1 = arith.constant 0 : i32
    return %arg0, %c0_i32, %c0_i32_0 : i32, i32, i32
  }
  func.func @transform_2(%arg0: i32) -> (i32, i32, i32) {
    %c0_i32 = arith.constant 0 : i32
    %c0_i32_0 = arith.constant 0 : i32
    %c0_i32_1 = arith.constant 0 : i32
    return %arg0, %c0_i32, %c0_i32_0 : i32, i32, i32
  }
}

module attributes {stable_mosaic.version = 14 : i64} {
  func.func @_topk3_body(%arg0: i32, %arg1: memref<1000x2048xf32, #tpu.memory_space<vmem>>, %arg2: memref<1x1000x3xf32, #tpu.memory_space<vmem>>, %arg3: memref<1x1000x3xi32, #tpu.memory_space<vmem>>) attributes {dimension_semantics = [#tpu.dimension_semantics<arbitrary>], iteration_bounds = array<i64: 20>, scalar_prefetch = 0 : i64, scratch_operands = 0 : i64, tpu.core_type = #tpu.core_type<tc>, window_params = [{transform_indices = @transform_0, window_bounds = array<i64: 1000, 2048>}, {transform_indices = @transform_1, window_bounds = array<i64: 1, 1000, 3>}, {transform_indices = @transform_2, window_bounds = array<i64: 1, 1000, 3>}]} {
    %get3A = arith.constant 0 : index
    %get3A_0 = arith.constant 0 : index
    %get3A_1 = vector.load %arg1[%get3A, %get3A_0] : memref<1000x2048xf32, #tpu.memory_space<vmem>>, vector<1000x2048xf32>
    %iota3A = tpu.iota {dimensions = array<i32: 1>} : vector<1000x2048xi32>
    %reduce_max3A = arith.constant dense<0xFF800000> : vector<1000xf32>
    %reduce_max3A_2 = vector.multi_reduction <maximumf>, %get3A_1, %reduce_max3A [1] : vector<1000x2048xf32> to vector<1000xf32>
    %broadcast_in_dim3A = vector.shape_cast %reduce_max3A_2 : vector<1000xf32> to vector<1000x1xf32>
    %sub3A = vector.broadcast %broadcast_in_dim3A : vector<1000x1xf32> to vector<1000x2048xf32>
    %sub3A_3 = arith.subf %get3A_1, %sub3A : vector<1000x2048xf32>
    %exp3A = math.exp %sub3A_3 : vector<1000x2048xf32>
    %reduce_sum3A = arith.constant dense<0.000000e+00> : vector<1000xf32>
    %reduce_sum3A_4 = vector.multi_reduction <add>, %exp3A, %reduce_sum3A [1] : vector<1000x2048xf32> to vector<1000xf32>
    %broadcast_in_dim3A_5 = vector.shape_cast %reduce_sum3A_4 : vector<1000xf32> to vector<1000x1xf32>
    %eq3A = vector.broadcast %broadcast_in_dim3A : vector<1000x1xf32> to vector<1000x2048xf32>
    %eq3A_6 = arith.cmpf oeq, %get3A_1, %eq3A : vector<1000x2048xf32>
    %jit3A = arith.constant 2048 : i32
    %broadcast_in_dim3A_7 = vector.broadcast %jit3A : i32 to vector<1000x2048xi32>
    %select_n3A = arith.select %eq3A_6, %iota3A, %broadcast_in_dim3A_7 : vector<1000x2048xi1>, vector<1000x2048xi32>
    %reduce_min3A = arith.constant dense<2147483647> : vector<1000xi32>
    %reduce_min3A_8 = vector.multi_reduction <minsi>, %select_n3A, %reduce_min3A [1] : vector<1000x2048xi32> to vector<1000xi32>
    %broadcast_in_dim3A_9 = vector.shape_cast %reduce_min3A_8 : vector<1000xi32> to vector<1000x1xi32>
    %eq3A_10 = vector.broadcast %broadcast_in_dim3A_9 : vector<1000x1xi32> to vector<1000x2048xi32>
    %eq3A_11 = arith.cmpi eq, %iota3A, %eq3A_10 : vector<1000x2048xi32>
    %jit3A_12 = arith.constant 0xFF800000 : f32
    %broadcast_in_dim3A_13 = vector.broadcast %jit3A_12 : f32 to vector<1000x2048xf32>
    %select_n3A_14 = arith.select %eq3A_11, %broadcast_in_dim3A_13, %get3A_1 : vector<1000x2048xi1>, vector<1000x2048xf32>
    %reduce_max3A_15 = arith.constant dense<0xFF800000> : vector<1000xf32>
    %reduce_max3A_16 = vector.multi_reduction <maximumf>, %select_n3A_14, %reduce_max3A_15 [1] : vector<1000x2048xf32> to vector<1000xf32>
    %broadcast_in_dim3A_17 = vector.shape_cast %reduce_max3A_16 : vector<1000xf32> to vector<1000x1xf32>
    %eq3A_18 = vector.broadcast %broadcast_in_dim3A_17 : vector<1000x1xf32> to vector<1000x2048xf32>
    %eq3A_19 = arith.cmpf oeq, %select_n3A_14, %eq3A_18 : vector<1000x2048xf32>
    %jit3A_20 = arith.constant 2048 : i32
    %broadcast_in_dim3A_21 = vector.broadcast %jit3A_20 : i32 to vector<1000x2048xi32>
    %select_n3A_22 = arith.select %eq3A_19, %iota3A, %broadcast_in_dim3A_21 : vector<1000x2048xi1>, vector<1000x2048xi32>
    %reduce_min3A_23 = arith.constant dense<2147483647> : vector<1000xi32>
    %reduce_min3A_24 = vector.multi_reduction <minsi>, %select_n3A_22, %reduce_min3A_23 [1] : vector<1000x2048xi32> to vector<1000xi32>
    %broadcast_in_dim3A_25 = vector.shape_cast %reduce_min3A_24 : vector<1000xi32> to vector<1000x1xi32>
    %eq3A_26 = vector.broadcast %broadcast_in_dim3A_25 : vector<1000x1xi32> to vector<1000x2048xi32>
    %eq3A_27 = arith.cmpi eq, %iota3A, %eq3A_26 : vector<1000x2048xi32>
    %jit3A_28 = arith.constant 0xFF800000 : f32
    %broadcast_in_dim3A_29 = vector.broadcast %jit3A_28 : f32 to vector<1000x2048xf32>
    %select_n3A_30 = arith.select %eq3A_27, %broadcast_in_dim3A_29, %select_n3A_14 : vector<1000x2048xi1>, vector<1000x2048xf32>
    %reduce_max3A_31 = arith.constant dense<0xFF800000> : vector<1000xf32>
    %reduce_max3A_32 = vector.multi_reduction <maximumf>, %select_n3A_30, %reduce_max3A_31 [1] : vector<1000x2048xf32> to vector<1000xf32>
    %broadcast_in_dim3A_33 = vector.shape_cast %reduce_max3A_32 : vector<1000xf32> to vector<1000x1xf32>
    %eq3A_34 = vector.broadcast %broadcast_in_dim3A_33 : vector<1000x1xf32> to vector<1000x2048xf32>
    %eq3A_35 = arith.cmpf oeq, %select_n3A_30, %eq3A_34 : vector<1000x2048xf32>
    %jit3A_36 = arith.constant 2048 : i32
    %broadcast_in_dim3A_37 = vector.broadcast %jit3A_36 : i32 to vector<1000x2048xi32>
    %select_n3A_38 = arith.select %eq3A_35, %iota3A, %broadcast_in_dim3A_37 : vector<1000x2048xi1>, vector<1000x2048xi32>
    %reduce_min3A_39 = arith.constant dense<2147483647> : vector<1000xi32>
    %reduce_min3A_40 = vector.multi_reduction <minsi>, %select_n3A_38, %reduce_min3A_39 [1] : vector<1000x2048xi32> to vector<1000xi32>
    %broadcast_in_dim3A_41 = vector.shape_cast %reduce_min3A_40 : vector<1000xi32> to vector<1000x1xi32>
    %div3A = arith.constant 1.000000e+00 : f32
    %div3A_42 = vector.broadcast %div3A : f32 to vector<1000x1xf32>
    %div3A_43 = arith.divf %div3A_42, %broadcast_in_dim3A_5 : vector<1000x1xf32>
    %swap3A = arith.constant 0 : index
    %swap3A_44 = arith.constant 0 : index
    %swap3A_45 = arith.constant 0 : index
    %swap3A_46 = vector.load %arg2[%swap3A, %swap3A_44, %swap3A_45] : memref<1x1000x3xf32, #tpu.memory_space<vmem>>, vector<1x1000x1xf32>
    %swap3A_47 = vector.shape_cast %swap3A_46 : vector<1x1000x1xf32> to vector<1000x1xf32>
    %swap3A_48 = vector.shape_cast %div3A_43 : vector<1000x1xf32> to vector<1x1000x1xf32>
    tpu.vector_store %arg2[%swap3A, %swap3A_44, %swap3A_45], %swap3A_48 {strides = array<i32>} : memref<1x1000x3xf32, #tpu.memory_space<vmem>>, vector<1x1000x1xf32>,
    %sub3A_49 = arith.subf %broadcast_in_dim3A_17, %broadcast_in_dim3A : vector<1000x1xf32>
    %exp3A_50 = math.exp %sub3A_49 : vector<1000x1xf32>
    %mul3A = arith.mulf %exp3A_50, %div3A_43 : vector<1000x1xf32>
    %swap3A_51 = arith.constant 0 : index
    %swap3A_52 = arith.constant 0 : index
    %swap3A_53 = arith.constant 1 : index
    %swap3A_54 = vector.load %arg2[%swap3A_51, %swap3A_52, %swap3A_53] : memref<1x1000x3xf32, #tpu.memory_space<vmem>>, vector<1x1000x1xf32>
    %swap3A_55 = vector.shape_cast %swap3A_54 : vector<1x1000x1xf32> to vector<1000x1xf32>
    %swap3A_56 = vector.shape_cast %mul3A : vector<1000x1xf32> to vector<1x1000x1xf32>
    tpu.vector_store %arg2[%swap3A_51, %swap3A_52, %swap3A_53], %swap3A_56 {strides = array<i32>} : memref<1x1000x3xf32, #tpu.memory_space<vmem>>, vector<1x1000x1xf32>,
    %sub3A_57 = arith.subf %broadcast_in_dim3A_33, %broadcast_in_dim3A : vector<1000x1xf32>
    %exp3A_58 = math.exp %sub3A_57 : vector<1000x1xf32>
    %mul3A_59 = arith.mulf %exp3A_58, %div3A_43 : vector<1000x1xf32>
    %swap3A_60 = arith.constant 0 : index
    %swap3A_61 = arith.constant 0 : index
    %swap3A_62 = arith.constant 2 : index
    %swap3A_63 = vector.load %arg2[%swap3A_60, %swap3A_61, %swap3A_62] : memref<1x1000x3xf32, #tpu.memory_space<vmem>>, vector<1x1000x1xf32>
    %swap3A_64 = vector.shape_cast %swap3A_63 : vector<1x1000x1xf32> to vector<1000x1xf32>
    %swap3A_65 = vector.shape_cast %mul3A_59 : vector<1000x1xf32> to vector<1x1000x1xf32>
    tpu.vector_store %arg2[%swap3A_60, %swap3A_61, %swap3A_62], %swap3A_65 {strides = array<i32>} : memref<1x1000x3xf32, #tpu.memory_space<vmem>>, vector<1x1000x1xf32>,
    %swap3A_66 = arith.constant 0 : index
    %swap3A_67 = arith.constant 0 : index
    %swap3A_68 = arith.constant 0 : index
    %swap3A_69 = vector.load %arg3[%swap3A_66, %swap3A_67, %swap3A_68] : memref<1x1000x3xi32, #tpu.memory_space<vmem>>, vector<1x1000x1xi32>
    %swap3A_70 = vector.shape_cast %swap3A_69 : vector<1x1000x1xi32> to vector<1000x1xi32>
    %swap3A_71 = vector.shape_cast %broadcast_in_dim3A_9 : vector<1000x1xi32> to vector<1x1000x1xi32>
    tpu.vector_store %arg3[%swap3A_66, %swap3A_67, %swap3A_68], %swap3A_71 {strides = array<i32>} : memref<1x1000x3xi32, #tpu.memory_space<vmem>>, vector<1x1000x1xi32>,
    %swap3A_72 = arith.constant 0 : index
    %swap3A_73 = arith.constant 0 : index
    %swap3A_74 = arith.constant 1 : index
    %swap3A_75 = vector.load %arg3[%swap3A_72, %swap3A_73, %swap3A_74] : memref<1x1000x3xi32, #tpu.memory_space<vmem>>, vector<1x1000x1xi32>
    %swap3A_76 = vector.shape_cast %swap3A_75 : vector<1x1000x1xi32> to vector<1000x1xi32>
    %swap3A_77 = vector.shape_cast %broadcast_in_dim3A_25 : vector<1000x1xi32> to vector<1x1000x1xi32>
    tpu.vector_store %arg3[%swap3A_72, %swap3A_73, %swap3A_74], %swap3A_77 {strides = array<i32>} : memref<1x1000x3xi32, #tpu.memory_space<vmem>>, vector<1x1000x1xi32>,
    %swap3A_78 = arith.constant 0 : index
    %swap3A_79 = arith.constant 0 : index
    %swap3A_80 = arith.constant 2 : index
    %swap3A_81 = vector.load %arg3[%swap3A_78, %swap3A_79, %swap3A_80] : memref<1x1000x3xi32, #tpu.memory_space<vmem>>, vector<1x1000x1xi32>
    %swap3A_82 = vector.shape_cast %swap3A_81 : vector<1x1000x1xi32> to vector<1000x1xi32>
    %swap3A_83 = vector.shape_cast %broadcast_in_dim3A_41 : vector<1000x1xi32> to vector<1x1000x1xi32>
    tpu.vector_store %arg3[%swap3A_78, %swap3A_79, %swap3A_80], %swap3A_83 {strides = array<i32>} : memref<1x1000x3xi32, #tpu.memory_space<vmem>>, vector<1x1000x1xi32>,
    return
  }
  func.func @transform_0(%arg0: i32) -> (i32, i32) {
    %add3A = arith.constant 0 : i32
    %add3A_0 = arith.addi %add3A, %arg0 : i32
    %c0_i32 = arith.constant 0 : i32
    %c0_i32_1 = arith.constant 0 : i32
    return %add3A_0, %c0_i32 : i32, i32
  }
  func.func @transform_1(%arg0: i32) -> (i32, i32, i32) {
    %c0_i32 = arith.constant 0 : i32
    %c0_i32_0 = arith.constant 0 : i32
    %c0_i32_1 = arith.constant 0 : i32
    return %arg0, %c0_i32, %c0_i32_0 : i32, i32, i32
  }
  func.func @transform_2(%arg0: i32) -> (i32, i32, i32) {
    %c0_i32 = arith.constant 0 : i32
    %c0_i32_0 = arith.constant 0 : i32
    %c0_i32_1 = arith.constant 0 : i32
    return %arg0, %c0_i32, %c0_i32_0 : i32, i32, i32
  }
}

module attributes {stable_mosaic.version = 14 : i64} {
  func.func @_mm_body(%arg0: i32, %arg1: memref<2048x128xf32, #tpu.memory_space<vmem>>, %arg2: memref<128x128xf32, #tpu.memory_space<vmem>>, %arg3: memref<1x128xf32, #tpu.memory_space<vmem>>, %arg4: memref<2048x128xf32, #tpu.memory_space<vmem>>) attributes {dimension_semantics = [#tpu.dimension_semantics<arbitrary>], iteration_bounds = array<i64: 1>, scalar_prefetch = 0 : i64, scratch_operands = 0 : i64, tpu.core_type = #tpu.core_type<tc>, window_params = [{transform_indices = @transform_0, window_bounds = array<i64: 2048, 128>}, {pipeline_mode = #tpu.pipeline_mode<synchronous>, transform_indices = @transform_1, window_bounds = array<i64: 128, 128>}, {pipeline_mode = #tpu.pipeline_mode<synchronous>, transform_indices = @transform_2, window_bounds = array<i64: 1, 128>}, {transform_indices = @transform_3, window_bounds = array<i64: 2048, 128>}]} {
    %get3A = arith.constant 0 : index
    %get3A_0 = arith.constant 0 : index
    %get3A_1 = vector.load %arg1[%get3A, %get3A_0] : memref<2048x128xf32, #tpu.memory_space<vmem>>, vector<2048x128xf32>
    %get3A_2 = arith.constant 0 : index
    %get3A_3 = arith.constant 0 : index
    %get3A_4 = vector.load %arg2[%get3A_2, %get3A_3] : memref<128x128xf32, #tpu.memory_space<vmem>>, vector<128x128xf32>
    %dot_general3A = arith.constant dense<0.000000e+00> : vector<2048x128xf32>
    %dot_general3A_5 = tpu.matmul %get3A_1, %get3A_4, %dot_general3A {dimension_numbers = #tpu.dot_dimension_numbers<[1], [0], [0], [1], [0, 0, 1, 1], [], []>, transpose_lhs_hint = false} : vector<2048x128xf32>, vector<128x128xf32>, vector<2048x128xf32> -> vector<2048x128xf32>
    %get3A_6 = arith.constant 0 : index
    %get3A_7 = arith.constant 0 : index
    %get3A_8 = vector.load %arg3[%get3A_6, %get3A_7] : memref<1x128xf32, #tpu.memory_space<vmem>>, vector<1x128xf32>
    %add3A = vector.broadcast %get3A_8 : vector<1x128xf32> to vector<2048x128xf32>
    %add3A_9 = arith.addf %dot_general3A_5, %add3A : vector<2048x128xf32>
    %swap3A = arith.constant 0 : index
    %swap3A_10 = arith.constant 0 : index
    %swap3A_11 = vector.load %arg4[%swap3A, %swap3A_10] : memref<2048x128xf32, #tpu.memory_space<vmem>>, vector<2048x128xf32>
    tpu.vector_store %arg4[%swap3A, %swap3A_10], %add3A_9 {strides = array<i32>} : memref<2048x128xf32, #tpu.memory_space<vmem>>, vector<2048x128xf32>,
    return
  }
  func.func @transform_0(%arg0: i32) -> (i32, i32) {
    %c0_i32 = arith.constant 0 : i32
    %c0_i32_0 = arith.constant 0 : i32
    return %arg0, %c0_i32 : i32, i32
  }
  func.func @transform_1(%arg0: i32) -> (i32, i32) {
    %c0_i32 = arith.constant 0 : i32
    %c0_i32_0 = arith.constant 0 : i32
    %c0_i32_1 = arith.constant 0 : i32
    return %c0_i32, %c0_i32_0 : i32, i32
  }
  func.func @transform_2(%arg0: i32) -> (i32, i32) {
    %c0_i32 = arith.constant 0 : i32
    %c0_i32_0 = arith.constant 0 : i32
    %c0_i32_1 = arith.constant 0 : i32
    return %c0_i32, %c0_i32_0 : i32, i32
  }
  func.func @transform_3(%arg0: i32) -> (i32, i32) {
    %c0_i32 = arith.constant 0 : i32
    %c0_i32_0 = arith.constant 0 : i32
    return %arg0, %c0_i32 : i32, i32
  }
}

module attributes {stable_mosaic.version = 14 : i64} {
  func.func @_mm_body(%arg0: i32, %arg1: memref<2000x128xf32, #tpu.memory_space<vmem>>, %arg2: memref<128x128xf32, #tpu.memory_space<vmem>>, %arg3: memref<1x128xf32, #tpu.memory_space<vmem>>, %arg4: memref<2000x128xf32, #tpu.memory_space<vmem>>) attributes {dimension_semantics = [#tpu.dimension_semantics<arbitrary>], iteration_bounds = array<i64: 10>, scalar_prefetch = 0 : i64, scratch_operands = 0 : i64, tpu.core_type = #tpu.core_type<tc>, window_params = [{transform_indices = @transform_0, window_bounds = array<i64: 2000, 128>}, {pipeline_mode = #tpu.pipeline_mode<synchronous>, transform_indices = @transform_1, window_bounds = array<i64: 128, 128>}, {pipeline_mode = #tpu.pipeline_mode<synchronous>, transform_indices = @transform_2, window_bounds = array<i64: 1, 128>}, {transform_indices = @transform_3, window_bounds = array<i64: 2000, 128>}]} {
    %get3A = arith.constant 0 : index
    %get3A_0 = arith.constant 0 : index
    %get3A_1 = vector.load %arg1[%get3A, %get3A_0] : memref<2000x128xf32, #tpu.memory_space<vmem>>, vector<2000x128xf32>
    %get3A_2 = arith.constant 0 : index
    %get3A_3 = arith.constant 0 : index
    %get3A_4 = vector.load %arg2[%get3A_2, %get3A_3] : memref<128x128xf32, #tpu.memory_space<vmem>>, vector<128x128xf32>
    %dot_general3A = arith.constant dense<0.000000e+00> : vector<2000x128xf32>
    %dot_general3A_5 = tpu.matmul %get3A_1, %get3A_4, %dot_general3A {dimension_numbers = #tpu.dot_dimension_numbers<[1], [0], [0], [1], [0, 0, 1, 1], [], []>, transpose_lhs_hint = false} : vector<2000x128xf32>, vector<128x128xf32>, vector<2000x128xf32> -> vector<2000x128xf32>
    %get3A_6 = arith.constant 0 : index
    %get3A_7 = arith.constant 0 : index
    %get3A_8 = vector.load %arg3[%get3A_6, %get3A_7] : memref<1x128xf32, #tpu.memory_space<vmem>>, vector<1x128xf32>
    %add3A = vector.broadcast %get3A_8 : vector<1x128xf32> to vector<2000x128xf32>
    %add3A_9 = arith.addf %dot_general3A_5, %add3A : vector<2000x128xf32>
    %swap3A = arith.constant 0 : index
    %swap3A_10 = arith.constant 0 : index
    %swap3A_11 = vector.load %arg4[%swap3A, %swap3A_10] : memref<2000x128xf32, #tpu.memory_space<vmem>>, vector<2000x128xf32>
    tpu.vector_store %arg4[%swap3A, %swap3A_10], %add3A_9 {strides = array<i32>} : memref<2000x128xf32, #tpu.memory_space<vmem>>, vector<2000x128xf32>,
    return
  }
  func.func @transform_0(%arg0: i32) -> (i32, i32) {
    %c0_i32 = arith.constant 0 : i32
    %c0_i32_0 = arith.constant 0 : i32
    return %arg0, %c0_i32 : i32, i32
  }
  func.func @transform_1(%arg0: i32) -> (i32, i32) {
    %c0_i32 = arith.constant 0 : i32
    %c0_i32_0 = arith.constant 0 : i32
    %c0_i32_1 = arith.constant 0 : i32
    return %c0_i32, %c0_i32_0 : i32, i32
  }
  func.func @transform_2(%arg0: i32) -> (i32, i32) {
    %c0_i32 = arith.constant 0 : i32
    %c0_i32_0 = arith.constant 0 : i32
    %c0_i32_1 = arith.constant 0 : i32
    return %c0_i32, %c0_i32_0 : i32, i32
  }
  func.func @transform_3(%arg0: i32) -> (i32, i32) {
    %c0_i32 = arith.constant 0 : i32
    %c0_i32_0 = arith.constant 0 : i32
    return %arg0, %c0_i32 : i32, i32
  }
}

module attributes {stable_mosaic.version = 14 : i64} {
  func.func @_edge_weight_body(%arg0: i32, %arg1: memref<400x128xf32, #tpu.memory_space<vmem>>, %arg2: memref<1200x128xf32, #tpu.memory_space<vmem>>, %arg3: memref<1x1x1200xf32, #tpu.memory_space<vmem>>, %arg4: memref<1x128xf32, #tpu.memory_space<vmem>>, %arg5: memref<1x1xf32, #tpu.memory_space<vmem>>, %arg6: memref<1x1x1200xf32, #tpu.memory_space<vmem>>) attributes {dimension_semantics = [#tpu.dimension_semantics<arbitrary>], iteration_bounds = array<i64: 50>, scalar_prefetch = 0 : i64, scratch_operands = 0 : i64, tpu.core_type = #tpu.core_type<tc>, window_params = [{transform_indices = @transform_0, window_bounds = array<i64: 400, 128>}, {transform_indices = @transform_1, window_bounds = array<i64: 1200, 128>}, {transform_indices = @transform_2, window_bounds = array<i64: 1, 1, 1200>}, {pipeline_mode = #tpu.pipeline_mode<synchronous>, transform_indices = @transform_3, window_bounds = array<i64: 1, 128>}, {pipeline_mode = #tpu.pipeline_mode<synchronous>, transform_indices = @transform_4, window_bounds = array<i64: 1, 1>}, {transform_indices = @transform_5, window_bounds = array<i64: 1, 1, 1200>}]} {
    %get3A = arith.constant 0 : index
    %get3A_0 = arith.constant 0 : index
    %get3A_1 = vector.load %arg1[%get3A, %get3A_0] : memref<400x128xf32, #tpu.memory_space<vmem>>, vector<400x128xf32>
    %broadcast_in_dim3A = vector.shape_cast %get3A_1 : vector<400x128xf32> to vector<400x1x128xf32>
    %broadcast_in_dim3A_2 = vector.shape_cast %broadcast_in_dim3A : vector<400x1x128xf32> to vector<400x1x128xf32>
    %broadcast_in_dim3A_3 = vector.broadcast %broadcast_in_dim3A_2 : vector<400x1x128xf32> to vector<400x3x128xf32>
    %reshape3A = vector.shape_cast %broadcast_in_dim3A_3 : vector<400x3x128xf32> to vector<1200x128xf32>
    %get3A_4 = arith.constant 0 : index
    %get3A_5 = arith.constant 0 : index
    %get3A_6 = vector.load %arg2[%get3A_4, %get3A_5] : memref<1200x128xf32, #tpu.memory_space<vmem>>, vector<1200x128xf32>
    %add3A = arith.addf %reshape3A, %get3A_6 : vector<1200x128xf32>
    %max3A = arith.constant 0.000000e+00 : f32
    %max3A_7 = vector.broadcast %max3A : f32 to vector<1200x128xf32>
    %max3A_8 = arith.maximumf %add3A, %max3A_7 : vector<1200x128xf32>
    %get3A_9 = arith.constant 0 : index
    %get3A_10 = arith.constant 0 : index
    %get3A_11 = vector.load %arg4[%get3A_9, %get3A_10] : memref<1x128xf32, #tpu.memory_space<vmem>>, vector<1x128xf32>
    %dot_general3A = arith.constant dense<0.000000e+00> : vector<1x1200xf32>
    %dot_general3A_12 = tpu.matmul %get3A_11, %max3A_8, %dot_general3A {dimension_numbers = #tpu.dot_dimension_numbers<[1], [1], [0], [0], [0, 0, 1, 0], [], []>, precision = #tpu.contract_precision<fp32>, transpose_lhs_hint = false} : vector<1x128xf32>, vector<1200x128xf32>, vector<1x1200xf32> -> vector<1x1200xf32>
    %get3A_13 = arith.constant 0 : index
    %get3A_14 = arith.constant 0 : index
    %get3A_15 = vector.load %arg5[%get3A_13, %get3A_14] : memref<1x1xf32, #tpu.memory_space<vmem>>, vector<1x1xf32>
    %get3A_16 = vector.extract %get3A_15[0, 0] : f32 from vector<1x1xf32>
    %add3A_17 = vector.broadcast %get3A_16 : f32 to vector<1x1200xf32>
    %add3A_18 = arith.addf %dot_general3A_12, %add3A_17 : vector<1x1200xf32>
    %get3A_19 = arith.constant 0 : index
    %get3A_20 = arith.constant 0 : index
    %get3A_21 = arith.constant 0 : index
    %get3A_22 = vector.load %arg3[%get3A_19, %get3A_20, %get3A_21] : memref<1x1x1200xf32, #tpu.memory_space<vmem>>, vector<1x1x1200xf32>
    %get3A_23 = vector.shape_cast %get3A_22 : vector<1x1x1200xf32> to vector<1x1200xf32>
    %neg3A = arith.constant 0.000000e+00 : f32
    %neg3A_24 = vector.broadcast %neg3A : f32 to vector<1x1200xf32>
    %neg3A_25 = arith.subf %neg3A_24, %add3A_18 : vector<1x1200xf32>
    %exp3A = math.exp %neg3A_25 : vector<1x1200xf32>
    %add3A_26 = arith.constant 1.000000e+00 : f32
    %add3A_27 = vector.broadcast %add3A_26 : f32 to vector<1x1200xf32>
    %add3A_28 = arith.addf %add3A_27, %exp3A : vector<1x1200xf32>
    %div3A = arith.divf %get3A_23, %add3A_28 : vector<1x1200xf32>
    %swap3A = arith.constant 0 : index
    %swap3A_29 = arith.constant 0 : index
    %swap3A_30 = arith.constant 0 : index
    %swap3A_31 = vector.load %arg6[%swap3A, %swap3A_29, %swap3A_30] : memref<1x1x1200xf32, #tpu.memory_space<vmem>>, vector<1x1x1200xf32>
    %swap3A_32 = vector.shape_cast %swap3A_31 : vector<1x1x1200xf32> to vector<1x1200xf32>
    %swap3A_33 = vector.shape_cast %div3A : vector<1x1200xf32> to vector<1x1x1200xf32>
    tpu.vector_store %arg6[%swap3A, %swap3A_29, %swap3A_30], %swap3A_33 {strides = array<i32>} : memref<1x1x1200xf32, #tpu.memory_space<vmem>>, vector<1x1x1200xf32>,
    return
  }
  func.func @transform_0(%arg0: i32) -> (i32, i32) {
    %add3A = arith.constant 0 : i32
    %add3A_0 = arith.addi %add3A, %arg0 : i32
    %c0_i32 = arith.constant 0 : i32
    %c0_i32_1 = arith.constant 0 : i32
    return %add3A_0, %c0_i32 : i32, i32
  }
  func.func @transform_1(%arg0: i32) -> (i32, i32) {
    %add3A = arith.constant 0 : i32
    %add3A_0 = arith.addi %add3A, %arg0 : i32
    %c0_i32 = arith.constant 0 : i32
    %c0_i32_1 = arith.constant 0 : i32
    return %add3A_0, %c0_i32 : i32, i32
  }
  func.func @transform_2(%arg0: i32) -> (i32, i32, i32) {
    %c0_i32 = arith.constant 0 : i32
    %c0_i32_0 = arith.constant 0 : i32
    %c0_i32_1 = arith.constant 0 : i32
    return %arg0, %c0_i32, %c0_i32_0 : i32, i32, i32
  }
  func.func @transform_3(%arg0: i32) -> (i32, i32) {
    %c0_i32 = arith.constant 0 : i32
    %c0_i32_0 = arith.constant 0 : i32
    %c0_i32_1 = arith.constant 0 : i32
    return %c0_i32, %c0_i32_0 : i32, i32
  }
  func.func @transform_4(%arg0: i32) -> (i32, i32) {
    %c0_i32 = arith.constant 0 : i32
    %c0_i32_0 = arith.constant 0 : i32
    %c0_i32_1 = arith.constant 0 : i32
    return %c0_i32, %c0_i32_0 : i32, i32
  }
  func.func @transform_5(%arg0: i32) -> (i32, i32, i32) {
    %c0_i32 = arith.constant 0 : i32
    %c0_i32_0 = arith.constant 0 : i32
    %c0_i32_1 = arith.constant 0 : i32
    return %arg0, %c0_i32, %c0_i32_0 : i32, i32, i32
  }
}

module attributes {stable_mosaic.version = 14 : i64} {
  func.func @_edge_weight_body(%arg0: i32, %arg1: memref<256x128xf32, #tpu.memory_space<vmem>>, %arg2: memref<768x128xf32, #tpu.memory_space<vmem>>, %arg3: memref<1x1x768xf32, #tpu.memory_space<vmem>>, %arg4: memref<1x128xf32, #tpu.memory_space<vmem>>, %arg5: memref<1x1xf32, #tpu.memory_space<vmem>>, %arg6: memref<1x1x768xf32, #tpu.memory_space<vmem>>) attributes {dimension_semantics = [#tpu.dimension_semantics<arbitrary>], iteration_bounds = array<i64: 8>, scalar_prefetch = 0 : i64, scratch_operands = 0 : i64, tpu.core_type = #tpu.core_type<tc>, window_params = [{transform_indices = @transform_0, window_bounds = array<i64: 256, 128>}, {transform_indices = @transform_1, window_bounds = array<i64: 768, 128>}, {transform_indices = @transform_2, window_bounds = array<i64: 1, 1, 768>}, {pipeline_mode = #tpu.pipeline_mode<synchronous>, transform_indices = @transform_3, window_bounds = array<i64: 1, 128>}, {pipeline_mode = #tpu.pipeline_mode<synchronous>, transform_indices = @transform_4, window_bounds = array<i64: 1, 1>}, {transform_indices = @transform_5, window_bounds = array<i64: 1, 1, 768>}]} {
    %get3A = arith.constant 0 : index
    %get3A_0 = arith.constant 0 : index
    %get3A_1 = vector.load %arg1[%get3A, %get3A_0] : memref<256x128xf32, #tpu.memory_space<vmem>>, vector<256x128xf32>
    %broadcast_in_dim3A = vector.shape_cast %get3A_1 : vector<256x128xf32> to vector<256x1x128xf32>
    %broadcast_in_dim3A_2 = vector.shape_cast %broadcast_in_dim3A : vector<256x1x128xf32> to vector<256x1x128xf32>
    %broadcast_in_dim3A_3 = vector.broadcast %broadcast_in_dim3A_2 : vector<256x1x128xf32> to vector<256x3x128xf32>
    %reshape3A = vector.shape_cast %broadcast_in_dim3A_3 : vector<256x3x128xf32> to vector<768x128xf32>
    %get3A_4 = arith.constant 0 : index
    %get3A_5 = arith.constant 0 : index
    %get3A_6 = vector.load %arg2[%get3A_4, %get3A_5] : memref<768x128xf32, #tpu.memory_space<vmem>>, vector<768x128xf32>
    %add3A = arith.addf %reshape3A, %get3A_6 : vector<768x128xf32>
    %max3A = arith.constant 0.000000e+00 : f32
    %max3A_7 = vector.broadcast %max3A : f32 to vector<768x128xf32>
    %max3A_8 = arith.maximumf %add3A, %max3A_7 : vector<768x128xf32>
    %get3A_9 = arith.constant 0 : index
    %get3A_10 = arith.constant 0 : index
    %get3A_11 = vector.load %arg4[%get3A_9, %get3A_10] : memref<1x128xf32, #tpu.memory_space<vmem>>, vector<1x128xf32>
    %dot_general3A = arith.constant dense<0.000000e+00> : vector<1x768xf32>
    %dot_general3A_12 = tpu.matmul %get3A_11, %max3A_8, %dot_general3A {dimension_numbers = #tpu.dot_dimension_numbers<[1], [1], [0], [0], [0, 0, 1, 0], [], []>, precision = #tpu.contract_precision<fp32>, transpose_lhs_hint = false} : vector<1x128xf32>, vector<768x128xf32>, vector<1x768xf32> -> vector<1x768xf32>
    %get3A_13 = arith.constant 0 : index
    %get3A_14 = arith.constant 0 : index
    %get3A_15 = vector.load %arg5[%get3A_13, %get3A_14] : memref<1x1xf32, #tpu.memory_space<vmem>>, vector<1x1xf32>
    %get3A_16 = vector.extract %get3A_15[0, 0] : f32 from vector<1x1xf32>
    %add3A_17 = vector.broadcast %get3A_16 : f32 to vector<1x768xf32>
    %add3A_18 = arith.addf %dot_general3A_12, %add3A_17 : vector<1x768xf32>
    %get3A_19 = arith.constant 0 : index
    %get3A_20 = arith.constant 0 : index
    %get3A_21 = arith.constant 0 : index
    %get3A_22 = vector.load %arg3[%get3A_19, %get3A_20, %get3A_21] : memref<1x1x768xf32, #tpu.memory_space<vmem>>, vector<1x1x768xf32>
    %get3A_23 = vector.shape_cast %get3A_22 : vector<1x1x768xf32> to vector<1x768xf32>
    %neg3A = arith.constant 0.000000e+00 : f32
    %neg3A_24 = vector.broadcast %neg3A : f32 to vector<1x768xf32>
    %neg3A_25 = arith.subf %neg3A_24, %add3A_18 : vector<1x768xf32>
    %exp3A = math.exp %neg3A_25 : vector<1x768xf32>
    %add3A_26 = arith.constant 1.000000e+00 : f32
    %add3A_27 = vector.broadcast %add3A_26 : f32 to vector<1x768xf32>
    %add3A_28 = arith.addf %add3A_27, %exp3A : vector<1x768xf32>
    %div3A = arith.divf %get3A_23, %add3A_28 : vector<1x768xf32>
    %swap3A = arith.constant 0 : index
    %swap3A_29 = arith.constant 0 : index
    %swap3A_30 = arith.constant 0 : index
    %swap3A_31 = vector.load %arg6[%swap3A, %swap3A_29, %swap3A_30] : memref<1x1x768xf32, #tpu.memory_space<vmem>>, vector<1x1x768xf32>
    %swap3A_32 = vector.shape_cast %swap3A_31 : vector<1x1x768xf32> to vector<1x768xf32>
    %swap3A_33 = vector.shape_cast %div3A : vector<1x768xf32> to vector<1x1x768xf32>
    tpu.vector_store %arg6[%swap3A, %swap3A_29, %swap3A_30], %swap3A_33 {strides = array<i32>} : memref<1x1x768xf32, #tpu.memory_space<vmem>>, vector<1x1x768xf32>,
    return
  }
  func.func @transform_0(%arg0: i32) -> (i32, i32) {
    %add3A = arith.constant 0 : i32
    %add3A_0 = arith.addi %add3A, %arg0 : i32
    %c0_i32 = arith.constant 0 : i32
    %c0_i32_1 = arith.constant 0 : i32
    return %add3A_0, %c0_i32 : i32, i32
  }
  func.func @transform_1(%arg0: i32) -> (i32, i32) {
    %add3A = arith.constant 0 : i32
    %add3A_0 = arith.addi %add3A, %arg0 : i32
    %c0_i32 = arith.constant 0 : i32
    %c0_i32_1 = arith.constant 0 : i32
    return %add3A_0, %c0_i32 : i32, i32
  }
  func.func @transform_2(%arg0: i32) -> (i32, i32, i32) {
    %c0_i32 = arith.constant 0 : i32
    %c0_i32_0 = arith.constant 0 : i32
    %c0_i32_1 = arith.constant 0 : i32
    return %arg0, %c0_i32, %c0_i32_0 : i32, i32, i32
  }
  func.func @transform_3(%arg0: i32) -> (i32, i32) {
    %c0_i32 = arith.constant 0 : i32
    %c0_i32_0 = arith.constant 0 : i32
    %c0_i32_1 = arith.constant 0 : i32
    return %c0_i32, %c0_i32_0 : i32, i32
  }
  func.func @transform_4(%arg0: i32) -> (i32, i32) {
    %c0_i32 = arith.constant 0 : i32
    %c0_i32_0 = arith.constant 0 : i32
    %c0_i32_1 = arith.constant 0 : i32
    return %c0_i32, %c0_i32_0 : i32, i32
  }
  func.func @transform_5(%arg0: i32) -> (i32, i32, i32) {
    %c0_i32 = arith.constant 0 : i32
    %c0_i32_0 = arith.constant 0 : i32
    %c0_i32_1 = arith.constant 0 : i32
    return %arg0, %c0_i32, %c0_i32_0 : i32, i32, i32
  }
}

</mosaic_0001>

<sc_bundles>
// kernel: kernel.11.cloned.1.call-start
scs
__scs_entry_jumppad:
0x0: {  	(pc) =	sbr.rel $0x88, $3  }
0x1: {  	(tag) =	ssettag $0x0;
	lr =	simm.s32 $0x1  }
0x2: {  	[smem:$0x3F94] =	sst lr;
	_ =	strace $0xD0000000  }
0x3: {  	_ = 	snop  }
0x4: {  	_ = 	snop  }
0x5: {  	_ = 	snop  }
0x6: {  	_ = 	snop  }
0x7: {  	_ = 	snop  }
__scs_overlays_trampoline_lowered:
0x8: {  	[smem:$0x3FA3] =	sst s0  }
0x9: {  	[smem:$0x3FA4] =	sst s1  }
0xa: {  	[smem:$0x3FA5] =	sst s2  }
0xb: {  	[smem:$0x3FA6] =	sst s3  }
0xc: {  	[smem:$0x3FA7] =	sst s4  }
0xd: {  	[smem:$0x3FA8] =	sst s5  }
0xe: {  	[smem:$0x3FA9] =	sst s6  }
0xf: {  	[smem:$0x3FAA] =	sst s7  }
0x10: {  	[smem:$0x3FAB] =	sst s8  }
0x11: {  	[smem:$0x3FAC] =	sst s9;
	s0 =	simm.s32 @!p0 $0x0  }
0x12: {  	s1 =	sld [smem:$0x3F92];
	s0 =	simm.s32 @p0 $0x1  }
0x13: {  	[smem:$0x3FAD] =	sst s0;
	s0 =	simm.s32 @!p1 $0x0  }
0x14: {  	s2 =	sld [smem:$0x3F91];
	s0 =	simm.s32 @p1 $0x1  }
0x15: {  	[smem:$0x3FAE] =	sst s0;
	s0 =	simm.s32 @!p2 $0x0  }
0x16: {  	s3 =	sld [smem:$0x3FDB];
	s0 =	simm.s32 @p2 $0x1  }
0x17: {  	s4 =	simm.s32 $0x1BF5;
	[smem:$0x3FB0] =	sst s0  }
0x18: {  	s0 =	sld [smem:$0x3F93];
	_ =	swait.ge [sflag:s4], $0x0  }
0x19: {  	s7 =	sld [smem:$0x3F94]  }
0x1a: {  	s8 =	sadd.s32 $0xFFFFE003, lr  }
0x1b: {  	s9 =	sadd.s32 $0xFFFFFEF7, lr;
	s5 =	simm.s32 $0xFFFFFFFF;
	p2 =	slt.u32 s8, $0xFFFFF086  }
0x1c: {  	p1 =	slt.u32 s9, $0xF7A;
	s5 =	simm.s32 @!p2 $0x0  }
0x1d: {  	s5 =	simm.s32 @p1 $0x1;
	p0 =	seq.s32 s7, s2  }
0x1e: {  	s7 =	smul.u32 @!p0 $0xF7A, s2;
	p2 =	seq.s32 @!p0 s5, $0x0  }
0x1f: {  	s9 =	smul.u32 $0xF7A, s1;
	s8 =	simm.s32 @!p0 $0x1BF5;
	p2 =	por !p2, p0  }
0x20: {  	[sflag:s8] =	ssyncset.s32 @!p0 $0xFFFFF086;
	s6 =	sadd.s32 @!p0 s3, s7;
	s7 =	simm.s32 @!p0 $0x108  }
0x21: {  	s3 =	sadd.s32 s3, s9;
	s6 =	sadd.s32 @!p0 $0x88, s6;
	s7 =	simm.s32 @p2 $0x1082  }
0x22: {  	[simem:s7], [sflag:s8] =	dma.local @!p0 [hbm:s6], $0xF7A  }
0x23: {  	s9 =	sor.u32 $0xD0000000, s2;
	s6 =	simm.s32 $0x108;
	_ =	swait.ge @!p0 [sflag:s8], $0x0  }
0x24: {  	s3 =	sadd.s32 $0x88, s3;
	s6 =	simm.s32 @!p1 $0x1082;
	[sflag:s4] =	ssyncset.s32 $0xFFFFF086  }
0x25: {  	[simem:s6], [sflag:s4] =	dma.local [hbm:s3], $0xF7A  }
0x26: {  	[smem:$0x3F94] =	sst s1;
	(tag) =	ssettag s2;
	_ =	strace s9  }
0x27: {  	s1 =	sld [smem:$0x3FA4]  }
0x28: {  	s2 =	sld [smem:$0x3FA5]  }
0x29: {  	s4 =	sld [smem:$0x3FA7]  }
0x2a: {  	p0 =	seq.s32 s5, $0x0;
	s5 =	sld [smem:$0x3FA8]  }
0x2b: {  	s6 =	sld [smem:$0x3FA9]  }
0x2c: {  	s7 =	sld [smem:$0x3FAA]  }
0x2d: {  	s3 =	simm.s32 $0x108;
	s8 =	sld [smem:$0x3FAB]  }
0x2e: {  	s3 =	simm.s32 @!p0 $0x1082;
	s9 =	sld [smem:$0x3FAC]  }
0x2f: {  	lr =	sadd.s32 s0, s3;
	s0 =	sld [smem:$0x3FA3]  }
0x30: {  	s3 =	sld [smem:$0x3FA6]  }
0x31: {  	[smem:$0x3FAF] =	sst s10  }
0x32: {  	s10 =	sld [smem:$0x3FAD];
	_ =	sdelay $0x3  }
0x33: {  	p0 =	seq.s32 s10, $0x1;
	s10 =	sld [smem:$0x3FAF];
	_ =	sdelay $0x3  }
0x34: {  	[smem:$0x3FAF] =	sst s10  }
0x35: {  	s10 =	sld [smem:$0x3FAE];
	_ =	sdelay $0x3  }
0x36: {  	p1 =	seq.s32 s10, $0x1;
	s10 =	sld [smem:$0x3FAF];
	_ =	sdelay $0x3  }
0x37: {  	[smem:$0x3FAF] =	sst s10  }
0x38: {  	s10 =	sld [smem:$0x3FB0]  }
0x39: {  	_ = 	snop;
	(pc) =	sbr.ind lr, $3  }
0x3a: {  	_ = 	snop  }
0x3b: {  	_ = 	snop  }
0x3c: {  	p2 =	seq.s32 s10, $0x1;
	s10 =	sld [smem:$0x3FAF]  }
0x3d: {  	_ =	shalt  }
0x3e: {  	_ =	shalt  }
0x3f: {  	_ =	shalt  }
0x40: {  	_ =	shalt  }
0x41: {  	_ =	shalt  }
0x42: {  	_ =	shalt  }
0x43: {  	_ =	shalt  }
0x44: {  	_ =	shalt  }
0x45: {  	_ =	shalt  }
0x46: {  	_ =	shalt  }
0x47: {  	_ =	shalt  }
0x48: {  	_ =	shalt  }
0x49: {  	_ =	shalt  }
0x4a: {  	_ =	shalt  }
0x4b: {  	_ =	shalt  }
0x4c: {  	_ =	shalt  }
0x4d: {  	_ =	shalt  }
0x4e: {  	_ =	shalt  }
0x4f: {  	_ =	shalt  }
0x50: {  	_ =	shalt  }
0x51: {  	_ =	shalt  }
0x52: {  	_ =	shalt  }
0x53: {  	_ =	shalt  }
0x54: {  	_ =	shalt  }
0x55: {  	_ =	shalt  }
0x56: {  	_ =	shalt  }
0x57: {  	_ =	shalt  }
0x58: {  	_ =	shalt  }
0x59: {  	_ =	shalt  }
0x5a: {  	_ =	shalt  }
0x5b: {  	_ =	shalt  }
0x5c: {  	_ =	shalt  }
0x5d: {  	_ =	shalt  }
0x5e: {  	_ =	shalt  }
0x5f: {  	_ =	shalt  }
0x60: {  	_ =	shalt  }
0x61: {  	_ =	shalt  }
0x62: {  	_ =	shalt  }
0x63: {  	_ =	shalt  }
0x64: {  	_ =	shalt  }
0x65: {  	_ =	shalt  }
0x66: {  	_ =	shalt  }
0x67: {  	_ =	shalt  }
0x68: {  	_ =	shalt  }
0x69: {  	_ =	shalt  }
0x6a: {  	_ =	shalt  }
0x6b: {  	_ =	shalt  }
0x6c: {  	_ =	shalt  }
0x6d: {  	_ =	shalt  }
0x6e: {  	_ =	shalt  }
0x6f: {  	_ =	shalt  }
0x70: {  	_ =	shalt  }
0x71: {  	_ =	shalt  }
0x72: {  	_ =	shalt  }
0x73: {  	_ =	shalt  }
0x74: {  	_ =	shalt  }
0x75: {  	_ =	shalt  }
0x76: {  	_ =	shalt  }
0x77: {  	_ =	shalt  }
0x78: {  	_ =	shalt  }
0x79: {  	_ =	shalt  }
0x7a: {  	_ =	shalt  }
0x7b: {  	_ =	shalt  }
0x7c: {  	_ =	shalt  }
0x7d: {  	_ =	shalt  }
0x7e: {  	_ =	shalt  }
0x7f: {  	_ =	shalt  }
0x80: {  	_ =	shalt  }
0x81: {  	_ =	shalt  }
0x82: {  	_ =	shalt  }
0x83: {  	_ =	shalt  }
0x84: {  	_ =	shalt  }
0x85: {  	_ =	shalt  }
0x86: {  	_ =	shalt  }
0x87: {  	_ =	shalt  }
.Lfunc_end0:
.L_simem_size_0:
called_computation_lowered:
.L_overlay_start_0:
0x88: {  	s2 =	sld [smem:$0x3FD9]  }
0x89: {  	s3 =	sld [smem:$0x3FFE];
	_ =	sdelay $0x1  }
0x8a: {  	s1 =	srdreg.scid  }
0x8b: {  	s0 =	sand.u32 $0x1, s1  }
0x8c: {  	s16 =	sshll.u32 s0, $0xA;
	s2 =	sadd.s32 s3, s2  }
0x8d: {  	s2 =	sadd.s32 s2, s16  }
0x8e: {  	[smem:$0x3FBB] =	sst s2  }
0x8f: {  	_ = 	snop  }
0x90: {  	(tm) =	ssettm $0x1  }
0x91: {  	s17 =	sld [smem:$0x3FFB];
	_ =	sdelay $0x3  }
0x92: {  	_ =	strace s17  }
0x93: {  	s2 =	sld [smem:$0x3FFC];
	_ =	sdelay $0x3  }
0x94: {  	_ =	strace s2  }
0x95: {  	s2 =	sld [smem:$0x3FFD];
	_ =	sdelay $0x3  }
0x96: {  	_ =	strace s2  }
0x97: {  	_ =	strace $0x8FFFFFFF  }
0x98: {  	s18 =	sld [smem:$0x3FDB];
	_ =	sdelay $0x1  }
0x99: {  	s19 =	simm.s32 $_scs_section_size  }
0x9a: {  	s4 =	simm.s32 $_size__tile_overlayer_lowered;
	s5 =	simm.s32 $_tile_overlayer_lowered  }
0x9b: {  	s22 =	simm.s32 $0x1BFF;
	s21 =	sshll.u32 s5, $0x1;
	s2 =	sadd.s32 s19, s18  }
0x9c: {  	s6 =	simm.s32 $0x0;
	s20 =	sshll.u32 s4, $0x1;
	s4 =	sadd.s32 s21, s2  }
0x9d: {  	[timem:s6], [sflag:s22] =	dma.local [hbm:s4], s20  }
0x9e: {  	_ =	swait.ge [sflag:s22], s20  }
0x9f: {  	s3 =	ssub.s32 $0x0, s20;
	[sflag:s22] =	ssyncset.done $0x0  }
0xa0: {  	[sflag:s22] =	ssyncadd.s32 s3;
	_ =	sdelay $0x1  }
0xa1: {  	s23 =	simm.s32 $0x1B8B  }
0xa2: {  	_ =	swait.ge [sflag:s23], $0x1  }
0xa3: {  	[sflag:s23] =	ssyncset.done $0x0  }
0xa4: {  	s25 =	simm.s32 $0x1B8E;
	s24 =	sld [smem:$0x3FFE];
	[sflag:s23] =	ssyncadd.s32 $0xFFFFFFFF  }
0xa5: {  	s26 =	simm.s32 $execute0_lowered;
	[smem:$0x3FD2] =	sst s25  }
0xa6: {  	s4 =	sshll.u32 s26, $0x1;
	_ =	strace $0x80000046;
	[dreg:$0x1] =	wrdreg $0xFFFFFFFF  }
0xa7: {  	s28 =	simm.s32 $_size_execute0_lowered;
	s2 =	sadd.s32 s2, s4;
	[dreg:$0x0] =	wrdreg $0x0  }
0xa8: {  	s4 =	sshll.u32 s28, $0x1;
	[dreg:$0x2] =	wrdreg s2  }
0xa9: {  	[dreg:$0x3] =	wrdreg s4  }
0xaa: {  	[dreg:$0x4] =	wrdreg $0xC0  }
0xab: {  	_ =	task [dreg:s6], $0x5FFFF  }
0xac: {  	[dreg:$0x1] =	wrdreg $0xFFFFFFFF  }
0xad: {  	[dreg:$0x0] =	wrdreg $0x60  }
0xae: {  	[dreg:$0x2] =	wrdreg s24  }
0xaf: {  	[dreg:$0x3] =	wrdreg $0x9  }
0xb0: {  	_ =	task.clear_ibuf [dreg:s6], $0x4FFFF;
	_ =	strace $0x90000046  }
0xb1: {  	s29 =	simm.s32 $0x9;
	_ =	strace $0x80000048  }
0xb2: {  	_ =	swait.ge [sflag:s29], $0x1  }
0xb3: {  	[sflag:s29] =	ssyncadd.s32 $0xFFFFFFFF  }
0xb4: {  	_ =	strace $0x90000048  }
0xb5: {  	_ =	sfence  }
0xb6: {  	s30 =	sld [smem:$0x0];
	_ =	sdelay $0x2  }
0xb7: {  	s31 =	sshll.u32 s1, $0xD;
	s1 =	sshrl.u32 s1, $0x2  }
0xb8: {  	s3 =	sand.u32 $0x4000, s31;
	s1 =	sadd.s32 s1, s30  }
0xb9: {  	s0 =	sor.u32 s3, s0;
	s1 =	sshll.u32 s1, $0x11  }
0xba: {  	s0 =	sor.u32 s1, s0  }
0xbb: {  	s0 =	sadd.s32 $0x8F2B, s0  }
0xbc: {  	[sflag:s0] =	ssyncadd.remote.s32 $0x1  }
0xbd: {  	_ =	sfence.sel $0xFFFF  }
0xbe: {  	[dreg:$0x0] =	wrdreg $0xFFFFFFFF;
	(pc) =	sbr.abs _section_cstart, $3  }
0xbf: {  	[dreg:$0x1] =	wrdreg $0xFFFFFFFF  }
0xc0: {  	_ =	task.clear_ibuf [dreg:s6], $0x2FFFF;
	_ =	strace $0x9FFFFFFF  }
0xc1: {  	(tm) =	ssettm $0x7FFFFFFF  }
tec
execute0_lowered:
.L_overlay_start_1:
0x0: {  	(tag) =	ssettag $0x1  }
0x1: {  	s0 =	srdreg.scid  }
0x2: {  	s22 =	stileid.u32;
	s3 =	rddreg [dreg:$0x0];
	s2 =	simm.s32 $0x0  }
0x3: {  	s31 =	simm.s32 $0xD;
	s17 =	simm.s32 $0xC00;
	s16 =	simm.s32 $0x100  }
0x4: {  	s18 =	simm.s32 $0x180;
	s0 =	sand.u32 $0x1, s0;
	s1 =	sshll.u32 s22, $0x1  }
0x5: {  	p0 =	por $0x0, $0x0;
	s30 =	simm.s32 $0x580;
	s1 =	sor.u32 s0, s1  }
0x6: {  	s29 =	simm.s32 $0x600;
	[smem:$0x7FF] =	sst s2;
	s4 =	smul.u32 $0x180, s1  }
0x7: {  	s7 =	sadd.s32 $0x64800, s3;
	_ =	strace $0x80000047;
	s6 =	smul.u32 $0x7800, s1  }
0x8: {  	[dreg:$0x14] =	wrdreg s16;
	s5 =	smul.u32 $0x3C000, s1;
	s1 =	sshll.u32 s1, $0xC  }
0x9: {  	[dreg:$0x15] =	wrdreg s18;
	s1 =	sadd.s32 s1, s3;
	s19 =	sadd.s32 s7, s6  }
0xa: {  	s28 =	simm.s32 $0x680;
	s14 =	sadd.s32 $0x154800, s1;
	[dreg:$0x3] =	wrdreg s19  }
0xb: {  	s4 =	sadd.s32 s4, s3;
	s1 =	sadd.s32 $0x155000, s1;
	[dreg:$0x12] =	wrdreg s14  }
0xc: {  	s5 =	sshrl.u32 s5, $0x3;
	s4 =	sadd.s32 $0x61800, s4;
	[dreg:$0x13] =	wrdreg s1  }
0xd: {  	s5 =	sadd.s32 s7, s5;
	s19 =	simm.s32 $0x200;
	[dreg:$0x2] =	wrdreg s4  }
0xe: {  	s0 =	ssub.s32 $0x2, s0;
	s20 =	sadd.s32 $0x800, s5;
	[dreg:$0x16] =	wrdreg s19  }
0xf: {  	s18 =	simm.s32 $0x2;
	s21 =	sadd.s32 $0x1000, s5;
	[dreg:$0x4] =	wrdreg s20  }
0x10: {  	s16 =	simm.s32 $0x4;
	s23 =	sadd.s32 $0x1800, s5;
	[dreg:$0x5] =	wrdreg s21  }
0x11: {  	s15 =	sshrl.u32 s0, $0x1;
	s24 =	sadd.s32 $0x2000, s5;
	[dreg:$0x6] =	wrdreg s23  }
0x12: {  	s0 =	ssub.s32 s0, s15;
	s25 =	sadd.s32 $0x2800, s5;
	[dreg:$0x7] =	wrdreg s24  }
0x13: {  	s15 =	simm.s32 $0x3;
	s26 =	sadd.s32 $0x3000, s5;
	[dreg:$0x8] =	wrdreg s25  }
0x14: {  	s3 =	sadd.s32 $0x51800, s3;
	s6 =	sadd.s32 $0x3800, s5;
	[dreg:$0x9] =	wrdreg s26  }
0x15: {  	s0 =	smax.u32 s0, $0x1;
	s7 =	sadd.s32 $0x4000, s5;
	[dreg:$0xa] =	wrdreg s6  }
0x16: {  	s14 =	simm.s32 $0x5;
	s8 =	sadd.s32 $0x4800, s5;
	[dreg:$0xb] =	wrdreg s7  }
0x17: {  	p1 =	sne.s32 s0, $0x1;
	s9 =	sadd.s32 $0x5000, s5;
	[dreg:$0xc] =	wrdreg s8  }
0x18: {  	s1 =	sadd.s32 $0xFFFFFFFF, s0;
	s10 =	sadd.s32 $0x5800, s5;
	[dreg:$0xd] =	wrdreg s9  }
0x19: {  	s11 =	sadd.s32 $0x6000, s5;
	s12 =	sadd.s32 $0x6800, s5;
	[dreg:$0xe] =	wrdreg s10  }
0x1a: {  	s13 =	sadd.s32 $0x7000, s5;
	s4 =	simm.s32 $0x10C00;
	[dreg:$0xf] =	wrdreg s11  }
0x1b: {  	s5 =	simm.s32 $0x7;
	s19 =	simm.s32 $0xC;
	[dreg:$0x10] =	wrdreg s12  }
0x1c: {  	[dreg:$0x11] =	wrdreg s13;
	s7 =	simm.s32 $0x80;
	s13 =	simm.s32 $0x4C00  }
0x1d: {  	s8 =	simm.s32 $0x8C00;
	s20 =	simm.s32 $0x1;
	s9 =	simm.s32 $0xCC00  }
0x1e: {  	s21 =	simm.s32 $0x280;
	s23 =	simm.s32 $0x300;
	s0 =	rddreg [dreg:$0x2]  }
0x1f: {  	s6 =	simm.s32 $0x8;
	s24 =	simm.s32 $0x380;
	[dreg:$0x17] =	wrdreg s21  }
.Ltmp0:
0x20: {  	s25 =	simm.s32 $0x400;
	[dreg:$0x18] =	wrdreg s23;
	(pc) =	sbr.rel @!p1 .LBB2_1-.Ltmp0, $4  }
0x21: {  	s11 =	simm.s32 $0x9;
	s26 =	simm.s32 $0x480;
	[dreg:$0x19] =	wrdreg s24  }
0x22: {  	s12 =	simm.s32 $0xA;
	s10 =	simm.s32 $0xB;
	[dreg:$0x1a] =	wrdreg s25  }
0x23: {  	s21 =	simm.s32 $0x14C00;
	s23 =	simm.s32 $0x6;
	[dreg:$0x1b] =	wrdreg s26  }
0x24: {  	s26 =	simm.s32 $0x700;
	s25 =	simm.s32 $0x780;
	s24 =	simm.s32 $0x800  }
0x25: {  	[tilespmem:s2], [sflag:$0xD] =	stream.linear.gather [hbm4b:s0+s2], $0x880, $0x38;
	[tilespmem:$0x18C00] =	vst v63  }
0x26: {  	_ =	swait.ge [sflag:s31], $0x880  }
0x27: {  	[sflag:s31] =	ssyncset.done $0x0  }
0x28: {  	[sflag:s31] =	ssyncadd.s32 $0xFFFFF780  }
0x29: {  	[tilespmem:s17], [sflag:$0x1] =	stream.indirect.gather [hbm4b:s3+s7], $0x80, s2, s7, $0xb8;
	[tilespmem:$0x18C00] =	vst v63  }
0x2a: {  	_ = 	snop  }
0x2b: {  	[tilespmem:s13], [sflag:$0x2] =	stream.indirect.gather [hbm4b:s3+s7], $0x80, s7, s7, $0xb8;
	[tilespmem:$0x18C00] =	vst v63  }
0x2c: {  	s22 =	rddreg [dreg:$0x14]  }
0x2d: {  	[tilespmem:s8], [sflag:$0x3] =	stream.indirect.gather [hbm4b:s3+s7], $0x80, s22, s7, $0xb8;
	[tilespmem:$0x18C00] =	vst v63  }
0x2e: {  	_ =	swait.ge [sflag:s20], $0x4000  }
0x2f: {  	[sflag:s20] =	ssyncset.done $0x0  }
0x30: {  	s0 =	rddreg [dreg:$0x3];
	[sflag:s20] =	ssyncadd.s32 $0xFFFFC000  }
0x31: {  	[hbm4b:s0+s2] =	stream.linear.scatter [tilespmem:s17], [sflag:$0x7], $0x4000, $0x38;
	[tilespmem:$0x18C00] =	vst v63  }
0x32: {  	s22 =	smov.u32 s1;
	s1 =	rddreg [dreg:$0x15]  }
0x33: {  	[tilespmem:s9], [sflag:$0x4] =	stream.indirect.gather [hbm4b:s3+s7], $0x80, s1, s7, $0xb8;
	[tilespmem:$0x18C00] =	vst v63  }
0x34: {  	_ =	swait.ge [sflag:s18], $0x4000  }
0x35: {  	[sflag:s18] =	ssyncset.done $0x0  }
0x36: {  	s0 =	rddreg [dreg:$0x4];
	[sflag:s18] =	ssyncadd.s32 $0xFFFFC000  }
0x37: {  	[hbm4b:s0+s2] =	stream.linear.scatter [tilespmem:s13], [sflag:$0x8], $0x4000, $0x38;
	[tilespmem:$0x18C00] =	vst v63  }
0x38: {  	s1 =	rddreg [dreg:$0x16]  }
0x39: {  	[tilespmem:s4], [sflag:$0x5] =	stream.indirect.gather [hbm4b:s3+s7], $0x80, s1, s7, $0xb8;
	[tilespmem:$0x18C00] =	vst v63  }
0x3a: {  	_ =	swait.ge [sflag:s15], $0x4000  }
0x3b: {  	[sflag:s15] =	ssyncset.done $0x0  }
0x3c: {  	s0 =	rddreg [dreg:$0x5];
	[sflag:s15] =	ssyncadd.s32 $0xFFFFC000  }
0x3d: {  	[hbm4b:s0+s2] =	stream.linear.scatter [tilespmem:s8], [sflag:$0x9], $0x4000, $0x38;
	[tilespmem:$0x18C00] =	vst v63  }
0x3e: {  	s1 =	rddreg [dreg:$0x17]  }
0x3f: {  	[tilespmem:s21], [sflag:$0x6] =	stream.indirect.gather [hbm4b:s3+s7], $0x80, s1, s7, $0xb8;
	[tilespmem:$0x18C00] =	vst v63  }
0x40: {  	_ =	swait.ge [sflag:s16], $0x4000  }
0x41: {  	[sflag:s16] =	ssyncset.done $0x0  }
0x42: {  	s1 =	rddreg [dreg:$0x6];
	[sflag:s16] =	ssyncadd.s32 $0xFFFFC000  }
0x43: {  	[hbm4b:s1+s2] =	stream.linear.scatter [tilespmem:s9], [sflag:$0xA], $0x4000, $0x38;
	[tilespmem:$0x18C00] =	vst v63  }
0x44: {  	_ =	swait.ge [sflag:s5], $0x4000  }
0x45: {  	[sflag:s5] =	ssyncset.done $0x0  }
0x46: {  	s1 =	rddreg [dreg:$0x18];
	[sflag:s5] =	ssyncadd.s32 $0xFFFFC000  }
0x47: {  	[tilespmem:s17], [sflag:$0x1] =	stream.indirect.gather [hbm4b:s3+s7], $0x80, s1, s7, $0xb8;
	[tilespmem:$0x18C00] =	vst v63  }
0x48: {  	_ =	swait.ge [sflag:s14], $0x4000  }
0x49: {  	[sflag:s14] =	ssyncset.done $0x0  }
0x4a: {  	s1 =	rddreg [dreg:$0x7];
	[sflag:s14] =	ssyncadd.s32 $0xFFFFC000  }
0x4b: {  	[hbm4b:s1+s2] =	stream.linear.scatter [tilespmem:s4], [sflag:$0xB], $0x4000, $0x38;
	[tilespmem:$0x18C00] =	vst v63  }
0x4c: {  	_ =	swait.ge [sflag:s6], $0x4000  }
0x4d: {  	[sflag:s6] =	ssyncset.done $0x0  }
0x4e: {  	s1 =	rddreg [dreg:$0x19];
	[sflag:s6] =	ssyncadd.s32 $0xFFFFC000  }
0x4f: {  	[tilespmem:s13], [sflag:$0x2] =	stream.indirect.gather [hbm4b:s3+s7], $0x80, s1, s7, $0xb8;
	[tilespmem:$0x18C00] =	vst v63  }
0x50: {  	_ =	swait.ge [sflag:s23], $0x4000  }
0x51: {  	[sflag:s23] =	ssyncset.done $0x0  }
0x52: {  	s1 =	rddreg [dreg:$0x8];
	[sflag:s23] =	ssyncadd.s32 $0xFFFFC000  }
0x53: {  	[hbm4b:s1+s2] =	stream.linear.scatter [tilespmem:s21], [sflag:$0xC], $0x4000, $0x38;
	[tilespmem:$0x18C00] =	vst v63  }
0x54: {  	_ =	swait.ge [sflag:s11], $0x4000  }
0x55: {  	[sflag:s11] =	ssyncset.done $0x0  }
0x56: {  	s1 =	rddreg [dreg:$0x1a];
	[sflag:s11] =	ssyncadd.s32 $0xFFFFC000  }
0x57: {  	[tilespmem:s8], [sflag:$0x3] =	stream.indirect.gather [hbm4b:s3+s7], $0x80, s1, s7, $0xb8;
	[tilespmem:$0x18C00] =	vst v63  }
0x58: {  	_ =	swait.ge [sflag:s20], $0x4000  }
0x59: {  	[sflag:s20] =	ssyncset.done $0x0  }
0x5a: {  	s1 =	rddreg [dreg:$0x9];
	[sflag:s20] =	ssyncadd.s32 $0xFFFFC000  }
0x5b: {  	[hbm4b:s1+s2] =	stream.linear.scatter [tilespmem:s17], [sflag:$0x7], $0x4000, $0x38;
	[tilespmem:$0x18C00] =	vst v63  }
0x5c: {  	_ =	swait.ge [sflag:s12], $0x4000  }
0x5d: {  	[sflag:s12] =	ssyncset.done $0x0  }
0x5e: {  	s1 =	rddreg [dreg:$0x1b];
	[sflag:s12] =	ssyncadd.s32 $0xFFFFC000  }
0x5f: {  	[tilespmem:s9], [sflag:$0x4] =	stream.indirect.gather [hbm4b:s3+s7], $0x80, s1, s7, $0xb8;
	[tilespmem:$0x18C00] =	vst v63  }
0x60: {  	_ =	swait.ge [sflag:s18], $0x4000  }
0x61: {  	[sflag:s18] =	ssyncset.done $0x0  }
0x62: {  	s1 =	rddreg [dreg:$0xa];
	[sflag:s18] =	ssyncadd.s32 $0xFFFFC000  }
0x63: {  	[hbm4b:s1+s2] =	stream.linear.scatter [tilespmem:s13], [sflag:$0x8], $0x4000, $0x38;
	[tilespmem:$0x18C00] =	vst v63  }
0x64: {  	_ =	swait.ge [sflag:s10], $0x4000  }
0x65: {  	[sflag:s10] =	ssyncset.done $0x0  }
0x66: {  	s1 =	simm.s32 $0x500;
	[sflag:s10] =	ssyncadd.s32 $0xFFFFC000  }
0x67: {  	[tilespmem:s4], [sflag:$0x5] =	stream.indirect.gather [hbm4b:s3+s7], $0x80, s1, s7, $0xb8;
	[tilespmem:$0x18C00] =	vst v63  }
0x68: {  	_ =	swait.ge [sflag:s15], $0x4000  }
0x69: {  	[sflag:s15] =	ssyncset.done $0x0  }
0x6a: {  	s1 =	rddreg [dreg:$0xb];
	[sflag:s15] =	ssyncadd.s32 $0xFFFFC000  }
0x6b: {  	[hbm4b:s1+s2] =	stream.linear.scatter [tilespmem:s8], [sflag:$0x9], $0x4000, $0x38;
	[tilespmem:$0x18C00] =	vst v63  }
0x6c: {  	_ =	swait.ge [sflag:s19], $0x4000  }
0x6d: {  	[sflag:s19] =	ssyncset.done $0x0  }
0x6e: {  	[sflag:s19] =	ssyncadd.s32 $0xFFFFC000  }
0x6f: {  	[tilespmem:s21], [sflag:$0x6] =	stream.indirect.gather [hbm4b:s3+s7], $0x80, s30, s7, $0xb8;
	[tilespmem:$0x18C00] =	vst v63  }
0x70: {  	_ =	swait.ge [sflag:s16], $0x4000  }
0x71: {  	[sflag:s16] =	ssyncset.done $0x0  }
0x72: {  	s1 =	rddreg [dreg:$0xc];
	[sflag:s16] =	ssyncadd.s32 $0xFFFFC000  }
0x73: {  	[hbm4b:s1+s2] =	stream.linear.scatter [tilespmem:s9], [sflag:$0xA], $0x4000, $0x38;
	[tilespmem:$0x18C00] =	vst v63  }
0x74: {  	_ =	swait.ge [sflag:s5], $0x4000  }
0x75: {  	[sflag:s5] =	ssyncset.done $0x0  }
0x76: {  	[sflag:s5] =	ssyncadd.s32 $0xFFFFC000  }
0x77: {  	[tilespmem:s17], [sflag:$0x1] =	stream.indirect.gather [hbm4b:s3+s7], $0x80, s29, s7, $0xb8;
	[tilespmem:$0x18C00] =	vst v63  }
0x78: {  	_ =	swait.ge [sflag:s14], $0x4000  }
0x79: {  	[sflag:s14] =	ssyncset.done $0x0  }
0x7a: {  	s1 =	rddreg [dreg:$0xd];
	[sflag:s14] =	ssyncadd.s32 $0xFFFFC000  }
0x7b: {  	[hbm4b:s1+s2] =	stream.linear.scatter [tilespmem:s4], [sflag:$0xB], $0x4000, $0x38;
	[tilespmem:$0x18C00] =	vst v63  }
0x7c: {  	_ =	swait.ge [sflag:s6], $0x4000  }
0x7d: {  	[sflag:s6] =	ssyncset.done $0x0  }
0x7e: {  	[sflag:s6] =	ssyncadd.s32 $0xFFFFC000  }
0x7f: {  	[tilespmem:s13], [sflag:$0x2] =	stream.indirect.gather [hbm4b:s3+s7], $0x80, s28, s7, $0xb8;
	[tilespmem:$0x18C00] =	vst v63  }
0x80: {  	_ =	swait.ge [sflag:s23], $0x4000  }
0x81: {  	[sflag:s23] =	ssyncset.done $0x0  }
0x82: {  	s1 =	rddreg [dreg:$0xe];
	[sflag:s23] =	ssyncadd.s32 $0xFFFFC000  }
0x83: {  	[hbm4b:s1+s2] =	stream.linear.scatter [tilespmem:s21], [sflag:$0xC], $0x4000, $0x38;
	[tilespmem:$0x18C00] =	vst v63  }
0x84: {  	_ =	swait.ge [sflag:s11], $0x4000  }
0x85: {  	[sflag:s11] =	ssyncset.done $0x0  }
0x86: {  	[sflag:s11] =	ssyncadd.s32 $0xFFFFC000  }
0x87: {  	[tilespmem:s8], [sflag:$0x3] =	stream.indirect.gather [hbm4b:s3+s7], $0x80, s26, s7, $0xb8;
	[tilespmem:$0x18C00] =	vst v63  }
0x88: {  	_ =	swait.ge [sflag:s20], $0x4000  }
0x89: {  	[sflag:s20] =	ssyncset.done $0x0  }
0x8a: {  	s1 =	rddreg [dreg:$0xf];
	[sflag:s20] =	ssyncadd.s32 $0xFFFFC000  }
0x8b: {  	[hbm4b:s1+s2] =	stream.linear.scatter [tilespmem:s17], [sflag:$0x7], $0x4000, $0x38;
	[tilespmem:$0x18C00] =	vst v63  }
0x8c: {  	_ =	swait.ge [sflag:s12], $0x4000  }
0x8d: {  	[sflag:s12] =	ssyncset.done $0x0  }
0x8e: {  	[sflag:s12] =	ssyncadd.s32 $0xFFFFC000  }
0x8f: {  	[tilespmem:s9], [sflag:$0x4] =	stream.indirect.gather [hbm4b:s3+s7], $0x80, s25, s7, $0xb8;
	[tilespmem:$0x18C00] =	vst v63  }
0x90: {  	_ =	swait.ge [sflag:s18], $0x4000  }
0x91: {  	[sflag:s18] =	ssyncset.done $0x0  }
0x92: {  	s1 =	rddreg [dreg:$0x10];
	[sflag:s18] =	ssyncadd.s32 $0xFFFFC000  }
0x93: {  	[hbm4b:s1+s2] =	stream.linear.scatter [tilespmem:s13], [sflag:$0x8], $0x4000, $0x38;
	[tilespmem:$0x18C00] =	vst v63  }
0x94: {  	_ =	swait.ge [sflag:s10], $0x4000  }
0x95: {  	[sflag:s10] =	ssyncset.done $0x0  }
0x96: {  	[sflag:s10] =	ssyncadd.s32 $0xFFFFC000  }
0x97: {  	[tilespmem:s4], [sflag:$0x5] =	stream.indirect.gather [hbm4b:s3+s7], $0x80, s24, s7, $0xb8;
	[tilespmem:$0x18C00] =	vst v63  }
0x98: {  	_ =	swait.ge [sflag:s15], $0x4000  }
0x99: {  	[sflag:s15] =	ssyncset.done $0x0  }
0x9a: {  	s1 =	rddreg [dreg:$0x11];
	[sflag:s15] =	ssyncadd.s32 $0xFFFFC000  }
0x9b: {  	[hbm4b:s1+s2] =	stream.linear.scatter [tilespmem:s8], [sflag:$0x9], $0x4000, $0x38;
	[tilespmem:$0x18C00] =	vst v63  }
0x9c: {  	_ =	swait.ge [sflag:s16], $0x4000  }
0x9d: {  	[sflag:s16] =	ssyncset.done $0x0  }
0x9e: {  	s1 =	rddreg [dreg:$0x12];
	[sflag:s16] =	ssyncadd.s32 $0xFFFFC000  }
0x9f: {  	[hbm4b:s1+s2] =	stream.linear.scatter [tilespmem:s9], [sflag:$0xA], $0x4000, $0x38;
	[tilespmem:$0x18C00] =	vst v63  }
0xa0: {  	_ =	swait.ge [sflag:s14], $0x4000  }
0xa1: {  	[sflag:s14] =	ssyncset.done $0x0  }
0xa2: {  	s1 =	rddreg [dreg:$0x13];
	[sflag:s14] =	ssyncadd.s32 $0xFFFFC000  }
0xa3: {  	[hbm4b:s1+s2] =	stream.linear.scatter [tilespmem:s4], [sflag:$0xB], $0x4000, $0x38;
	[tilespmem:$0x18C00] =	vst v63  }
0xa4: {  	_ =	swait.ge [sflag:s19], $0x4000  }
0xa5: {  	[sflag:s19] =	ssyncset.done $0x0  }
0xa6: {  	[sflag:s19] =	ssyncadd.s32 $0xFFFFC000  }
0xa7: {  	_ =	swait.ge [sflag:s5], $0x4000  }
0xa8: {  	[sflag:s5] =	ssyncset.done $0x0  }
0xa9: {  	[sflag:s5] =	ssyncadd.s32 $0xFFFFC000  }
0xaa: {  	_ =	swait.ge [sflag:s6], $0x4000  }
0xab: {  	[sflag:s6] =	ssyncset.done $0x0  }
0xac: {  	[sflag:s6] =	ssyncadd.s32 $0xFFFFC000  }
0xad: {  	_ =	swait.ge [sflag:s11], $0x4000  }
0xae: {  	[sflag:s11] =	ssyncset.done $0x0  }
0xaf: {  	p1 =	sne.s32 s22, $0x1;
	[sflag:s11] =	ssyncadd.s32 $0xFFFFC000  }
.Ltmp1:
0xb0: {  	_ =	swait.ge [sflag:s12], $0x4000;
	(pc) =	sbr.rel @!p1 .LBB2_3-.Ltmp1, $4  }
0xb1: {  	[sflag:s12] =	ssyncset.done $0x0  }
0xb2: {  	[sflag:s12] =	ssyncadd.s32 $0xFFFFC000  }
0xb3: {  	p0 =	por $0x1, $0x1;
	_ =	swait.ge [sflag:s10], $0x4000  }
0xb4: {  	s1 =	sadd.s32 $0xFFFFFFFF, s22;
	s0 =	rddreg [dreg:$0x2];
	[sflag:s10] =	ssyncset.done $0x0  }
.LBB2_4:
0xb5: {  	[sflag:s10] =	ssyncadd.s32 $0xFFFFC000  }
0xb6: {  	[tilespmem:s2], [sflag:$0xD] =	stream.linear.gather [hbm4b:s0+s2], $0x880, $0x38;
	[tilespmem:$0x18C00] =	vst v63  }
0xb7: {  	_ =	swait.ge [sflag:s31], $0x880  }
0xb8: {  	[sflag:s31] =	ssyncset.done $0x0  }
0xb9: {  	[sflag:s31] =	ssyncadd.s32 $0xFFFFF780  }
0xba: {  	[tilespmem:s17], [sflag:$0x1] =	stream.indirect.gather [hbm4b:s3+s7], $0x80, s2, s7, $0xb8;
	[tilespmem:$0x18C00] =	vst v63  }
0xbb: {  	_ = 	snop  }
0xbc: {  	[tilespmem:s13], [sflag:$0x2] =	stream.indirect.gather [hbm4b:s3+s7], $0x80, s7, s7, $0xb8;
	[tilespmem:$0x18C00] =	vst v63  }
0xbd: {  	s22 =	rddreg [dreg:$0x14]  }
0xbe: {  	[tilespmem:s8], [sflag:$0x3] =	stream.indirect.gather [hbm4b:s3+s7], $0x80, s22, s7, $0xb8;
	[tilespmem:$0x18C00] =	vst v63  }
0xbf: {  	_ =	swait.ge [sflag:s20], $0x4000  }
0xc0: {  	[sflag:s20] =	ssyncset.done $0x0  }
0xc1: {  	s0 =	rddreg [dreg:$0x3];
	[sflag:s20] =	ssyncadd.s32 $0xFFFFC000  }
0xc2: {  	[hbm4b:s0+s2] =	stream.linear.scatter [tilespmem:s17], [sflag:$0x7], $0x4000, $0x38;
	[tilespmem:$0x18C00] =	vst v63  }
0xc3: {  	s22 =	rddreg [dreg:$0x15]  }
0xc4: {  	[tilespmem:s9], [sflag:$0x4] =	stream.indirect.gather [hbm4b:s3+s7], $0x80, s22, s7, $0xb8;
	[tilespmem:$0x18C00] =	vst v63  }
0xc5: {  	_ =	swait.ge [sflag:s18], $0x4000  }
0xc6: {  	[sflag:s18] =	ssyncset.done $0x0  }
0xc7: {  	s0 =	rddreg [dreg:$0x4];
	[sflag:s18] =	ssyncadd.s32 $0xFFFFC000  }
0xc8: {  	[hbm4b:s0+s2] =	stream.linear.scatter [tilespmem:s13], [sflag:$0x8], $0x4000, $0x38;
	[tilespmem:$0x18C00] =	vst v63  }
0xc9: {  	s22 =	rddreg [dreg:$0x16]  }
0xca: {  	[tilespmem:s4], [sflag:$0x5] =	stream.indirect.gather [hbm4b:s3+s7], $0x80, s22, s7, $0xb8;
	[tilespmem:$0x18C00] =	vst v63  }
0xcb: {  	_ =	swait.ge [sflag:s15], $0x4000  }
0xcc: {  	[sflag:s15] =	ssyncset.done $0x0  }
0xcd: {  	s0 =	rddreg [dreg:$0x5];
	[sflag:s15] =	ssyncadd.s32 $0xFFFFC000  }
0xce: {  	[hbm4b:s0+s2] =	stream.linear.scatter [tilespmem:s8], [sflag:$0x9], $0x4000, $0x38;
	[tilespmem:$0x18C00] =	vst v63  }
0xcf: {  	s22 =	rddreg [dreg:$0x17]  }
0xd0: {  	[tilespmem:s21], [sflag:$0x6] =	stream.indirect.gather [hbm4b:s3+s7], $0x80, s22, s7, $0xb8;
	[tilespmem:$0x18C00] =	vst v63  }
0xd1: {  	_ =	swait.ge [sflag:s16], $0x4000  }
0xd2: {  	[sflag:s16] =	ssyncset.done $0x0  }
0xd3: {  	s22 =	rddreg [dreg:$0x6];
	[sflag:s16] =	ssyncadd.s32 $0xFFFFC000  }
0xd4: {  	[hbm4b:s22+s2] =	stream.linear.scatter [tilespmem:s9], [sflag:$0xA], $0x4000, $0x38;
	[tilespmem:$0x18C00] =	vst v63  }
0xd5: {  	_ =	swait.ge [sflag:s5], $0x4000  }
0xd6: {  	[sflag:s5] =	ssyncset.done $0x0  }
0xd7: {  	s22 =	rddreg [dreg:$0x18];
	[sflag:s5] =	ssyncadd.s32 $0xFFFFC000  }
0xd8: {  	[tilespmem:s17], [sflag:$0x1] =	stream.indirect.gather [hbm4b:s3+s7], $0x80, s22, s7, $0xb8;
	[tilespmem:$0x18C00] =	vst v63  }
0xd9: {  	_ =	swait.ge [sflag:s14], $0x4000  }
0xda: {  	[sflag:s14] =	ssyncset.done $0x0  }
0xdb: {  	s22 =	rddreg [dreg:$0x7];
	[sflag:s14] =	ssyncadd.s32 $0xFFFFC000  }
0xdc: {  	[hbm4b:s22+s2] =	stream.linear.scatter [tilespmem:s4], [sflag:$0xB], $0x4000, $0x38;
	[tilespmem:$0x18C00] =	vst v63  }
0xdd: {  	_ =	swait.ge [sflag:s6], $0x4000  }
0xde: {  	[sflag:s6] =	ssyncset.done $0x0  }
0xdf: {  	s22 =	rddreg [dreg:$0x19];
	[sflag:s6] =	ssyncadd.s32 $0xFFFFC000  }
0xe0: {  	[tilespmem:s13], [sflag:$0x2] =	stream.indirect.gather [hbm4b:s3+s7], $0x80, s22, s7, $0xb8;
	[tilespmem:$0x18C00] =	vst v63  }
0xe1: {  	_ =	swait.ge [sflag:s23], $0x4000  }
0xe2: {  	[sflag:s23] =	ssyncset.done $0x0  }
0xe3: {  	s22 =	rddreg [dreg:$0x8];
	[sflag:s23] =	ssyncadd.s32 $0xFFFFC000  }
0xe4: {  	[hbm4b:s22+s2] =	stream.linear.scatter [tilespmem:s21], [sflag:$0xC], $0x4000, $0x38;
	[tilespmem:$0x18C00] =	vst v63  }
0xe5: {  	_ =	swait.ge [sflag:s11], $0x4000  }
0xe6: {  	[sflag:s11] =	ssyncset.done $0x0  }
0xe7: {  	s22 =	rddreg [dreg:$0x1a];
	[sflag:s11] =	ssyncadd.s32 $0xFFFFC000  }
0xe8: {  	[tilespmem:s8], [sflag:$0x3] =	stream.indirect.gather [hbm4b:s3+s7], $0x80, s22, s7, $0xb8;
	[tilespmem:$0x18C00] =	vst v63  }
0xe9: {  	_ =	swait.ge [sflag:s20], $0x4000  }
0xea: {  	[sflag:s20] =	ssyncset.done $0x0  }
0xeb: {  	s22 =	rddreg [dreg:$0x9];
	[sflag:s20] =	ssyncadd.s32 $0xFFFFC000  }
0xec: {  	[hbm4b:s22+s2] =	stream.linear.scatter [tilespmem:s17], [sflag:$0x7], $0x4000, $0x38;
	[tilespmem:$0x18C00] =	vst v63  }
0xed: {  	_ =	swait.ge [sflag:s12], $0x4000  }
0xee: {  	[sflag:s12] =	ssyncset.done $0x0  }
0xef: {  	s22 =	rddreg [dreg:$0x1b];
	[sflag:s12] =	ssyncadd.s32 $0xFFFFC000  }
0xf0: {  	[tilespmem:s9], [sflag:$0x4] =	stream.indirect.gather [hbm4b:s3+s7], $0x80, s22, s7, $0xb8;
	[tilespmem:$0x18C00] =	vst v63  }
0xf1: {  	_ =	swait.ge [sflag:s18], $0x4000  }
0xf2: {  	[sflag:s18] =	ssyncset.done $0x0  }
0xf3: {  	s22 =	rddreg [dreg:$0xa];
	[sflag:s18] =	ssyncadd.s32 $0xFFFFC000  }
0xf4: {  	[hbm4b:s22+s2] =	stream.linear.scatter [tilespmem:s13], [sflag:$0x8], $0x4000, $0x38;
	[tilespmem:$0x18C00] =	vst v63  }
0xf5: {  	_ =	swait.ge [sflag:s10], $0x4000  }
0xf6: {  	[sflag:s10] =	ssyncset.done $0x0  }
0xf7: {  	s22 =	simm.s32 $0x500;
	[sflag:s10] =	ssyncadd.s32 $0xFFFFC000  }
0xf8: {  	[tilespmem:s4], [sflag:$0x5] =	stream.indirect.gather [hbm4b:s3+s7], $0x80, s22, s7, $0xb8;
	[tilespmem:$0x18C00] =	vst v63  }
0xf9: {  	_ =	swait.ge [sflag:s15], $0x4000  }
0xfa: {  	[sflag:s15] =	ssyncset.done $0x0  }
0xfb: {  	s22 =	rddreg [dreg:$0xb];
	[sflag:s15] =	ssyncadd.s32 $0xFFFFC000  }
0xfc: {  	[hbm4b:s22+s2] =	stream.linear.scatter [tilespmem:s8], [sflag:$0x9], $0x4000, $0x38;
	[tilespmem:$0x18C00] =	vst v63  }
0xfd: {  	_ =	swait.ge [sflag:s19], $0x4000  }
0xfe: {  	[sflag:s19] =	ssyncset.done $0x0  }
0xff: {  	[sflag:s19] =	ssyncadd.s32 $0xFFFFC000  }
0x100: {  	[tilespmem:s21], [sflag:$0x6] =	stream.indirect.gather [hbm4b:s3+s7], $0x80, s30, s7, $0xb8;
	[tilespmem:$0x18C00] =	vst v63  }
0x101: {  	_ =	swait.ge [sflag:s16], $0x4000  }
0x102: {  	[sflag:s16] =	ssyncset.done $0x0  }
0x103: {  	s22 =	rddreg [dreg:$0xc];
	[sflag:s16] =	ssyncadd.s32 $0xFFFFC000  }
0x104: {  	[hbm4b:s22+s2] =	stream.linear.scatter [tilespmem:s9], [sflag:$0xA], $0x4000, $0x38;
	[tilespmem:$0x18C00] =	vst v63  }
0x105: {  	_ =	swait.ge [sflag:s5], $0x4000  }
0x106: {  	[sflag:s5] =	ssyncset.done $0x0  }
0x107: {  	[sflag:s5] =	ssyncadd.s32 $0xFFFFC000  }
0x108: {  	[tilespmem:s17], [sflag:$0x1] =	stream.indirect.gather [hbm4b:s3+s7], $0x80, s29, s7, $0xb8;
	[tilespmem:$0x18C00] =	vst v63  }
0x109: {  	_ =	swait.ge [sflag:s14], $0x4000  }
0x10a: {  	[sflag:s14] =	ssyncset.done $0x0  }
0x10b: {  	s22 =	rddreg [dreg:$0xd];
	[sflag:s14] =	ssyncadd.s32 $0xFFFFC000  }
0x10c: {  	[hbm4b:s22+s2] =	stream.linear.scatter [tilespmem:s4], [sflag:$0xB], $0x4000, $0x38;
	[tilespmem:$0x18C00] =	vst v63  }
0x10d: {  	_ =	swait.ge [sflag:s6], $0x4000  }
0x10e: {  	[sflag:s6] =	ssyncset.done $0x0  }
0x10f: {  	[sflag:s6] =	ssyncadd.s32 $0xFFFFC000  }
0x110: {  	[tilespmem:s13], [sflag:$0x2] =	stream.indirect.gather [hbm4b:s3+s7], $0x80, s28, s7, $0xb8;
	[tilespmem:$0x18C00] =	vst v63  }
0x111: {  	_ =	swait.ge [sflag:s23], $0x4000  }
0x112: {  	[sflag:s23] =	ssyncset.done $0x0  }
0x113: {  	s22 =	rddreg [dreg:$0xe];
	[sflag:s23] =	ssyncadd.s32 $0xFFFFC000  }
0x114: {  	[hbm4b:s22+s2] =	stream.linear.scatter [tilespmem:s21], [sflag:$0xC], $0x4000, $0x38;
	[tilespmem:$0x18C00] =	vst v63  }
0x115: {  	_ =	swait.ge [sflag:s11], $0x4000  }
0x116: {  	[sflag:s11] =	ssyncset.done $0x0  }
0x117: {  	[sflag:s11] =	ssyncadd.s32 $0xFFFFC000  }
0x118: {  	[tilespmem:s8], [sflag:$0x3] =	stream.indirect.gather [hbm4b:s3+s7], $0x80, s26, s7, $0xb8;
	[tilespmem:$0x18C00] =	vst v63  }
0x119: {  	_ =	swait.ge [sflag:s20], $0x4000  }
0x11a: {  	[sflag:s20] =	ssyncset.done $0x0  }
0x11b: {  	s22 =	rddreg [dreg:$0xf];
	[sflag:s20] =	ssyncadd.s32 $0xFFFFC000  }
0x11c: {  	[hbm4b:s22+s2] =	stream.linear.scatter [tilespmem:s17], [sflag:$0x7], $0x4000, $0x38;
	[tilespmem:$0x18C00] =	vst v63  }
0x11d: {  	_ =	swait.ge [sflag:s12], $0x4000  }
0x11e: {  	[sflag:s12] =	ssyncset.done $0x0  }
0x11f: {  	[sflag:s12] =	ssyncadd.s32 $0xFFFFC000  }
0x120: {  	[tilespmem:s9], [sflag:$0x4] =	stream.indirect.gather [hbm4b:s3+s7], $0x80, s25, s7, $0xb8;
	[tilespmem:$0x18C00] =	vst v63  }
0x121: {  	_ =	swait.ge [sflag:s18], $0x4000  }
0x122: {  	[sflag:s18] =	ssyncset.done $0x0  }
0x123: {  	s22 =	rddreg [dreg:$0x10];
	[sflag:s18] =	ssyncadd.s32 $0xFFFFC000  }
0x124: {  	[hbm4b:s22+s2] =	stream.linear.scatter [tilespmem:s13], [sflag:$0x8], $0x4000, $0x38;
	[tilespmem:$0x18C00] =	vst v63  }
0x125: {  	_ =	swait.ge [sflag:s10], $0x4000  }
0x126: {  	[sflag:s10] =	ssyncset.done $0x0  }
0x127: {  	[sflag:s10] =	ssyncadd.s32 $0xFFFFC000  }
0x128: {  	[tilespmem:s4], [sflag:$0x5] =	stream.indirect.gather [hbm4b:s3+s7], $0x80, s24, s7, $0xb8;
	[tilespmem:$0x18C00] =	vst v63  }
0x129: {  	_ =	swait.ge [sflag:s15], $0x4000  }
0x12a: {  	[sflag:s15] =	ssyncset.done $0x0  }
0x12b: {  	s22 =	rddreg [dreg:$0x11];
	[sflag:s15] =	ssyncadd.s32 $0xFFFFC000  }
0x12c: {  	[hbm4b:s22+s2] =	stream.linear.scatter [tilespmem:s8], [sflag:$0x9], $0x4000, $0x38;
	[tilespmem:$0x18C00] =	vst v63  }
0x12d: {  	_ =	swait.ge [sflag:s16], $0x4000  }
0x12e: {  	[sflag:s16] =	ssyncset.done $0x0  }
0x12f: {  	s22 =	rddreg [dreg:$0x12];
	[sflag:s16] =	ssyncadd.s32 $0xFFFFC000  }
0x130: {  	[hbm4b:s22+s2] =	stream.linear.scatter [tilespmem:s9], [sflag:$0xA], $0x4000, $0x38;
	[tilespmem:$0x18C00] =	vst v63  }
0x131: {  	_ =	swait.ge [sflag:s14], $0x4000  }
0x132: {  	[sflag:s14] =	ssyncset.done $0x0  }
0x133: {  	s22 =	rddreg [dreg:$0x13];
	[sflag:s14] =	ssyncadd.s32 $0xFFFFC000  }
0x134: {  	[hbm4b:s22+s2] =	stream.linear.scatter [tilespmem:s4], [sflag:$0xB], $0x4000, $0x38;
	[tilespmem:$0x18C00] =	vst v63  }
0x135: {  	_ =	swait.ge [sflag:s19], $0x4000  }
0x136: {  	[sflag:s19] =	ssyncset.done $0x0  }
0x137: {  	[sflag:s19] =	ssyncadd.s32 $0xFFFFC000  }
0x138: {  	_ =	swait.ge [sflag:s5], $0x4000  }
0x139: {  	[sflag:s5] =	ssyncset.done $0x0  }
0x13a: {  	[sflag:s5] =	ssyncadd.s32 $0xFFFFC000  }
0x13b: {  	_ =	swait.ge [sflag:s6], $0x4000  }
0x13c: {  	[sflag:s6] =	ssyncset.done $0x0  }
0x13d: {  	[sflag:s6] =	ssyncadd.s32 $0xFFFFC000  }
0x13e: {  	_ =	swait.ge [sflag:s11], $0x4000  }
0x13f: {  	[sflag:s11] =	ssyncset.done $0x0  }
0x140: {  	p1 =	sne.s32 s1, $0x1;
	[sflag:s11] =	ssyncadd.s32 $0xFFFFC000  }
.Ltmp2:
0x141: {  	_ =	swait.ge [sflag:s12], $0x4000;
	(pc) =	sbr.rel @p1 .LBB2_4-.Ltmp2, $4  }
0x142: {  	[sflag:s12] =	ssyncset.done $0x0  }
0x143: {  	[sflag:s12] =	ssyncadd.s32 $0xFFFFC000  }
0x144: {  	_ =	swait.ge [sflag:s10], $0x4000  }
0x145: {  	s1 =	sadd.s32 $0xFFFFFFFF, s1;
	s0 =	rddreg [dreg:$0x2];
	[sflag:s10] =	ssyncset.done $0x0  }
0x146: {  	s24 =	simm.s32 $0x500  }
0x147: {  	s30 =	simm.s32 $0x580;
	s29 =	simm.s32 $0x600;
	s28 =	simm.s32 $0x680  }
0x148: {  	s26 =	simm.s32 $0x700;
	s25 =	simm.s32 $0x780;
	s22 =	stileid.u32  }
.LBB2_6:
0x149: {  	[sflag:s10] =	ssyncadd.s32 @p0 $0xFFFFC000  }
0x14a: {  	[tilespmem:s2], [sflag:$0xD] =	stream.linear.gather [hbm4b:s0+s2], $0x880, $0x38;
	[tilespmem:$0x18C00] =	vst v63  }
0x14b: {  	_ =	swait.ge [sflag:s31], $0x880  }
0x14c: {  	[sflag:s31] =	ssyncset.done $0x0  }
0x14d: {  	[sflag:s31] =	ssyncadd.s32 $0xFFFFF780  }
0x14e: {  	[tilespmem:s17], [sflag:$0x1] =	stream.indirect.gather [hbm4b:s3+s7], $0x80, s2, s7, $0xb8;
	[tilespmem:$0x18C00] =	vst v63  }
0x14f: {  	_ = 	snop  }
0x150: {  	[tilespmem:s13], [sflag:$0x2] =	stream.indirect.gather [hbm4b:s3+s7], $0x80, s7, s7, $0xb8;
	[tilespmem:$0x18C00] =	vst v63  }
0x151: {  	s1 =	rddreg [dreg:$0x14]  }
0x152: {  	[tilespmem:s8], [sflag:$0x3] =	stream.indirect.gather [hbm4b:s3+s7], $0x80, s1, s7, $0xb8;
	[tilespmem:$0x18C00] =	vst v63  }
0x153: {  	_ =	swait.ge [sflag:s20], $0x4000  }
0x154: {  	[sflag:s20] =	ssyncset.done $0x0  }
0x155: {  	s31 =	rddreg [dreg:$0x3];
	[sflag:s20] =	ssyncadd.s32 $0xFFFFC000  }
0x156: {  	[hbm4b:s31+s2] =	stream.linear.scatter [tilespmem:s17], [sflag:$0x7], $0x4000, $0x38;
	[tilespmem:$0x18C00] =	vst v63  }
0x157: {  	s1 =	rddreg [dreg:$0x15]  }
0x158: {  	[tilespmem:s9], [sflag:$0x4] =	stream.indirect.gather [hbm4b:s3+s7], $0x80, s1, s7, $0xb8;
	[tilespmem:$0x18C00] =	vst v63  }
0x159: {  	_ =	swait.ge [sflag:s18], $0x4000  }
0x15a: {  	[sflag:s18] =	ssyncset.done $0x0  }
0x15b: {  	s1 =	rddreg [dreg:$0x4];
	[sflag:s18] =	ssyncadd.s32 $0xFFFFC000  }
0x15c: {  	[hbm4b:s1+s2] =	stream.linear.scatter [tilespmem:s13], [sflag:$0x8], $0x4000, $0x38;
	[tilespmem:$0x18C00] =	vst v63  }
0x15d: {  	s31 =	rddreg [dreg:$0x16]  }
0x15e: {  	[tilespmem:s4], [sflag:$0x5] =	stream.indirect.gather [hbm4b:s3+s7], $0x80, s31, s7, $0xb8;
	[tilespmem:$0x18C00] =	vst v63  }
0x15f: {  	_ =	swait.ge [sflag:s15], $0x4000  }
0x160: {  	[sflag:s15] =	ssyncset.done $0x0  }
0x161: {  	s1 =	rddreg [dreg:$0x5];
	[sflag:s15] =	ssyncadd.s32 $0xFFFFC000  }
0x162: {  	[hbm4b:s1+s2] =	stream.linear.scatter [tilespmem:s8], [sflag:$0x9], $0x4000, $0x38;
	[tilespmem:$0x18C00] =	vst v63  }
0x163: {  	s31 =	rddreg [dreg:$0x17]  }
0x164: {  	[tilespmem:s21], [sflag:$0x6] =	stream.indirect.gather [hbm4b:s3+s7], $0x80, s31, s7, $0xb8;
	[tilespmem:$0x18C00] =	vst v63  }
0x165: {  	_ =	swait.ge [sflag:s16], $0x4000  }
0x166: {  	[sflag:s16] =	ssyncset.done $0x0  }
0x167: {  	s1 =	rddreg [dreg:$0x6];
	[sflag:s16] =	ssyncadd.s32 $0xFFFFC000  }
0x168: {  	[hbm4b:s1+s2] =	stream.linear.scatter [tilespmem:s9], [sflag:$0xA], $0x4000, $0x38;
	[tilespmem:$0x18C00] =	vst v63  }
0x169: {  	_ =	swait.ge [sflag:s5], $0x4000  }
0x16a: {  	[sflag:s5] =	ssyncset.done $0x0  }
0x16b: {  	s31 =	rddreg [dreg:$0x18];
	[sflag:s5] =	ssyncadd.s32 $0xFFFFC000  }
0x16c: {  	[tilespmem:s17], [sflag:$0x1] =	stream.indirect.gather [hbm4b:s3+s7], $0x80, s31, s7, $0xb8;
	[tilespmem:$0x18C00] =	vst v63  }
0x16d: {  	_ =	swait.ge [sflag:s14], $0x4000  }
0x16e: {  	[sflag:s14] =	ssyncset.done $0x0  }
0x16f: {  	s1 =	rddreg [dreg:$0x7];
	[sflag:s14] =	ssyncadd.s32 $0xFFFFC000  }
0x170: {  	[hbm4b:s1+s2] =	stream.linear.scatter [tilespmem:s4], [sflag:$0xB], $0x4000, $0x38;
	[tilespmem:$0x18C00] =	vst v63  }
0x171: {  	_ =	swait.ge [sflag:s6], $0x4000  }
0x172: {  	[sflag:s6] =	ssyncset.done $0x0  }
0x173: {  	s31 =	rddreg [dreg:$0x19];
	[sflag:s6] =	ssyncadd.s32 $0xFFFFC000  }
0x174: {  	[tilespmem:s13], [sflag:$0x2] =	stream.indirect.gather [hbm4b:s3+s7], $0x80, s31, s7, $0xb8;
	[tilespmem:$0x18C00] =	vst v63  }
0x175: {  	_ =	swait.ge [sflag:s23], $0x4000  }
0x176: {  	[sflag:s23] =	ssyncset.done $0x0  }
0x177: {  	s1 =	rddreg [dreg:$0x8];
	[sflag:s23] =	ssyncadd.s32 $0xFFFFC000  }
0x178: {  	[hbm4b:s1+s2] =	stream.linear.scatter [tilespmem:s21], [sflag:$0xC], $0x4000, $0x38;
	[tilespmem:$0x18C00] =	vst v63  }
0x179: {  	_ =	swait.ge [sflag:s11], $0x4000  }
0x17a: {  	[sflag:s11] =	ssyncset.done $0x0  }
0x17b: {  	s31 =	rddreg [dreg:$0x1a];
	[sflag:s11] =	ssyncadd.s32 $0xFFFFC000  }
0x17c: {  	[tilespmem:s8], [sflag:$0x3] =	stream.indirect.gather [hbm4b:s3+s7], $0x80, s31, s7, $0xb8;
	[tilespmem:$0x18C00] =	vst v63  }
0x17d: {  	_ =	swait.ge [sflag:s20], $0x4000  }
0x17e: {  	[sflag:s20] =	ssyncset.done $0x0  }
0x17f: {  	s1 =	rddreg [dreg:$0x9];
	[sflag:s20] =	ssyncadd.s32 $0xFFFFC000  }
0x180: {  	[hbm4b:s1+s2] =	stream.linear.scatter [tilespmem:s17], [sflag:$0x7], $0x4000, $0x38;
	[tilespmem:$0x18C00] =	vst v63  }
0x181: {  	_ =	swait.ge [sflag:s12], $0x4000  }
0x182: {  	[sflag:s12] =	ssyncset.done $0x0  }
0x183: {  	s31 =	rddreg [dreg:$0x1b];
	[sflag:s12] =	ssyncadd.s32 $0xFFFFC000  }
0x184: {  	[tilespmem:s9], [sflag:$0x4] =	stream.indirect.gather [hbm4b:s3+s7], $0x80, s31, s7, $0xb8;
	[tilespmem:$0x18C00] =	vst v63  }
0x185: {  	_ =	swait.ge [sflag:s18], $0x4000  }
0x186: {  	[sflag:s18] =	ssyncset.done $0x0  }
0x187: {  	s1 =	rddreg [dreg:$0xa];
	[sflag:s18] =	ssyncadd.s32 $0xFFFFC000  }
0x188: {  	[hbm4b:s1+s2] =	stream.linear.scatter [tilespmem:s13], [sflag:$0x8], $0x4000, $0x38;
	[tilespmem:$0x18C00] =	vst v63  }
0x189: {  	_ =	swait.ge [sflag:s10], $0x4000  }
0x18a: {  	[sflag:s10] =	ssyncset.done $0x0  }
0x18b: {  	[sflag:s10] =	ssyncadd.s32 $0xFFFFC000  }
0x18c: {  	[tilespmem:s4], [sflag:$0x5] =	stream.indirect.gather [hbm4b:s3+s7], $0x80, s24, s7, $0xb8;
	[tilespmem:$0x18C00] =	vst v63  }
0x18d: {  	_ =	swait.ge [sflag:s15], $0x4000  }
0x18e: {  	[sflag:s15] =	ssyncset.done $0x0  }
0x18f: {  	s24 =	rddreg [dreg:$0xb];
	[sflag:s15] =	ssyncadd.s32 $0xFFFFC000  }
0x190: {  	[hbm4b:s24+s2] =	stream.linear.scatter [tilespmem:s8], [sflag:$0x9], $0x4000, $0x38;
	[tilespmem:$0x18C00] =	vst v63  }
0x191: {  	_ =	swait.ge [sflag:s19], $0x4000  }
0x192: {  	[sflag:s19] =	ssyncset.done $0x0  }
0x193: {  	[sflag:s19] =	ssyncadd.s32 $0xFFFFC000  }
0x194: {  	[tilespmem:s21], [sflag:$0x6] =	stream.indirect.gather [hbm4b:s3+s7], $0x80, s30, s7, $0xb8;
	[tilespmem:$0x18C00] =	vst v63  }
0x195: {  	_ =	swait.ge [sflag:s16], $0x4000  }
0x196: {  	[sflag:s16] =	ssyncset.done $0x0  }
0x197: {  	s30 =	rddreg [dreg:$0xc];
	[sflag:s16] =	ssyncadd.s32 $0xFFFFC000  }
0x198: {  	[hbm4b:s30+s2] =	stream.linear.scatter [tilespmem:s9], [sflag:$0xA], $0x4000, $0x38;
	[tilespmem:$0x18C00] =	vst v63  }
0x199: {  	_ =	swait.ge [sflag:s5], $0x4000  }
0x19a: {  	[sflag:s5] =	ssyncset.done $0x0  }
0x19b: {  	[sflag:s5] =	ssyncadd.s32 $0xFFFFC000  }
0x19c: {  	[tilespmem:s17], [sflag:$0x1] =	stream.indirect.gather [hbm4b:s3+s7], $0x80, s29, s7, $0xb8;
	[tilespmem:$0x18C00] =	vst v63  }
0x19d: {  	_ =	swait.ge [sflag:s14], $0x4000  }
0x19e: {  	[sflag:s14] =	ssyncset.done $0x0  }
0x19f: {  	s31 =	rddreg [dreg:$0xd];
	[sflag:s14] =	ssyncadd.s32 $0xFFFFC000  }
0x1a0: {  	[hbm4b:s31+s2] =	stream.linear.scatter [tilespmem:s4], [sflag:$0xB], $0x4000, $0x38;
	[tilespmem:$0x18C00] =	vst v63  }
0x1a1: {  	_ =	swait.ge [sflag:s6], $0x4000  }
0x1a2: {  	[sflag:s6] =	ssyncset.done $0x0  }
0x1a3: {  	[sflag:s6] =	ssyncadd.s32 $0xFFFFC000  }
0x1a4: {  	[tilespmem:s13], [sflag:$0x2] =	stream.indirect.gather [hbm4b:s3+s7], $0x80, s28, s7, $0xb8;
	[tilespmem:$0x18C00] =	vst v63  }
0x1a5: {  	_ =	swait.ge [sflag:s23], $0x4000  }
0x1a6: {  	[sflag:s23] =	ssyncset.done $0x0  }
0x1a7: {  	s1 =	rddreg [dreg:$0xe];
	[sflag:s23] =	ssyncadd.s32 $0xFFFFC000  }
0x1a8: {  	[hbm4b:s1+s2] =	stream.linear.scatter [tilespmem:s21], [sflag:$0xC], $0x4000, $0x38;
	[tilespmem:$0x18C00] =	vst v63  }
0x1a9: {  	_ =	swait.ge [sflag:s11], $0x4000  }
0x1aa: {  	[sflag:s11] =	ssyncset.done $0x0  }
0x1ab: {  	[sflag:s11] =	ssyncadd.s32 $0xFFFFC000  }
0x1ac: {  	[tilespmem:s8], [sflag:$0x3] =	stream.indirect.gather [hbm4b:s3+s7], $0x80, s26, s7, $0xb8;
	[tilespmem:$0x18C00] =	vst v63  }
0x1ad: {  	_ =	swait.ge [sflag:s20], $0x4000  }
0x1ae: {  	[sflag:s20] =	ssyncset.done $0x0  }
0x1af: {  	s24 =	rddreg [dreg:$0xf];
	[sflag:s20] =	ssyncadd.s32 $0xFFFFC000  }
0x1b0: {  	[hbm4b:s24+s2] =	stream.linear.scatter [tilespmem:s17], [sflag:$0x7], $0x4000, $0x38;
	[tilespmem:$0x18C00] =	vst v63  }
0x1b1: {  	_ =	swait.ge [sflag:s12], $0x4000  }
0x1b2: {  	[sflag:s12] =	ssyncset.done $0x0  }
0x1b3: {  	[sflag:s12] =	ssyncadd.s32 $0xFFFFC000  }
0x1b4: {  	[tilespmem:s9], [sflag:$0x4] =	stream.indirect.gather [hbm4b:s3+s7], $0x80, s25, s7, $0xb8;
	[tilespmem:$0x18C00] =	vst v63  }
0x1b5: {  	_ =	swait.ge [sflag:s18], $0x4000  }
0x1b6: {  	[sflag:s18] =	ssyncset.done $0x0  }
0x1b7: {  	s26 =	rddreg [dreg:$0x10];
	[sflag:s18] =	ssyncadd.s32 $0xFFFFC000  }
0x1b8: {  	[hbm4b:s26+s2] =	stream.linear.scatter [tilespmem:s13], [sflag:$0x8], $0x4000, $0x38;
	[tilespmem:$0x18C00] =	vst v63  }
0x1b9: {  	_ =	swait.ge [sflag:s10], $0x4000  }
0x1ba: {  	[sflag:s10] =	ssyncset.done $0x0  }
0x1bb: {  	s28 =	simm.s32 $0x800;
	[sflag:s10] =	ssyncadd.s32 $0xFFFFC000  }
0x1bc: {  	[tilespmem:s4], [sflag:$0x5] =	stream.indirect.gather [hbm4b:s3+s7], $0x80, s28, s7, $0xb8;
	[tilespmem:$0x18C00] =	vst v63  }
0x1bd: {  	_ =	swait.ge [sflag:s15], $0x4000  }
0x1be: {  	[sflag:s15] =	ssyncset.done $0x0  }
0x1bf: {  	s29 =	rddreg [dreg:$0x11];
	[sflag:s15] =	ssyncadd.s32 $0xFFFFC000  }
0x1c0: {  	[hbm4b:s29+s2] =	stream.linear.scatter [tilespmem:s8], [sflag:$0x9], $0x4000, $0x38;
	[tilespmem:$0x18C00] =	vst v63  }
0x1c1: {  	_ =	swait.ge [sflag:s16], $0x4000  }
0x1c2: {  	[sflag:s16] =	ssyncset.done $0x0  }
0x1c3: {  	s30 =	rddreg [dreg:$0x12];
	[sflag:s16] =	ssyncadd.s32 $0xFFFFC000  }
0x1c4: {  	[hbm4b:s30+s2] =	stream.linear.scatter [tilespmem:s9], [sflag:$0xA], $0x4000, $0x38;
	[tilespmem:$0x18C00] =	vst v63  }
0x1c5: {  	_ =	swait.ge [sflag:s14], $0x4000  }
0x1c6: {  	[sflag:s14] =	ssyncset.done $0x0  }
0x1c7: {  	s31 =	rddreg [dreg:$0x13];
	[sflag:s14] =	ssyncadd.s32 $0xFFFFC000  }
0x1c8: {  	[hbm4b:s31+s2] =	stream.linear.scatter [tilespmem:s4], [sflag:$0xB], $0x4000, $0x38;
	[tilespmem:$0x18C00] =	vst v63  }
0x1c9: {  	_ =	swait.ge [sflag:s19], $0x4000  }
0x1ca: {  	[sflag:s19] =	ssyncset.done $0x0  }
0x1cb: {  	[sflag:s19] =	ssyncadd.s32 $0xFFFFC000  }
0x1cc: {  	_ =	swait.ge [sflag:s5], $0x4000  }
0x1cd: {  	[sflag:s5] =	ssyncset.done $0x0  }
0x1ce: {  	[sflag:s5] =	ssyncadd.s32 $0xFFFFC000  }
0x1cf: {  	_ =	swait.ge [sflag:s6], $0x4000  }
0x1d0: {  	[sflag:s6] =	ssyncset.done $0x0  }
0x1d1: {  	[sflag:s6] =	ssyncadd.s32 $0xFFFFC000  }
0x1d2: {  	_ =	swait.ge [sflag:s11], $0x4000  }
0x1d3: {  	[sflag:s11] =	ssyncset.done $0x0  }
0x1d4: {  	[sflag:s11] =	ssyncadd.s32 $0xFFFFC000  }
0x1d5: {  	_ =	swait.ge [sflag:s12], $0x4000  }
0x1d6: {  	[sflag:s12] =	ssyncset.done $0x0  }
0x1d7: {  	[sflag:s12] =	ssyncadd.s32 $0xFFFFC000  }
0x1d8: {  	_ =	swait.ge [sflag:s10], $0x4000  }
0x1d9: {  	[sflag:s10] =	ssyncset.done $0x0  }
0x1da: {  	[sflag:s10] =	ssyncadd.s32 $0xFFFFC000  }
0x1db: {  	_ =	sfence.sel $0x180000  }
0x1dc: {  	[bflag:$0x0] =	sbarrier.arrive $0xFFFF  }
0x1dd: {  	_ =	strace $0x90000047  }
0x1de: {  	[bflag:$0x2] =	sbarrier.arrive $0xFFFF  }
0x1df: {  	p0 =	sne.s32 s22, $0x0;
	s0 =	rddreg [dreg:$0x1]  }
0x1e0: {  	s0 =	sadd.s32 @!p0 $0x100000, s0  }
0x1e1: {  	[sflag:s0] =	ssyncadd.tile.s32 @!p0 $0x1;
	_ =	shalt  }
.LBB2_1:
.Ltmp3:
0x1e2: {  	(pc) =	sbr.rel .LBB2_6-.Ltmp3, $3  }
0x1e3: {  	_ =	sdelay $0x1  }
0x1e4: {  	s24 =	simm.s32 $0x500;
	s30 =	simm.s32 $0x580;
	s29 =	simm.s32 $0x600  }
0x1e5: {  	s28 =	simm.s32 $0x680;
	s26 =	simm.s32 $0x700;
	s25 =	simm.s32 $0x780  }
.LBB2_3:
.Ltmp4:
0x1e6: {  	(pc) =	sbr.rel .LBB2_6-.Ltmp4, $4  }
0x1e7: {  	_ = 	snop  }
0x1e8: {  	s24 =	simm.s32 $0x500  }
0x1e9: {  	s30 =	simm.s32 $0x580;
	s29 =	simm.s32 $0x600;
	s28 =	simm.s32 $0x680  }
0x1ea: {  	s26 =	simm.s32 $0x700;
	s25 =	simm.s32 $0x780;
	s22 =	stileid.u32  }
.Lfunc_end2:
_tile_overlayer_lowered:
.L_overlay_start_2:
0x1eb: {  	(tag) =	ssettag $0x2  }
0x1ec: {  	s0 =	rddreg [dreg:$0x0];
	s2 =	stileid.u32  }
0x1ed: {  	s1 =	rddreg [dreg:$0x1];
	p0 =	sne.s32 s2, $0x0  }
0x1ee: {  	s3 =	rddreg [dreg:$0x2];
	[bflag:$0x3] =	sbarrier.arrive $0xFFFF;
	s2 =	simm.s32 @!p0 $0x1C0D  }
0x1ef: {  	[timem:s3], [sflag:s2] =	dma.local @!p0 [hbm:s0], s1  }
0x1f0: {  	s0 =	simm.s32 @!p0 $0xD  }
0x1f1: {  	_ =	swait.ge @!p0 [sflag:s0], s1  }
0x1f2: {  	s1 =	ssub.s32 @!p0 $0x0, s1;
	[sflag:s0] =	ssyncset.done @!p0 $0x0  }
0x1f3: {  	[sflag:s0] =	ssyncadd.s32 @!p0 s1  }
0x1f4: {  	[bflag:$0x3] =	sbarrier.arrive $0xFFFF  }
0x1f5: {  	_ =	shalt  }

</sc_bundles>
